<compile_context>
chip_gen: v7x
topology: tpu7x:2x2x1
jax: 0.10.2.dev20260603
libtpu: 0.0.44.dev20260713+nightly
codegen_flags: <defaults>
</compile_context>

<pallas_src>
import jax
import jax.numpy as jnp
from jax import lax
from jax.experimental import pallas as pl
from jax.experimental.pallas import tpu as pltpu
from jax.experimental.pallas import tpu_sc as plsc

BATCH = 1024
MAXLEN = 200
N_FEAT = 64
BB = 128
N_FLAT = BATCH * MAXLEN
N_UNITS = N_FLAT // BB
NBUF = 2


def _emb_body(x_hbm, pe_hbm, E2_hbm, out_hbm, idx_v, rows_v, out_v, pe_v,
              sems_g, sems_w):
    info = plsc.get_sparse_core_info()
    nc, ns = info.num_cores, info.num_subcores
    nw = nc * ns
    wid = lax.axis_index("s") * nc + lax.axis_index("c")
    units_per_w = N_UNITS // nw
    ubase = wid * units_per_w

    pltpu.sync_copy(pe_hbm, pe_v)
    pltpu.sync_copy(x_hbm.at[pl.ds(ubase * BB, units_per_w * BB)], idx_v)

    def g_copies(c, u):
        cps = []
        for k in range(BB // 16):
            idx16 = idx_v[pl.ds(c * BB + k * 16, 16)]
            cps.append(pltpu.make_async_copy(
                E2_hbm.at[idx16], rows_v.at[u].at[pl.ds(k * 16, 16)],
                sems_g[u]))
        return cps

    def w_copy(c, u):
        g = ubase + c
        t = lax.shift_right_logical(g, 3)
        bb = lax.rem(g, 8)
        return pltpu.make_async_copy(
            out_v.at[u], out_hbm.at[t].at[:, pl.ds(bb * BB, BB)], sems_w[u])

    def g_start(c, u):
        for cp in g_copies(c, u):
            cp.start()

    def compute(c, u):
        g = ubase + c
        t = lax.shift_right_logical(g, 3)
        th = lax.shift_right_logical(t, 1)
        tlo = lax.rem(t, 2) * N_FEAT
        rows_b = rows_v.at[u]
        out_b = out_v.at[u]

        @plsc.parallel_loop(0, N_FEAT, step=1, unroll=4)
        def _(f):
            pe16 = plsc.load_gather(
                pe_v, [jnp.full((16,), th, jnp.int32),
                       jnp.full((16,), tlo + f, jnp.int32)])
            cols = jnp.full((16,), f, jnp.int32)
            for lg in range(BB // 16):
                rows16 = lax.iota(jnp.int32, 16) + lg * 16
                out_b[f, pl.ds(lg * 16, 16)] = (
                    plsc.load_gather(rows_b, [rows16, cols]) + pe16)

    g_start(0, 0)

    def pair(p, carry):
        for u in range(NBUF):
            c = p * NBUF + u

            @pl.when(c + 1 < units_per_w)
            def _():
                g_start(c + 1, (u + 1) % NBUF)

            for cp in g_copies(c, u):
                cp.wait()

            @pl.when(c >= NBUF)
            def _():
                w_copy(c - NBUF, u).wait()

            compute(c, u)
            w_copy(c, u).start()
        return carry

    lax.fori_loop(0, units_per_w // NBUF, pair, 0)

    for u in range(NBUF):
        c = units_per_w - NBUF + u
        w_copy(c, c % NBUF).wait()


def kernel(x, E, pe):
    pe2 = pe.reshape(MAXLEN // 2, 2 * N_FEAT)
    xf = jnp.transpose(x).reshape(N_FLAT)
    E2 = jnp.pad(E, ((0, 0), (0, N_FEAT)))
    mesh = plsc.VectorSubcoreMesh(core_axis_name="c", subcore_axis_name="s")
    f = pl.kernel(
        _emb_body,
        out_type=jax.ShapeDtypeStruct((MAXLEN, N_FEAT, BATCH), jnp.float32),
        mesh=mesh,
        compiler_params=pltpu.CompilerParams(use_tc_tiling_on_sc=True,
                                             needs_layout_passes=False),
        scratch_types=[
            pltpu.VMEM((N_FLAT // 32,), jnp.int32),
            pltpu.VMEM((NBUF, BB, 128), jnp.float32),
            pltpu.VMEM((NBUF, N_FEAT, BB), jnp.float32),
            pltpu.VMEM((MAXLEN // 2, 2 * N_FEAT), jnp.float32),
            [pltpu.SemaphoreType.DMA] * NBUF,
            [pltpu.SemaphoreType.DMA] * NBUF,
        ],
    )
    out = f(xf, pe2, E2)
    return jnp.transpose(out, (2, 0, 1))

# --- scband reference (transcript-rebuilt; emitter-appended) ---
"""Pipeline reference for scband-embeddings-36953898615181 (READ-ONLY COPY).

The authoritative reference and input builder live on the scoring server;
editing this copy changes nothing except your own understanding.
"""

import jax, jax.numpy as jnp
import numpy as np

N_VOCAB = 1000000
N_FEAT = 64
MAXLEN = 200
BATCH = 1024


def _make_pe():
    pe = np.zeros((MAXLEN, N_FEAT), dtype=np.float32)
    num = np.arange(MAXLEN, dtype=np.float32).reshape(-1, 1)
    even_idx = np.arange(0, N_FEAT)[::2].astype(np.float32)
    odd_idx = np.arange(0, N_FEAT)[1::2]
    even_den = 1.0 / (10000.0 ** (even_idx / N_FEAT))
    odd_den = 1.0 / (10000.0 ** (2.0 * (odd_idx // 2).astype(np.float32) / N_FEAT))
    pe[:, ::2] = np.sin(num * even_den)
    pe[:, 1::2] = np.cos(num * odd_den)
    return jnp.asarray(pe)[None, :, :]


def setup_inputs(seed: int = 0) -> dict:
    key = jax.random.key(seed)
    k1, k2 = jax.random.split(key)
    x = jax.random.randint(k1, (BATCH, MAXLEN), 0, N_VOCAB, dtype=jnp.int32)
    # learned embedding table (nn.Embedding default init ~ N(0,1))
    E = jax.random.normal(k2, (N_VOCAB, N_FEAT), dtype=jnp.float32)
    pe = _make_pe()
    return {"x": x, "E": E, "pe": pe}


def reference(x, E, pe):
    assert x.shape[-1] == pe.shape[-2], 'The context lengths do not match'
    emb = jnp.take(E, x, axis=0)
    return emb + pe[:, :x.shape[1], :]

if __name__ == "__main__":
    import jax
    _d = setup_inputs()
    print(jax.jit(kernel)(*tuple(_d.values())))

</pallas_src>

<mosaic_0001>
#map = affine_map<(d0, d1) -> (0)>
#map1 = affine_map<(d0, d1) -> (0, 0)>
#map2 = affine_map<(d0, d1) -> (0, 0, 0)>
module attributes {stable_mosaic.version = 14 : i64} {
  func.func @_emb_body(%arg0: i32, %arg1: i32, %arg2: memref<204800xi32, #tpu.memory_space<hbm>>, %arg3: memref<100x128xf32, #tpu.memory_space<hbm>>, %arg4: memref<1000000x128xf32, #tpu.memory_space<hbm>>, %arg5: memref<200x64x1024xf32, #tpu.memory_space<hbm>>, %arg6: memref<6400xi32, #tpu.memory_space<vmem>>, %arg7: memref<2x128x128xf32, #tpu.memory_space<vmem>>, %arg8: memref<2x64x128xf32, #tpu.memory_space<vmem>>, %arg9: memref<100x128xf32, #tpu.memory_space<vmem>>, %arg10: memref<!tpu.dma_semaphore, #tpu.memory_space<semaphore_mem>>, %arg11: memref<!tpu.dma_semaphore, #tpu.memory_space<semaphore_mem>>, %arg12: memref<!tpu.dma_semaphore, #tpu.memory_space<semaphore_mem>>, %arg13: memref<!tpu.dma_semaphore, #tpu.memory_space<semaphore_mem>>) attributes {dimension_semantics = [#tpu.dimension_semantics<core_parallel>, #tpu.dimension_semantics<subcore_parallel>], iteration_bounds = array<i64: 2, 16>, scalar_prefetch = 0 : i64, scratch_operands = 8 : i64, tpu.core_type = #tpu.core_type<sc_vector_subcore>, window_params = [{transform_indices = #map}, {transform_indices = #map1}, {transform_indices = #map1}, {transform_indices = #map2}]} {
    %mul3A = arith.constant 2 : i32
    %mul3A_0 = arith.muli %arg1, %mul3A : i32
    %add3A = arith.addi %mul3A_0, %arg0 : i32
    %mul3A_1 = arith.constant 50 : i32
    %mul3A_2 = arith.muli %add3A, %mul3A_1 : i32
    "tpu.region"() ({
      %run_scoped3A = tpu.sem_alloc : memref<!tpu.dma_semaphore, #tpu.memory_space<semaphore_mem>>
      tpu.enqueue_dma source(%arg3 : memref<100x128xf32, #tpu.memory_space<hbm>>) target(%arg9 : memref<100x128xf32, #tpu.memory_space<vmem>>) target_semaphore(%run_scoped3A : memref<!tpu.dma_semaphore, #tpu.memory_space<semaphore_mem>>)
      tpu.wait_dma2 semaphore(%run_scoped3A : memref<!tpu.dma_semaphore, #tpu.memory_space<semaphore_mem>>) src(%arg3 : memref<100x128xf32, #tpu.memory_space<hbm>>) dst(%arg9 : memref<100x128xf32, #tpu.memory_space<vmem>>)
      tpu.yield
    }) : () -> ()
    %mul3A_3 = arith.constant 128 : i32
    %mul3A_4 = arith.muli %mul3A_2, %mul3A_3 : i32
    "tpu.region"() ({
      %run_scoped3A = tpu.sem_alloc : memref<!tpu.dma_semaphore, #tpu.memory_space<semaphore_mem>>
      %dma_start3A_167 = tpu.memref_slice %arg2[%mul3A_4] : memref<204800xi32, #tpu.memory_space<hbm>> -> memref<6400xi32, #tpu.memory_space<hbm>>
      %dma_start3A_168 = tpu.memref_slice %arg2[%mul3A_4] : memref<204800xi32, #tpu.memory_space<hbm>> -> memref<6400xi32, #tpu.memory_space<hbm>>
      tpu.enqueue_dma source(%dma_start3A_168 : memref<6400xi32, #tpu.memory_space<hbm>>) target(%arg6 : memref<6400xi32, #tpu.memory_space<vmem>>) target_semaphore(%run_scoped3A : memref<!tpu.dma_semaphore, #tpu.memory_space<semaphore_mem>>)
      %dma_wait3A_169 = tpu.memref_slice %arg2[%mul3A_4] : memref<204800xi32, #tpu.memory_space<hbm>> -> memref<6400xi32, #tpu.memory_space<hbm>>
      %dma_wait3A_170 = tpu.memref_slice %arg2[%mul3A_4] : memref<204800xi32, #tpu.memory_space<hbm>> -> memref<6400xi32, #tpu.memory_space<hbm>>
      tpu.wait_dma2 semaphore(%run_scoped3A : memref<!tpu.dma_semaphore, #tpu.memory_space<semaphore_mem>>) src(%dma_wait3A_170 : memref<6400xi32, #tpu.memory_space<hbm>>) dst(%arg6 : memref<6400xi32, #tpu.memory_space<vmem>>)
      tpu.yield
    }) : () -> ()
    %get3A = arith.constant 0 : index
    %get3A_5 = tpu.vector_load %arg6[%get3A] {strides = array<i32>} : memref<6400xi32, #tpu.memory_space<vmem>>, vector<16xi32>,
    %get3A_6 = arith.constant 16 : index
    %get3A_7 = tpu.vector_load %arg6[%get3A_6] {strides = array<i32>} : memref<6400xi32, #tpu.memory_space<vmem>>, vector<16xi32>,
    %get3A_8 = arith.constant 32 : index
    %get3A_9 = tpu.vector_load %arg6[%get3A_8] {strides = array<i32>} : memref<6400xi32, #tpu.memory_space<vmem>>, vector<16xi32>,
    %get3A_10 = arith.constant 48 : index
    %get3A_11 = tpu.vector_load %arg6[%get3A_10] {strides = array<i32>} : memref<6400xi32, #tpu.memory_space<vmem>>, vector<16xi32>,
    %get3A_12 = arith.constant 64 : index
    %get3A_13 = tpu.vector_load %arg6[%get3A_12] {strides = array<i32>} : memref<6400xi32, #tpu.memory_space<vmem>>, vector<16xi32>,
    %get3A_14 = arith.constant 80 : index
    %get3A_15 = tpu.vector_load %arg6[%get3A_14] {strides = array<i32>} : memref<6400xi32, #tpu.memory_space<vmem>>, vector<16xi32>,
    %get3A_16 = arith.constant 96 : index
    %get3A_17 = tpu.vector_load %arg6[%get3A_16] {strides = array<i32>} : memref<6400xi32, #tpu.memory_space<vmem>>, vector<16xi32>,
    %get3A_18 = arith.constant 112 : index
    %get3A_19 = tpu.vector_load %arg6[%get3A_18] {strides = array<i32>} : memref<6400xi32, #tpu.memory_space<vmem>>, vector<16xi32>,
    %dma_start3A = arith.constant 0 : i32
    %dma_start3A_20 = arith.constant 0 : i32
    %dma_start3A_21 = arith.constant 0 : i32
    %dma_start3A_22 = tpu.memref_slice %arg7[%dma_start3A, %dma_start3A_20, %dma_start3A_21] : memref<2x128x128xf32, #tpu.memory_space<vmem>> -> memref<1x128x128xf32, #tpu.memory_space<vmem>>
    %dma_start3A_23 = tpu.memref_squeeze %dma_start3A_22 : memref<1x128x128xf32, #tpu.memory_space<vmem>> -> memref<128x128xf32, #tpu.memory_space<vmem>>
    %dma_start3A_24 = arith.constant 0 : i32
    %dma_start3A_25 = arith.constant 0 : i32
    %dma_start3A_26 = tpu.memref_slice %dma_start3A_23[%dma_start3A_24, %dma_start3A_25] : memref<128x128xf32, #tpu.memory_space<vmem>> -> memref<16x128xf32, #tpu.memory_space<vmem>>
    %dma_start3A_27 = arith.constant 0 : i32
    %dma_start3A_28 = arith.constant 0 : i32
    %dma_start3A_29 = tpu.memref_slice %arg4[%dma_start3A_27, %dma_start3A_28] : memref<1000000x128xf32, #tpu.memory_space<hbm>> -> memref<1000000x128xf32, #tpu.memory_space<hbm>>
    tpu.enqueue_indirect_dma source(%dma_start3A_29 : memref<1000000x128xf32, #tpu.memory_space<hbm>>) target(%dma_start3A_26 : memref<16x128xf32, #tpu.memory_space<vmem>>) offsets(%get3A_5 : vector<16xi32>) semaphore(%arg10 : memref<!tpu.dma_semaphore, #tpu.memory_space<semaphore_mem>>)
    %dma_start3A_30 = arith.constant 0 : i32
    %dma_start3A_31 = arith.constant 0 : i32
    %dma_start3A_32 = arith.constant 0 : i32
    %dma_start3A_33 = tpu.memref_slice %arg7[%dma_start3A_30, %dma_start3A_31, %dma_start3A_32] : memref<2x128x128xf32, #tpu.memory_space<vmem>> -> memref<1x128x128xf32, #tpu.memory_space<vmem>>
    %dma_start3A_34 = tpu.memref_squeeze %dma_start3A_33 : memref<1x128x128xf32, #tpu.memory_space<vmem>> -> memref<128x128xf32, #tpu.memory_space<vmem>>
    %dma_start3A_35 = arith.constant 16 : i32
    %dma_start3A_36 = arith.constant 0 : i32
    %dma_start3A_37 = tpu.memref_slice %dma_start3A_34[%dma_start3A_35, %dma_start3A_36] : memref<128x128xf32, #tpu.memory_space<vmem>> -> memref<16x128xf32, #tpu.memory_space<vmem>>
    %dma_start3A_38 = arith.constant 0 : i32
    %dma_start3A_39 = arith.constant 0 : i32
    %dma_start3A_40 = tpu.memref_slice %arg4[%dma_start3A_38, %dma_start3A_39] : memref<1000000x128xf32, #tpu.memory_space<hbm>> -> memref<1000000x128xf32, #tpu.memory_space<hbm>>
    tpu.enqueue_indirect_dma source(%dma_start3A_40 : memref<1000000x128xf32, #tpu.memory_space<hbm>>) target(%dma_start3A_37 : memref<16x128xf32, #tpu.memory_space<vmem>>) offsets(%get3A_7 : vector<16xi32>) semaphore(%arg10 : memref<!tpu.dma_semaphore, #tpu.memory_space<semaphore_mem>>)
    %dma_start3A_41 = arith.constant 0 : i32
    %dma_start3A_42 = arith.constant 0 : i32
    %dma_start3A_43 = arith.constant 0 : i32
    %dma_start3A_44 = tpu.memref_slice %arg7[%dma_start3A_41, %dma_start3A_42, %dma_start3A_43] : memref<2x128x128xf32, #tpu.memory_space<vmem>> -> memref<1x128x128xf32, #tpu.memory_space<vmem>>
    %dma_start3A_45 = tpu.memref_squeeze %dma_start3A_44 : memref<1x128x128xf32, #tpu.memory_space<vmem>> -> memref<128x128xf32, #tpu.memory_space<vmem>>
    %dma_start3A_46 = arith.constant 32 : i32
    %dma_start3A_47 = arith.constant 0 : i32
    %dma_start3A_48 = tpu.memref_slice %dma_start3A_45[%dma_start3A_46, %dma_start3A_47] : memref<128x128xf32, #tpu.memory_space<vmem>> -> memref<16x128xf32, #tpu.memory_space<vmem>>
    %dma_start3A_49 = arith.constant 0 : i32
    %dma_start3A_50 = arith.constant 0 : i32
    %dma_start3A_51 = tpu.memref_slice %arg4[%dma_start3A_49, %dma_start3A_50] : memref<1000000x128xf32, #tpu.memory_space<hbm>> -> memref<1000000x128xf32, #tpu.memory_space<hbm>>
    tpu.enqueue_indirect_dma source(%dma_start3A_51 : memref<1000000x128xf32, #tpu.memory_space<hbm>>) target(%dma_start3A_48 : memref<16x128xf32, #tpu.memory_space<vmem>>) offsets(%get3A_9 : vector<16xi32>) semaphore(%arg10 : memref<!tpu.dma_semaphore, #tpu.memory_space<semaphore_mem>>)
    %dma_start3A_52 = arith.constant 0 : i32
    %dma_start3A_53 = arith.constant 0 : i32
    %dma_start3A_54 = arith.constant 0 : i32
    %dma_start3A_55 = tpu.memref_slice %arg7[%dma_start3A_52, %dma_start3A_53, %dma_start3A_54] : memref<2x128x128xf32, #tpu.memory_space<vmem>> -> memref<1x128x128xf32, #tpu.memory_space<vmem>>
    %dma_start3A_56 = tpu.memref_squeeze %dma_start3A_55 : memref<1x128x128xf32, #tpu.memory_space<vmem>> -> memref<128x128xf32, #tpu.memory_space<vmem>>
    %dma_start3A_57 = arith.constant 48 : i32
    %dma_start3A_58 = arith.constant 0 : i32
    %dma_start3A_59 = tpu.memref_slice %dma_start3A_56[%dma_start3A_57, %dma_start3A_58] : memref<128x128xf32, #tpu.memory_space<vmem>> -> memref<16x128xf32, #tpu.memory_space<vmem>>
    %dma_start3A_60 = arith.constant 0 : i32
    %dma_start3A_61 = arith.constant 0 : i32
    %dma_start3A_62 = tpu.memref_slice %arg4[%dma_start3A_60, %dma_start3A_61] : memref<1000000x128xf32, #tpu.memory_space<hbm>> -> memref<1000000x128xf32, #tpu.memory_space<hbm>>
    tpu.enqueue_indirect_dma source(%dma_start3A_62 : memref<1000000x128xf32, #tpu.memory_space<hbm>>) target(%dma_start3A_59 : memref<16x128xf32, #tpu.memory_space<vmem>>) offsets(%get3A_11 : vector<16xi32>) semaphore(%arg10 : memref<!tpu.dma_semaphore, #tpu.memory_space<semaphore_mem>>)
    %dma_start3A_63 = arith.constant 0 : i32
    %dma_start3A_64 = arith.constant 0 : i32
    %dma_start3A_65 = arith.constant 0 : i32
    %dma_start3A_66 = tpu.memref_slice %arg7[%dma_start3A_63, %dma_start3A_64, %dma_start3A_65] : memref<2x128x128xf32, #tpu.memory_space<vmem>> -> memref<1x128x128xf32, #tpu.memory_space<vmem>>
    %dma_start3A_67 = tpu.memref_squeeze %dma_start3A_66 : memref<1x128x128xf32, #tpu.memory_space<vmem>> -> memref<128x128xf32, #tpu.memory_space<vmem>>
    %dma_start3A_68 = arith.constant 64 : i32
    %dma_start3A_69 = arith.constant 0 : i32
    %dma_start3A_70 = tpu.memref_slice %dma_start3A_67[%dma_start3A_68, %dma_start3A_69] : memref<128x128xf32, #tpu.memory_space<vmem>> -> memref<16x128xf32, #tpu.memory_space<vmem>>
    %dma_start3A_71 = arith.constant 0 : i32
    %dma_start3A_72 = arith.constant 0 : i32
    %dma_start3A_73 = tpu.memref_slice %arg4[%dma_start3A_71, %dma_start3A_72] : memref<1000000x128xf32, #tpu.memory_space<hbm>> -> memref<1000000x128xf32, #tpu.memory_space<hbm>>
    tpu.enqueue_indirect_dma source(%dma_start3A_73 : memref<1000000x128xf32, #tpu.memory_space<hbm>>) target(%dma_start3A_70 : memref<16x128xf32, #tpu.memory_space<vmem>>) offsets(%get3A_13 : vector<16xi32>) semaphore(%arg10 : memref<!tpu.dma_semaphore, #tpu.memory_space<semaphore_mem>>)
    %dma_start3A_74 = arith.constant 0 : i32
    %dma_start3A_75 = arith.constant 0 : i32
    %dma_start3A_76 = arith.constant 0 : i32
    %dma_start3A_77 = tpu.memref_slice %arg7[%dma_start3A_74, %dma_start3A_75, %dma_start3A_76] : memref<2x128x128xf32, #tpu.memory_space<vmem>> -> memref<1x128x128xf32, #tpu.memory_space<vmem>>
    %dma_start3A_78 = tpu.memref_squeeze %dma_start3A_77 : memref<1x128x128xf32, #tpu.memory_space<vmem>> -> memref<128x128xf32, #tpu.memory_space<vmem>>
    %dma_start3A_79 = arith.constant 80 : i32
    %dma_start3A_80 = arith.constant 0 : i32
    %dma_start3A_81 = tpu.memref_slice %dma_start3A_78[%dma_start3A_79, %dma_start3A_80] : memref<128x128xf32, #tpu.memory_space<vmem>> -> memref<16x128xf32, #tpu.memory_space<vmem>>
    %dma_start3A_82 = arith.constant 0 : i32
    %dma_start3A_83 = arith.constant 0 : i32
    %dma_start3A_84 = tpu.memref_slice %arg4[%dma_start3A_82, %dma_start3A_83] : memref<1000000x128xf32, #tpu.memory_space<hbm>> -> memref<1000000x128xf32, #tpu.memory_space<hbm>>
    tpu.enqueue_indirect_dma source(%dma_start3A_84 : memref<1000000x128xf32, #tpu.memory_space<hbm>>) target(%dma_start3A_81 : memref<16x128xf32, #tpu.memory_space<vmem>>) offsets(%get3A_15 : vector<16xi32>) semaphore(%arg10 : memref<!tpu.dma_semaphore, #tpu.memory_space<semaphore_mem>>)
    %dma_start3A_85 = arith.constant 0 : i32
    %dma_start3A_86 = arith.constant 0 : i32
    %dma_start3A_87 = arith.constant 0 : i32
    %dma_start3A_88 = tpu.memref_slice %arg7[%dma_start3A_85, %dma_start3A_86, %dma_start3A_87] : memref<2x128x128xf32, #tpu.memory_space<vmem>> -> memref<1x128x128xf32, #tpu.memory_space<vmem>>
    %dma_start3A_89 = tpu.memref_squeeze %dma_start3A_88 : memref<1x128x128xf32, #tpu.memory_space<vmem>> -> memref<128x128xf32, #tpu.memory_space<vmem>>
    %dma_start3A_90 = arith.constant 96 : i32
    %dma_start3A_91 = arith.constant 0 : i32
    %dma_start3A_92 = tpu.memref_slice %dma_start3A_89[%dma_start3A_90, %dma_start3A_91] : memref<128x128xf32, #tpu.memory_space<vmem>> -> memref<16x128xf32, #tpu.memory_space<vmem>>
    %dma_start3A_93 = arith.constant 0 : i32
    %dma_start3A_94 = arith.constant 0 : i32
    %dma_start3A_95 = tpu.memref_slice %arg4[%dma_start3A_93, %dma_start3A_94] : memref<1000000x128xf32, #tpu.memory_space<hbm>> -> memref<1000000x128xf32, #tpu.memory_space<hbm>>
    tpu.enqueue_indirect_dma source(%dma_start3A_95 : memref<1000000x128xf32, #tpu.memory_space<hbm>>) target(%dma_start3A_92 : memref<16x128xf32, #tpu.memory_space<vmem>>) offsets(%get3A_17 : vector<16xi32>) semaphore(%arg10 : memref<!tpu.dma_semaphore, #tpu.memory_space<semaphore_mem>>)
    %dma_start3A_96 = arith.constant 0 : i32
    %dma_start3A_97 = arith.constant 0 : i32
    %dma_start3A_98 = arith.constant 0 : i32
    %dma_start3A_99 = tpu.memref_slice %arg7[%dma_start3A_96, %dma_start3A_97, %dma_start3A_98] : memref<2x128x128xf32, #tpu.memory_space<vmem>> -> memref<1x128x128xf32, #tpu.memory_space<vmem>>
    %dma_start3A_100 = tpu.memref_squeeze %dma_start3A_99 : memref<1x128x128xf32, #tpu.memory_space<vmem>> -> memref<128x128xf32, #tpu.memory_space<vmem>>
    %dma_start3A_101 = arith.constant 112 : i32
    %dma_start3A_102 = arith.constant 0 : i32
    %dma_start3A_103 = tpu.memref_slice %dma_start3A_100[%dma_start3A_101, %dma_start3A_102] : memref<128x128xf32, #tpu.memory_space<vmem>> -> memref<16x128xf32, #tpu.memory_space<vmem>>
    %dma_start3A_104 = arith.constant 0 : i32
    %dma_start3A_105 = arith.constant 0 : i32
    %dma_start3A_106 = tpu.memref_slice %arg4[%dma_start3A_104, %dma_start3A_105] : memref<1000000x128xf32, #tpu.memory_space<hbm>> -> memref<1000000x128xf32, #tpu.memory_space<hbm>>
    tpu.enqueue_indirect_dma source(%dma_start3A_106 : memref<1000000x128xf32, #tpu.memory_space<hbm>>) target(%dma_start3A_103 : memref<16x128xf32, #tpu.memory_space<vmem>>) offsets(%get3A_19 : vector<16xi32>) semaphore(%arg10 : memref<!tpu.dma_semaphore, #tpu.memory_space<semaphore_mem>>)
    %scan3A = arith.constant 0 : i32
    %scan3A_107 = arith.constant 0 : i32
    %scan3A_108 = arith.constant 25 : i32
    %scan3A_109 = arith.addi %scan3A_107, %scan3A_108 : i32
    %scan3A_110 = arith.constant 1 : i32
    scf.for %scan3A_167 = %scan3A_107 to %scan3A_109 step %scan3A_110  : i32 {
      %mul3A_168 = arith.constant 2 : i32
      %mul3A_169 = arith.muli %scan3A_167, %mul3A_168 : i32
      %add3A_170 = arith.constant 0 : i32
      %add3A_171 = arith.addi %mul3A_169, %add3A_170 : i32
      %add3A_172 = arith.constant 1 : i32
      %add3A_173 = arith.addi %add3A_171, %add3A_172 : i32
      %lt3A = arith.constant 50 : i32
      %lt3A_174 = arith.cmpi slt, %add3A_173, %lt3A : i32
      %convert_element_type3A = arith.extui %lt3A_174 : i1 to i32
      %cond3A = arith.constant 0 : i32
      %cond3A_175 = arith.cmpi ne, %convert_element_type3A, %cond3A : i32
      scf.if %cond3A_175 {
        %add3A_551 = arith.constant 1 : i32
        %add3A_552 = arith.addi %add3A_171, %add3A_551 : i32
        %mul3A_553 = arith.constant 128 : i32
        %mul3A_554 = arith.muli %add3A_552, %mul3A_553 : i32
        %add3A_555 = arith.constant 0 : i32
        %add3A_556 = arith.addi %mul3A_554, %add3A_555 : i32
        %get3A_557 = arith.index_cast %add3A_556 : i32 to index
        %get3A_558 = tpu.vector_load %arg6[%get3A_557] {strides = array<i32>} : memref<6400xi32, #tpu.memory_space<vmem>>, vector<16xi32>,
        %mul3A_559 = arith.constant 128 : i32
        %mul3A_560 = arith.muli %add3A_552, %mul3A_559 : i32
        %add3A_561 = arith.constant 16 : i32
        %add3A_562 = arith.addi %mul3A_560, %add3A_561 : i32
        %get3A_563 = arith.index_cast %add3A_562 : i32 to index
        %get3A_564 = tpu.vector_load %arg6[%get3A_563] {strides = array<i32>} : memref<6400xi32, #tpu.memory_space<vmem>>, vector<16xi32>,
        %mul3A_565 = arith.constant 128 : i32
        %mul3A_566 = arith.muli %add3A_552, %mul3A_565 : i32
        %add3A_567 = arith.constant 32 : i32
        %add3A_568 = arith.addi %mul3A_566, %add3A_567 : i32
        %get3A_569 = arith.index_cast %add3A_568 : i32 to index
        %get3A_570 = tpu.vector_load %arg6[%get3A_569] {strides = array<i32>} : memref<6400xi32, #tpu.memory_space<vmem>>, vector<16xi32>,
        %mul3A_571 = arith.constant 128 : i32
        %mul3A_572 = arith.muli %add3A_552, %mul3A_571 : i32
        %add3A_573 = arith.constant 48 : i32
        %add3A_574 = arith.addi %mul3A_572, %add3A_573 : i32
        %get3A_575 = arith.index_cast %add3A_574 : i32 to index
        %get3A_576 = tpu.vector_load %arg6[%get3A_575] {strides = array<i32>} : memref<6400xi32, #tpu.memory_space<vmem>>, vector<16xi32>,
        %mul3A_577 = arith.constant 128 : i32
        %mul3A_578 = arith.muli %add3A_552, %mul3A_577 : i32
        %add3A_579 = arith.constant 64 : i32
        %add3A_580 = arith.addi %mul3A_578, %add3A_579 : i32
        %get3A_581 = arith.index_cast %add3A_580 : i32 to index
        %get3A_582 = tpu.vector_load %arg6[%get3A_581] {strides = array<i32>} : memref<6400xi32, #tpu.memory_space<vmem>>, vector<16xi32>,
        %mul3A_583 = arith.constant 128 : i32
        %mul3A_584 = arith.muli %add3A_552, %mul3A_583 : i32
        %add3A_585 = arith.constant 80 : i32
        %add3A_586 = arith.addi %mul3A_584, %add3A_585 : i32
        %get3A_587 = arith.index_cast %add3A_586 : i32 to index
        %get3A_588 = tpu.vector_load %arg6[%get3A_587] {strides = array<i32>} : memref<6400xi32, #tpu.memory_space<vmem>>, vector<16xi32>,
        %mul3A_589 = arith.constant 128 : i32
        %mul3A_590 = arith.muli %add3A_552, %mul3A_589 : i32
        %add3A_591 = arith.constant 96 : i32
        %add3A_592 = arith.addi %mul3A_590, %add3A_591 : i32
        %get3A_593 = arith.index_cast %add3A_592 : i32 to index
        %get3A_594 = tpu.vector_load %arg6[%get3A_593] {strides = array<i32>} : memref<6400xi32, #tpu.memory_space<vmem>>, vector<16xi32>,
        %mul3A_595 = arith.constant 128 : i32
        %mul3A_596 = arith.muli %add3A_552, %mul3A_595 : i32
        %add3A_597 = arith.constant 112 : i32
        %add3A_598 = arith.addi %mul3A_596, %add3A_597 : i32
        %get3A_599 = arith.index_cast %add3A_598 : i32 to index
        %get3A_600 = tpu.vector_load %arg6[%get3A_599] {strides = array<i32>} : memref<6400xi32, #tpu.memory_space<vmem>>, vector<16xi32>,
        %dma_start3A_601 = arith.constant 1 : i32
        %dma_start3A_602 = arith.constant 0 : i32
        %dma_start3A_603 = arith.constant 0 : i32
        %dma_start3A_604 = tpu.memref_slice %arg7[%dma_start3A_601, %dma_start3A_602, %dma_start3A_603] : memref<2x128x128xf32, #tpu.memory_space<vmem>> -> memref<1x128x128xf32, #tpu.memory_space<vmem>>
        %dma_start3A_605 = tpu.memref_squeeze %dma_start3A_604 : memref<1x128x128xf32, #tpu.memory_space<vmem>> -> memref<128x128xf32, #tpu.memory_space<vmem>>
        %dma_start3A_606 = arith.constant 0 : i32
        %dma_start3A_607 = arith.constant 0 : i32
        %dma_start3A_608 = tpu.memref_slice %dma_start3A_605[%dma_start3A_606, %dma_start3A_607] : memref<128x128xf32, #tpu.memory_space<vmem>> -> memref<16x128xf32, #tpu.memory_space<vmem>>
        %dma_start3A_609 = arith.constant 0 : i32
        %dma_start3A_610 = arith.constant 0 : i32
        %dma_start3A_611 = tpu.memref_slice %arg4[%dma_start3A_609, %dma_start3A_610] : memref<1000000x128xf32, #tpu.memory_space<hbm>> -> memref<1000000x128xf32, #tpu.memory_space<hbm>>
        tpu.enqueue_indirect_dma source(%dma_start3A_611 : memref<1000000x128xf32, #tpu.memory_space<hbm>>) target(%dma_start3A_608 : memref<16x128xf32, #tpu.memory_space<vmem>>) offsets(%get3A_558 : vector<16xi32>) semaphore(%arg11 : memref<!tpu.dma_semaphore, #tpu.memory_space<semaphore_mem>>)
        %dma_start3A_612 = arith.constant 1 : i32
        %dma_start3A_613 = arith.constant 0 : i32
        %dma_start3A_614 = arith.constant 0 : i32
        %dma_start3A_615 = tpu.memref_slice %arg7[%dma_start3A_612, %dma_start3A_613, %dma_start3A_614] : memref<2x128x128xf32, #tpu.memory_space<vmem>> -> memref<1x128x128xf32, #tpu.memory_space<vmem>>
        %dma_start3A_616 = tpu.memref_squeeze %dma_start3A_615 : memref<1x128x128xf32, #tpu.memory_space<vmem>> -> memref<128x128xf32, #tpu.memory_space<vmem>>
        %dma_start3A_617 = arith.constant 16 : i32
        %dma_start3A_618 = arith.constant 0 : i32
        %dma_start3A_619 = tpu.memref_slice %dma_start3A_616[%dma_start3A_617, %dma_start3A_618] : memref<128x128xf32, #tpu.memory_space<vmem>> -> memref<16x128xf32, #tpu.memory_space<vmem>>
        %dma_start3A_620 = arith.constant 0 : i32
        %dma_start3A_621 = arith.constant 0 : i32
        %dma_start3A_622 = tpu.memref_slice %arg4[%dma_start3A_620, %dma_start3A_621] : memref<1000000x128xf32, #tpu.memory_space<hbm>> -> memref<1000000x128xf32, #tpu.memory_space<hbm>>
        tpu.enqueue_indirect_dma source(%dma_start3A_622 : memref<1000000x128xf32, #tpu.memory_space<hbm>>) target(%dma_start3A_619 : memref<16x128xf32, #tpu.memory_space<vmem>>) offsets(%get3A_564 : vector<16xi32>) semaphore(%arg11 : memref<!tpu.dma_semaphore, #tpu.memory_space<semaphore_mem>>)
        %dma_start3A_623 = arith.constant 1 : i32
        %dma_start3A_624 = arith.constant 0 : i32
        %dma_start3A_625 = arith.constant 0 : i32
        %dma_start3A_626 = tpu.memref_slice %arg7[%dma_start3A_623, %dma_start3A_624, %dma_start3A_625] : memref<2x128x128xf32, #tpu.memory_space<vmem>> -> memref<1x128x128xf32, #tpu.memory_space<vmem>>
        %dma_start3A_627 = tpu.memref_squeeze %dma_start3A_626 : memref<1x128x128xf32, #tpu.memory_space<vmem>> -> memref<128x128xf32, #tpu.memory_space<vmem>>
        %dma_start3A_628 = arith.constant 32 : i32
        %dma_start3A_629 = arith.constant 0 : i32
        %dma_start3A_630 = tpu.memref_slice %dma_start3A_627[%dma_start3A_628, %dma_start3A_629] : memref<128x128xf32, #tpu.memory_space<vmem>> -> memref<16x128xf32, #tpu.memory_space<vmem>>
        %dma_start3A_631 = arith.constant 0 : i32
        %dma_start3A_632 = arith.constant 0 : i32
        %dma_start3A_633 = tpu.memref_slice %arg4[%dma_start3A_631, %dma_start3A_632] : memref<1000000x128xf32, #tpu.memory_space<hbm>> -> memref<1000000x128xf32, #tpu.memory_space<hbm>>
        tpu.enqueue_indirect_dma source(%dma_start3A_633 : memref<1000000x128xf32, #tpu.memory_space<hbm>>) target(%dma_start3A_630 : memref<16x128xf32, #tpu.memory_space<vmem>>) offsets(%get3A_570 : vector<16xi32>) semaphore(%arg11 : memref<!tpu.dma_semaphore, #tpu.memory_space<semaphore_mem>>)
        %dma_start3A_634 = arith.constant 1 : i32
        %dma_start3A_635 = arith.constant 0 : i32
        %dma_start3A_636 = arith.constant 0 : i32
        %dma_start3A_637 = tpu.memref_slice %arg7[%dma_start3A_634, %dma_start3A_635, %dma_start3A_636] : memref<2x128x128xf32, #tpu.memory_space<vmem>> -> memref<1x128x128xf32, #tpu.memory_space<vmem>>
        %dma_start3A_638 = tpu.memref_squeeze %dma_start3A_637 : memref<1x128x128xf32, #tpu.memory_space<vmem>> -> memref<128x128xf32, #tpu.memory_space<vmem>>
        %dma_start3A_639 = arith.constant 48 : i32
        %dma_start3A_640 = arith.constant 0 : i32
        %dma_start3A_641 = tpu.memref_slice %dma_start3A_638[%dma_start3A_639, %dma_start3A_640] : memref<128x128xf32, #tpu.memory_space<vmem>> -> memref<16x128xf32, #tpu.memory_space<vmem>>
        %dma_start3A_642 = arith.constant 0 : i32
        %dma_start3A_643 = arith.constant 0 : i32
        %dma_start3A_644 = tpu.memref_slice %arg4[%dma_start3A_642, %dma_start3A_643] : memref<1000000x128xf32, #tpu.memory_space<hbm>> -> memref<1000000x128xf32, #tpu.memory_space<hbm>>
        tpu.enqueue_indirect_dma source(%dma_start3A_644 : memref<1000000x128xf32, #tpu.memory_space<hbm>>) target(%dma_start3A_641 : memref<16x128xf32, #tpu.memory_space<vmem>>) offsets(%get3A_576 : vector<16xi32>) semaphore(%arg11 : memref<!tpu.dma_semaphore, #tpu.memory_space<semaphore_mem>>)
        %dma_start3A_645 = arith.constant 1 : i32
        %dma_start3A_646 = arith.constant 0 : i32
        %dma_start3A_647 = arith.constant 0 : i32
        %dma_start3A_648 = tpu.memref_slice %arg7[%dma_start3A_645, %dma_start3A_646, %dma_start3A_647] : memref<2x128x128xf32, #tpu.memory_space<vmem>> -> memref<1x128x128xf32, #tpu.memory_space<vmem>>
        %dma_start3A_649 = tpu.memref_squeeze %dma_start3A_648 : memref<1x128x128xf32, #tpu.memory_space<vmem>> -> memref<128x128xf32, #tpu.memory_space<vmem>>
        %dma_start3A_650 = arith.constant 64 : i32
        %dma_start3A_651 = arith.constant 0 : i32
        %dma_start3A_652 = tpu.memref_slice %dma_start3A_649[%dma_start3A_650, %dma_start3A_651] : memref<128x128xf32, #tpu.memory_space<vmem>> -> memref<16x128xf32, #tpu.memory_space<vmem>>
        %dma_start3A_653 = arith.constant 0 : i32
        %dma_start3A_654 = arith.constant 0 : i32
        %dma_start3A_655 = tpu.memref_slice %arg4[%dma_start3A_653, %dma_start3A_654] : memref<1000000x128xf32, #tpu.memory_space<hbm>> -> memref<1000000x128xf32, #tpu.memory_space<hbm>>
        tpu.enqueue_indirect_dma source(%dma_start3A_655 : memref<1000000x128xf32, #tpu.memory_space<hbm>>) target(%dma_start3A_652 : memref<16x128xf32, #tpu.memory_space<vmem>>) offsets(%get3A_582 : vector<16xi32>) semaphore(%arg11 : memref<!tpu.dma_semaphore, #tpu.memory_space<semaphore_mem>>)
        %dma_start3A_656 = arith.constant 1 : i32
        %dma_start3A_657 = arith.constant 0 : i32
        %dma_start3A_658 = arith.constant 0 : i32
        %dma_start3A_659 = tpu.memref_slice %arg7[%dma_start3A_656, %dma_start3A_657, %dma_start3A_658] : memref<2x128x128xf32, #tpu.memory_space<vmem>> -> memref<1x128x128xf32, #tpu.memory_space<vmem>>
        %dma_start3A_660 = tpu.memref_squeeze %dma_start3A_659 : memref<1x128x128xf32, #tpu.memory_space<vmem>> -> memref<128x128xf32, #tpu.memory_space<vmem>>
        %dma_start3A_661 = arith.constant 80 : i32
        %dma_start3A_662 = arith.constant 0 : i32
        %dma_start3A_663 = tpu.memref_slice %dma_start3A_660[%dma_start3A_661, %dma_start3A_662] : memref<128x128xf32, #tpu.memory_space<vmem>> -> memref<16x128xf32, #tpu.memory_space<vmem>>
        %dma_start3A_664 = arith.constant 0 : i32
        %dma_start3A_665 = arith.constant 0 : i32
        %dma_start3A_666 = tpu.memref_slice %arg4[%dma_start3A_664, %dma_start3A_665] : memref<1000000x128xf32, #tpu.memory_space<hbm>> -> memref<1000000x128xf32, #tpu.memory_space<hbm>>
        tpu.enqueue_indirect_dma source(%dma_start3A_666 : memref<1000000x128xf32, #tpu.memory_space<hbm>>) target(%dma_start3A_663 : memref<16x128xf32, #tpu.memory_space<vmem>>) offsets(%get3A_588 : vector<16xi32>) semaphore(%arg11 : memref<!tpu.dma_semaphore, #tpu.memory_space<semaphore_mem>>)
        %dma_start3A_667 = arith.constant 1 : i32
        %dma_start3A_668 = arith.constant 0 : i32
        %dma_start3A_669 = arith.constant 0 : i32
        %dma_start3A_670 = tpu.memref_slice %arg7[%dma_start3A_667, %dma_start3A_668, %dma_start3A_669] : memref<2x128x128xf32, #tpu.memory_space<vmem>> -> memref<1x128x128xf32, #tpu.memory_space<vmem>>
        %dma_start3A_671 = tpu.memref_squeeze %dma_start3A_670 : memref<1x128x128xf32, #tpu.memory_space<vmem>> -> memref<128x128xf32, #tpu.memory_space<vmem>>
        %dma_start3A_672 = arith.constant 96 : i32
        %dma_start3A_673 = arith.constant 0 : i32
        %dma_start3A_674 = tpu.memref_slice %dma_start3A_671[%dma_start3A_672, %dma_start3A_673] : memref<128x128xf32, #tpu.memory_space<vmem>> -> memref<16x128xf32, #tpu.memory_space<vmem>>
        %dma_start3A_675 = arith.constant 0 : i32
        %dma_start3A_676 = arith.constant 0 : i32
        %dma_start3A_677 = tpu.memref_slice %arg4[%dma_start3A_675, %dma_start3A_676] : memref<1000000x128xf32, #tpu.memory_space<hbm>> -> memref<1000000x128xf32, #tpu.memory_space<hbm>>
        tpu.enqueue_indirect_dma source(%dma_start3A_677 : memref<1000000x128xf32, #tpu.memory_space<hbm>>) target(%dma_start3A_674 : memref<16x128xf32, #tpu.memory_space<vmem>>) offsets(%get3A_594 : vector<16xi32>) semaphore(%arg11 : memref<!tpu.dma_semaphore, #tpu.memory_space<semaphore_mem>>)
        %dma_start3A_678 = arith.constant 1 : i32
        %dma_start3A_679 = arith.constant 0 : i32
        %dma_start3A_680 = arith.constant 0 : i32
        %dma_start3A_681 = tpu.memref_slice %arg7[%dma_start3A_678, %dma_start3A_679, %dma_start3A_680] : memref<2x128x128xf32, #tpu.memory_space<vmem>> -> memref<1x128x128xf32, #tpu.memory_space<vmem>>
        %dma_start3A_682 = tpu.memref_squeeze %dma_start3A_681 : memref<1x128x128xf32, #tpu.memory_space<vmem>> -> memref<128x128xf32, #tpu.memory_space<vmem>>
        %dma_start3A_683 = arith.constant 112 : i32
        %dma_start3A_684 = arith.constant 0 : i32
        %dma_start3A_685 = tpu.memref_slice %dma_start3A_682[%dma_start3A_683, %dma_start3A_684] : memref<128x128xf32, #tpu.memory_space<vmem>> -> memref<16x128xf32, #tpu.memory_space<vmem>>
        %dma_start3A_686 = arith.constant 0 : i32
        %dma_start3A_687 = arith.constant 0 : i32
        %dma_start3A_688 = tpu.memref_slice %arg4[%dma_start3A_686, %dma_start3A_687] : memref<1000000x128xf32, #tpu.memory_space<hbm>> -> memref<1000000x128xf32, #tpu.memory_space<hbm>>
        tpu.enqueue_indirect_dma source(%dma_start3A_688 : memref<1000000x128xf32, #tpu.memory_space<hbm>>) target(%dma_start3A_685 : memref<16x128xf32, #tpu.memory_space<vmem>>) offsets(%get3A_600 : vector<16xi32>) semaphore(%arg11 : memref<!tpu.dma_semaphore, #tpu.memory_space<semaphore_mem>>)
      } else {
      }
      %mul3A_176 = arith.constant 128 : i32
      %mul3A_177 = arith.muli %add3A_171, %mul3A_176 : i32
      %add3A_178 = arith.constant 0 : i32
      %add3A_179 = arith.addi %mul3A_177, %add3A_178 : i32
      %get3A_180 = arith.index_cast %add3A_179 : i32 to index
      %get3A_181 = tpu.vector_load %arg6[%get3A_180] {strides = array<i32>} : memref<6400xi32, #tpu.memory_space<vmem>>, vector<16xi32>,
      %mul3A_182 = arith.constant 128 : i32
      %mul3A_183 = arith.muli %add3A_171, %mul3A_182 : i32
      %add3A_184 = arith.constant 16 : i32
      %add3A_185 = arith.addi %mul3A_183, %add3A_184 : i32
      %get3A_186 = arith.index_cast %add3A_185 : i32 to index
      %get3A_187 = tpu.vector_load %arg6[%get3A_186] {strides = array<i32>} : memref<6400xi32, #tpu.memory_space<vmem>>, vector<16xi32>,
      %mul3A_188 = arith.constant 128 : i32
      %mul3A_189 = arith.muli %add3A_171, %mul3A_188 : i32
      %add3A_190 = arith.constant 32 : i32
      %add3A_191 = arith.addi %mul3A_189, %add3A_190 : i32
      %get3A_192 = arith.index_cast %add3A_191 : i32 to index
      %get3A_193 = tpu.vector_load %arg6[%get3A_192] {strides = array<i32>} : memref<6400xi32, #tpu.memory_space<vmem>>, vector<16xi32>,
      %mul3A_194 = arith.constant 128 : i32
      %mul3A_195 = arith.muli %add3A_171, %mul3A_194 : i32
      %add3A_196 = arith.constant 48 : i32
      %add3A_197 = arith.addi %mul3A_195, %add3A_196 : i32
      %get3A_198 = arith.index_cast %add3A_197 : i32 to index
      %get3A_199 = tpu.vector_load %arg6[%get3A_198] {strides = array<i32>} : memref<6400xi32, #tpu.memory_space<vmem>>, vector<16xi32>,
      %mul3A_200 = arith.constant 128 : i32
      %mul3A_201 = arith.muli %add3A_171, %mul3A_200 : i32
      %add3A_202 = arith.constant 64 : i32
      %add3A_203 = arith.addi %mul3A_201, %add3A_202 : i32
      %get3A_204 = arith.index_cast %add3A_203 : i32 to index
      %get3A_205 = tpu.vector_load %arg6[%get3A_204] {strides = array<i32>} : memref<6400xi32, #tpu.memory_space<vmem>>, vector<16xi32>,
      %mul3A_206 = arith.constant 128 : i32
      %mul3A_207 = arith.muli %add3A_171, %mul3A_206 : i32
      %add3A_208 = arith.constant 80 : i32
      %add3A_209 = arith.addi %mul3A_207, %add3A_208 : i32
      %get3A_210 = arith.index_cast %add3A_209 : i32 to index
      %get3A_211 = tpu.vector_load %arg6[%get3A_210] {strides = array<i32>} : memref<6400xi32, #tpu.memory_space<vmem>>, vector<16xi32>,
      %mul3A_212 = arith.constant 128 : i32
      %mul3A_213 = arith.muli %add3A_171, %mul3A_212 : i32
      %add3A_214 = arith.constant 96 : i32
      %add3A_215 = arith.addi %mul3A_213, %add3A_214 : i32
      %get3A_216 = arith.index_cast %add3A_215 : i32 to index
      %get3A_217 = tpu.vector_load %arg6[%get3A_216] {strides = array<i32>} : memref<6400xi32, #tpu.memory_space<vmem>>, vector<16xi32>,
      %mul3A_218 = arith.constant 128 : i32
      %mul3A_219 = arith.muli %add3A_171, %mul3A_218 : i32
      %add3A_220 = arith.constant 112 : i32
      %add3A_221 = arith.addi %mul3A_219, %add3A_220 : i32
      %get3A_222 = arith.index_cast %add3A_221 : i32 to index
      %get3A_223 = tpu.vector_load %arg6[%get3A_222] {strides = array<i32>} : memref<6400xi32, #tpu.memory_space<vmem>>, vector<16xi32>,
      %dma_wait3A_224 = arith.constant 0 : i32
      %dma_wait3A_225 = arith.constant 0 : i32
      %dma_wait3A_226 = arith.constant 0 : i32
      %dma_wait3A_227 = tpu.memref_slice %arg7[%dma_wait3A_224, %dma_wait3A_225, %dma_wait3A_226] : memref<2x128x128xf32, #tpu.memory_space<vmem>> -> memref<1x128x128xf32, #tpu.memory_space<vmem>>
      %dma_wait3A_228 = tpu.memref_squeeze %dma_wait3A_227 : memref<1x128x128xf32, #tpu.memory_space<vmem>> -> memref<128x128xf32, #tpu.memory_space<vmem>>
      %dma_wait3A_229 = arith.constant 0 : i32
      %dma_wait3A_230 = arith.constant 0 : i32
      %dma_wait3A_231 = tpu.memref_slice %dma_wait3A_228[%dma_wait3A_229, %dma_wait3A_230] : memref<128x128xf32, #tpu.memory_space<vmem>> -> memref<16x128xf32, #tpu.memory_space<vmem>>
      %dma_wait3A_232 = arith.constant 0 : i32
      %dma_wait3A_233 = arith.constant 0 : i32
      %dma_wait3A_234 = tpu.memref_slice %arg4[%dma_wait3A_232, %dma_wait3A_233] : memref<1000000x128xf32, #tpu.memory_space<hbm>> -> memref<1000000x128xf32, #tpu.memory_space<hbm>>
      tpu.wait_indirect_dma semaphore(%arg10 : memref<!tpu.dma_semaphore, #tpu.memory_space<semaphore_mem>>) src(%dma_wait3A_234 : memref<1000000x128xf32, #tpu.memory_space<hbm>>) dst(%dma_wait3A_231 : memref<16x128xf32, #tpu.memory_space<vmem>>)
      %dma_wait3A_235 = arith.constant 0 : i32
      %dma_wait3A_236 = arith.constant 0 : i32
      %dma_wait3A_237 = arith.constant 0 : i32
      %dma_wait3A_238 = tpu.memref_slice %arg7[%dma_wait3A_235, %dma_wait3A_236, %dma_wait3A_237] : memref<2x128x128xf32, #tpu.memory_space<vmem>> -> memref<1x128x128xf32, #tpu.memory_space<vmem>>
      %dma_wait3A_239 = tpu.memref_squeeze %dma_wait3A_238 : memref<1x128x128xf32, #tpu.memory_space<vmem>> -> memref<128x128xf32, #tpu.memory_space<vmem>>
      %dma_wait3A_240 = arith.constant 16 : i32
      %dma_wait3A_241 = arith.constant 0 : i32
      %dma_wait3A_242 = tpu.memref_slice %dma_wait3A_239[%dma_wait3A_240, %dma_wait3A_241] : memref<128x128xf32, #tpu.memory_space<vmem>> -> memref<16x128xf32, #tpu.memory_space<vmem>>
      %dma_wait3A_243 = arith.constant 0 : i32
      %dma_wait3A_244 = arith.constant 0 : i32
      %dma_wait3A_245 = tpu.memref_slice %arg4[%dma_wait3A_243, %dma_wait3A_244] : memref<1000000x128xf32, #tpu.memory_space<hbm>> -> memref<1000000x128xf32, #tpu.memory_space<hbm>>
      tpu.wait_indirect_dma semaphore(%arg10 : memref<!tpu.dma_semaphore, #tpu.memory_space<semaphore_mem>>) src(%dma_wait3A_245 : memref<1000000x128xf32, #tpu.memory_space<hbm>>) dst(%dma_wait3A_242 : memref<16x128xf32, #tpu.memory_space<vmem>>)
      %dma_wait3A_246 = arith.constant 0 : i32
      %dma_wait3A_247 = arith.constant 0 : i32
      %dma_wait3A_248 = arith.constant 0 : i32
      %dma_wait3A_249 = tpu.memref_slice %arg7[%dma_wait3A_246, %dma_wait3A_247, %dma_wait3A_248] : memref<2x128x128xf32, #tpu.memory_space<vmem>> -> memref<1x128x128xf32, #tpu.memory_space<vmem>>
      %dma_wait3A_250 = tpu.memref_squeeze %dma_wait3A_249 : memref<1x128x128xf32, #tpu.memory_space<vmem>> -> memref<128x128xf32, #tpu.memory_space<vmem>>
      %dma_wait3A_251 = arith.constant 32 : i32
      %dma_wait3A_252 = arith.constant 0 : i32
      %dma_wait3A_253 = tpu.memref_slice %dma_wait3A_250[%dma_wait3A_251, %dma_wait3A_252] : memref<128x128xf32, #tpu.memory_space<vmem>> -> memref<16x128xf32, #tpu.memory_space<vmem>>
      %dma_wait3A_254 = arith.constant 0 : i32
      %dma_wait3A_255 = arith.constant 0 : i32
      %dma_wait3A_256 = tpu.memref_slice %arg4[%dma_wait3A_254, %dma_wait3A_255] : memref<1000000x128xf32, #tpu.memory_space<hbm>> -> memref<1000000x128xf32, #tpu.memory_space<hbm>>
      tpu.wait_indirect_dma semaphore(%arg10 : memref<!tpu.dma_semaphore, #tpu.memory_space<semaphore_mem>>) src(%dma_wait3A_256 : memref<1000000x128xf32, #tpu.memory_space<hbm>>) dst(%dma_wait3A_253 : memref<16x128xf32, #tpu.memory_space<vmem>>)
      %dma_wait3A_257 = arith.constant 0 : i32
      %dma_wait3A_258 = arith.constant 0 : i32
      %dma_wait3A_259 = arith.constant 0 : i32
      %dma_wait3A_260 = tpu.memref_slice %arg7[%dma_wait3A_257, %dma_wait3A_258, %dma_wait3A_259] : memref<2x128x128xf32, #tpu.memory_space<vmem>> -> memref<1x128x128xf32, #tpu.memory_space<vmem>>
      %dma_wait3A_261 = tpu.memref_squeeze %dma_wait3A_260 : memref<1x128x128xf32, #tpu.memory_space<vmem>> -> memref<128x128xf32, #tpu.memory_space<vmem>>
      %dma_wait3A_262 = arith.constant 48 : i32
      %dma_wait3A_263 = arith.constant 0 : i32
      %dma_wait3A_264 = tpu.memref_slice %dma_wait3A_261[%dma_wait3A_262, %dma_wait3A_263] : memref<128x128xf32, #tpu.memory_space<vmem>> -> memref<16x128xf32, #tpu.memory_space<vmem>>
      %dma_wait3A_265 = arith.constant 0 : i32
      %dma_wait3A_266 = arith.constant 0 : i32
      %dma_wait3A_267 = tpu.memref_slice %arg4[%dma_wait3A_265, %dma_wait3A_266] : memref<1000000x128xf32, #tpu.memory_space<hbm>> -> memref<1000000x128xf32, #tpu.memory_space<hbm>>
      tpu.wait_indirect_dma semaphore(%arg10 : memref<!tpu.dma_semaphore, #tpu.memory_space<semaphore_mem>>) src(%dma_wait3A_267 : memref<1000000x128xf32, #tpu.memory_space<hbm>>) dst(%dma_wait3A_264 : memref<16x128xf32, #tpu.memory_space<vmem>>)
      %dma_wait3A_268 = arith.constant 0 : i32
      %dma_wait3A_269 = arith.constant 0 : i32
      %dma_wait3A_270 = arith.constant 0 : i32
      %dma_wait3A_271 = tpu.memref_slice %arg7[%dma_wait3A_268, %dma_wait3A_269, %dma_wait3A_270] : memref<2x128x128xf32, #tpu.memory_space<vmem>> -> memref<1x128x128xf32, #tpu.memory_space<vmem>>
      %dma_wait3A_272 = tpu.memref_squeeze %dma_wait3A_271 : memref<1x128x128xf32, #tpu.memory_space<vmem>> -> memref<128x128xf32, #tpu.memory_space<vmem>>
      %dma_wait3A_273 = arith.constant 64 : i32
      %dma_wait3A_274 = arith.constant 0 : i32
      %dma_wait3A_275 = tpu.memref_slice %dma_wait3A_272[%dma_wait3A_273, %dma_wait3A_274] : memref<128x128xf32, #tpu.memory_space<vmem>> -> memref<16x128xf32, #tpu.memory_space<vmem>>
      %dma_wait3A_276 = arith.constant 0 : i32
      %dma_wait3A_277 = arith.constant 0 : i32
      %dma_wait3A_278 = tpu.memref_slice %arg4[%dma_wait3A_276, %dma_wait3A_277] : memref<1000000x128xf32, #tpu.memory_space<hbm>> -> memref<1000000x128xf32, #tpu.memory_space<hbm>>
      tpu.wait_indirect_dma semaphore(%arg10 : memref<!tpu.dma_semaphore, #tpu.memory_space<semaphore_mem>>) src(%dma_wait3A_278 : memref<1000000x128xf32, #tpu.memory_space<hbm>>) dst(%dma_wait3A_275 : memref<16x128xf32, #tpu.memory_space<vmem>>)
      %dma_wait3A_279 = arith.constant 0 : i32
      %dma_wait3A_280 = arith.constant 0 : i32
      %dma_wait3A_281 = arith.constant 0 : i32
      %dma_wait3A_282 = tpu.memref_slice %arg7[%dma_wait3A_279, %dma_wait3A_280, %dma_wait3A_281] : memref<2x128x128xf32, #tpu.memory_space<vmem>> -> memref<1x128x128xf32, #tpu.memory_space<vmem>>
      %dma_wait3A_283 = tpu.memref_squeeze %dma_wait3A_282 : memref<1x128x128xf32, #tpu.memory_space<vmem>> -> memref<128x128xf32, #tpu.memory_space<vmem>>
      %dma_wait3A_284 = arith.constant 80 : i32
      %dma_wait3A_285 = arith.constant 0 : i32
      %dma_wait3A_286 = tpu.memref_slice %dma_wait3A_283[%dma_wait3A_284, %dma_wait3A_285] : memref<128x128xf32, #tpu.memory_space<vmem>> -> memref<16x128xf32, #tpu.memory_space<vmem>>
      %dma_wait3A_287 = arith.constant 0 : i32
      %dma_wait3A_288 = arith.constant 0 : i32
      %dma_wait3A_289 = tpu.memref_slice %arg4[%dma_wait3A_287, %dma_wait3A_288] : memref<1000000x128xf32, #tpu.memory_space<hbm>> -> memref<1000000x128xf32, #tpu.memory_space<hbm>>
      tpu.wait_indirect_dma semaphore(%arg10 : memref<!tpu.dma_semaphore, #tpu.memory_space<semaphore_mem>>) src(%dma_wait3A_289 : memref<1000000x128xf32, #tpu.memory_space<hbm>>) dst(%dma_wait3A_286 : memref<16x128xf32, #tpu.memory_space<vmem>>)
      %dma_wait3A_290 = arith.constant 0 : i32
      %dma_wait3A_291 = arith.constant 0 : i32
      %dma_wait3A_292 = arith.constant 0 : i32
      %dma_wait3A_293 = tpu.memref_slice %arg7[%dma_wait3A_290, %dma_wait3A_291, %dma_wait3A_292] : memref<2x128x128xf32, #tpu.memory_space<vmem>> -> memref<1x128x128xf32, #tpu.memory_space<vmem>>
      %dma_wait3A_294 = tpu.memref_squeeze %dma_wait3A_293 : memref<1x128x128xf32, #tpu.memory_space<vmem>> -> memref<128x128xf32, #tpu.memory_space<vmem>>
      %dma_wait3A_295 = arith.constant 96 : i32
      %dma_wait3A_296 = arith.constant 0 : i32
      %dma_wait3A_297 = tpu.memref_slice %dma_wait3A_294[%dma_wait3A_295, %dma_wait3A_296] : memref<128x128xf32, #tpu.memory_space<vmem>> -> memref<16x128xf32, #tpu.memory_space<vmem>>
      %dma_wait3A_298 = arith.constant 0 : i32
      %dma_wait3A_299 = arith.constant 0 : i32
      %dma_wait3A_300 = tpu.memref_slice %arg4[%dma_wait3A_298, %dma_wait3A_299] : memref<1000000x128xf32, #tpu.memory_space<hbm>> -> memref<1000000x128xf32, #tpu.memory_space<hbm>>
      tpu.wait_indirect_dma semaphore(%arg10 : memref<!tpu.dma_semaphore, #tpu.memory_space<semaphore_mem>>) src(%dma_wait3A_300 : memref<1000000x128xf32, #tpu.memory_space<hbm>>) dst(%dma_wait3A_297 : memref<16x128xf32, #tpu.memory_space<vmem>>)
      %dma_wait3A_301 = arith.constant 0 : i32
      %dma_wait3A_302 = arith.constant 0 : i32
      %dma_wait3A_303 = arith.constant 0 : i32
      %dma_wait3A_304 = tpu.memref_slice %arg7[%dma_wait3A_301, %dma_wait3A_302, %dma_wait3A_303] : memref<2x128x128xf32, #tpu.memory_space<vmem>> -> memref<1x128x128xf32, #tpu.memory_space<vmem>>
      %dma_wait3A_305 = tpu.memref_squeeze %dma_wait3A_304 : memref<1x128x128xf32, #tpu.memory_space<vmem>> -> memref<128x128xf32, #tpu.memory_space<vmem>>
      %dma_wait3A_306 = arith.constant 112 : i32
      %dma_wait3A_307 = arith.constant 0 : i32
      %dma_wait3A_308 = tpu.memref_slice %dma_wait3A_305[%dma_wait3A_306, %dma_wait3A_307] : memref<128x128xf32, #tpu.memory_space<vmem>> -> memref<16x128xf32, #tpu.memory_space<vmem>>
      %dma_wait3A_309 = arith.constant 0 : i32
      %dma_wait3A_310 = arith.constant 0 : i32
      %dma_wait3A_311 = tpu.memref_slice %arg4[%dma_wait3A_309, %dma_wait3A_310] : memref<1000000x128xf32, #tpu.memory_space<hbm>> -> memref<1000000x128xf32, #tpu.memory_space<hbm>>
      tpu.wait_indirect_dma semaphore(%arg10 : memref<!tpu.dma_semaphore, #tpu.memory_space<semaphore_mem>>) src(%dma_wait3A_311 : memref<1000000x128xf32, #tpu.memory_space<hbm>>) dst(%dma_wait3A_308 : memref<16x128xf32, #tpu.memory_space<vmem>>)
      %ge3A = arith.constant 2 : i32
      %ge3A_312 = arith.cmpi sge, %add3A_171, %ge3A : i32
      %convert_element_type3A_313 = arith.extui %ge3A_312 : i1 to i32
      %cond3A_314 = arith.constant 0 : i32
      %cond3A_315 = arith.cmpi ne, %convert_element_type3A_313, %cond3A_314 : i32
      scf.if %cond3A_315 {
        %sub3A = arith.constant 2 : i32
        %sub3A_551 = arith.subi %add3A_171, %sub3A : i32
        %add3A_552 = arith.addi %mul3A_2, %sub3A_551 : i32
        %shift_right_logical3A_553 = arith.constant 3 : i32
        %shift_right_logical3A_554 = arith.shrui %add3A_552, %shift_right_logical3A_553 : i32
        %rem3A_555 = arith.constant 8 : i32
        %rem3A_556 = arith.remsi %add3A_552, %rem3A_555 : i32
        %mul3A_557 = arith.constant 128 : i32
        %mul3A_558 = arith.muli %rem3A_556, %mul3A_557 : i32
        %dma_wait3A_559 = arith.constant 0 : i32
        %dma_wait3A_560 = arith.constant 0 : i32
        %dma_wait3A_561 = arith.constant 0 : i32
        %dma_wait3A_562 = tpu.memref_slice %arg8[%dma_wait3A_559, %dma_wait3A_560, %dma_wait3A_561] : memref<2x64x128xf32, #tpu.memory_space<vmem>> -> memref<1x64x128xf32, #tpu.memory_space<vmem>>
        %dma_wait3A_563 = tpu.memref_squeeze %dma_wait3A_562 : memref<1x64x128xf32, #tpu.memory_space<vmem>> -> memref<64x128xf32, #tpu.memory_space<vmem>>
        %dma_wait3A_564 = arith.constant 0 : i32
        %dma_wait3A_565 = arith.constant 0 : i32
        %dma_wait3A_566 = tpu.memref_slice %arg5[%shift_right_logical3A_554, %dma_wait3A_564, %dma_wait3A_565] : memref<200x64x1024xf32, #tpu.memory_space<hbm>> -> memref<1x64x1024xf32, #tpu.memory_space<hbm>>
        %dma_wait3A_567 = tpu.memref_squeeze %dma_wait3A_566 : memref<1x64x1024xf32, #tpu.memory_space<hbm>> -> memref<64x1024xf32, #tpu.memory_space<hbm>>
        %dma_wait3A_568 = arith.constant 0 : i32
        %dma_wait3A_569 = tpu.memref_slice %dma_wait3A_567[%dma_wait3A_568, %mul3A_558] : memref<64x1024xf32, #tpu.memory_space<hbm>> -> memref<64x128xf32, #tpu.memory_space<hbm>>
        %dma_wait3A_570 = arith.constant 0 : i32
        %dma_wait3A_571 = arith.constant 0 : i32
        %dma_wait3A_572 = tpu.memref_slice %arg5[%shift_right_logical3A_554, %dma_wait3A_570, %dma_wait3A_571] : memref<200x64x1024xf32, #tpu.memory_space<hbm>> -> memref<1x64x1024xf32, #tpu.memory_space<hbm>>
        %dma_wait3A_573 = tpu.memref_squeeze %dma_wait3A_572 : memref<1x64x1024xf32, #tpu.memory_space<hbm>> -> memref<64x1024xf32, #tpu.memory_space<hbm>>
        %dma_wait3A_574 = arith.constant 0 : i32
        %dma_wait3A_575 = tpu.memref_slice %dma_wait3A_573[%dma_wait3A_574, %mul3A_558] : memref<64x1024xf32, #tpu.memory_space<hbm>> -> memref<64x128xf32, #tpu.memory_space<hbm>>
        %dma_wait3A_576 = arith.constant 0 : i32
        %dma_wait3A_577 = arith.constant 0 : i32
        %dma_wait3A_578 = tpu.memref_slice %arg8[%dma_wait3A_559, %dma_wait3A_576, %dma_wait3A_577] : memref<2x64x128xf32, #tpu.memory_space<vmem>> -> memref<1x64x128xf32, #tpu.memory_space<vmem>>
        %dma_wait3A_579 = tpu.memref_squeeze %dma_wait3A_578 : memref<1x64x128xf32, #tpu.memory_space<vmem>> -> memref<64x128xf32, #tpu.memory_space<vmem>>
        tpu.wait_dma2 semaphore(%arg12 : memref<!tpu.dma_semaphore, #tpu.memory_space<semaphore_mem>>) src(%dma_wait3A_579 : memref<64x128xf32, #tpu.memory_space<vmem>>) dst(%dma_wait3A_575 : memref<64x128xf32, #tpu.memory_space<hbm>>)
      } else {
      }
      %add3A_316 = arith.addi %mul3A_2, %add3A_171 : i32
      %shift_right_logical3A_317 = arith.constant 3 : i32
      %shift_right_logical3A_318 = arith.shrui %add3A_316, %shift_right_logical3A_317 : i32
      %shift_right_logical3A_319 = arith.constant 1 : i32
      %shift_right_logical3A_320 = arith.shrui %shift_right_logical3A_318, %shift_right_logical3A_319 : i32
      %rem3A_321 = arith.constant 2 : i32
      %rem3A_322 = arith.remsi %shift_right_logical3A_318, %rem3A_321 : i32
      %mul3A_323 = arith.constant 64 : i32
      %mul3A_324 = arith.muli %rem3A_322, %mul3A_323 : i32
      %parallel_loop3A = arith.constant 0 : i32
      %parallel_loop3A_325 = arith.constant 64 : i32
      %parallel_loop3A_326 = arith.constant 1 : i32
      %parallel_loop3A_327 = arith.constant 0 : i32
      %parallel_loop3A_328 = arith.constant 0 : i32
      scf.for %parallel_loop3A_551 = %parallel_loop3A to %parallel_loop3A_325 step %parallel_loop3A_326  : i32 {
        %parallel_loop3A_552 = vector.broadcast %shift_right_logical3A_320 : i32 to vector<16xi32>
        %parallel_loop3A_553 = arith.addi %mul3A_324, %parallel_loop3A_551 : i32
        %parallel_loop3A_554 = vector.broadcast %parallel_loop3A_553 : i32 to vector<16xi32>
        %parallel_loop3A_555 = tpu.vector_load_idx %arg9[%parallel_loop3A_552, %parallel_loop3A_554] : memref<100x128xf32, #tpu.memory_space<vmem>>[vector<16xi32>, vector<16xi32>], vector<16xf32>,
        %parallel_loop3A_556 = vector.broadcast %parallel_loop3A_551 : i32 to vector<16xi32>
        %parallel_loop3A_557 = tpu.iota {dimensions = array<i32: 0>} : vector<16xi32>
        %parallel_loop3A_558 = arith.constant 0 : i32
        %parallel_loop3A_559 = vector.broadcast %parallel_loop3A_558 : i32 to vector<16xi32>
        %parallel_loop3A_560 = arith.addi %parallel_loop3A_557, %parallel_loop3A_559 : vector<16xi32>
        %parallel_loop3A_561 = arith.constant 0 : i32
        %parallel_loop3A_562 = arith.constant 0 : i32
        %parallel_loop3A_563 = tpu.memref_slice %arg7[%parallel_loop3A_327, %parallel_loop3A_561, %parallel_loop3A_562] : memref<2x128x128xf32, #tpu.memory_space<vmem>> -> memref<1x128x128xf32, #tpu.memory_space<vmem>>
        %parallel_loop3A_564 = tpu.memref_squeeze %parallel_loop3A_563 : memref<1x128x128xf32, #tpu.memory_space<vmem>> -> memref<128x128xf32, #tpu.memory_space<vmem>>
        %parallel_loop3A_565 = tpu.vector_load_idx %parallel_loop3A_564[%parallel_loop3A_560, %parallel_loop3A_556] : memref<128x128xf32, #tpu.memory_space<vmem>>[vector<16xi32>, vector<16xi32>], vector<16xf32>,
        %parallel_loop3A_566 = arith.addf %parallel_loop3A_565, %parallel_loop3A_555 : vector<16xf32>
        %parallel_loop3A_567 = arith.constant 0 : i32
        %parallel_loop3A_568 = arith.constant 0 : i32
        %parallel_loop3A_569 = tpu.memref_slice %arg8[%parallel_loop3A_328, %parallel_loop3A_567, %parallel_loop3A_568] : memref<2x64x128xf32, #tpu.memory_space<vmem>> -> memref<1x64x128xf32, #tpu.memory_space<vmem>>
        %parallel_loop3A_570 = tpu.memref_squeeze %parallel_loop3A_569 : memref<1x64x128xf32, #tpu.memory_space<vmem>> -> memref<64x128xf32, #tpu.memory_space<vmem>>
        %parallel_loop3A_571 = arith.index_cast %parallel_loop3A_551 : i32 to index
        %parallel_loop3A_572 = arith.constant 0 : index
        %parallel_loop3A_573 = tpu.vector_load %parallel_loop3A_570[%parallel_loop3A_571, %parallel_loop3A_572] {strides = array<i32>} : memref<64x128xf32, #tpu.memory_space<vmem>>, vector<16xf32>,
        tpu.vector_store %parallel_loop3A_570[%parallel_loop3A_571, %parallel_loop3A_572], %parallel_loop3A_566 {strides = array<i32>} : memref<64x128xf32, #tpu.memory_space<vmem>>, vector<16xf32>,
        %parallel_loop3A_574 = tpu.iota {dimensions = array<i32: 0>} : vector<16xi32>
        %parallel_loop3A_575 = arith.constant 16 : i32
        %parallel_loop3A_576 = vector.broadcast %parallel_loop3A_575 : i32 to vector<16xi32>
        %parallel_loop3A_577 = arith.addi %parallel_loop3A_574, %parallel_loop3A_576 : vector<16xi32>
        %parallel_loop3A_578 = arith.constant 0 : i32
        %parallel_loop3A_579 = arith.constant 0 : i32
        %parallel_loop3A_580 = tpu.memref_slice %arg7[%parallel_loop3A_327, %parallel_loop3A_578, %parallel_loop3A_579] : memref<2x128x128xf32, #tpu.memory_space<vmem>> -> memref<1x128x128xf32, #tpu.memory_space<vmem>>
        %parallel_loop3A_581 = tpu.memref_squeeze %parallel_loop3A_580 : memref<1x128x128xf32, #tpu.memory_space<vmem>> -> memref<128x128xf32, #tpu.memory_space<vmem>>
        %parallel_loop3A_582 = tpu.vector_load_idx %parallel_loop3A_581[%parallel_loop3A_577, %parallel_loop3A_556] : memref<128x128xf32, #tpu.memory_space<vmem>>[vector<16xi32>, vector<16xi32>], vector<16xf32>,
        %parallel_loop3A_583 = arith.addf %parallel_loop3A_582, %parallel_loop3A_555 : vector<16xf32>
        %parallel_loop3A_584 = arith.constant 0 : i32
        %parallel_loop3A_585 = arith.constant 0 : i32
        %parallel_loop3A_586 = tpu.memref_slice %arg8[%parallel_loop3A_328, %parallel_loop3A_584, %parallel_loop3A_585] : memref<2x64x128xf32, #tpu.memory_space<vmem>> -> memref<1x64x128xf32, #tpu.memory_space<vmem>>
        %parallel_loop3A_587 = tpu.memref_squeeze %parallel_loop3A_586 : memref<1x64x128xf32, #tpu.memory_space<vmem>> -> memref<64x128xf32, #tpu.memory_space<vmem>>
        %parallel_loop3A_588 = arith.index_cast %parallel_loop3A_551 : i32 to index
        %parallel_loop3A_589 = arith.constant 16 : index
        %parallel_loop3A_590 = tpu.vector_load %parallel_loop3A_587[%parallel_loop3A_588, %parallel_loop3A_589] {strides = array<i32>} : memref<64x128xf32, #tpu.memory_space<vmem>>, vector<16xf32>,
        tpu.vector_store %parallel_loop3A_587[%parallel_loop3A_588, %parallel_loop3A_589], %parallel_loop3A_583 {strides = array<i32>} : memref<64x128xf32, #tpu.memory_space<vmem>>, vector<16xf32>,
        %parallel_loop3A_591 = tpu.iota {dimensions = array<i32: 0>} : vector<16xi32>
        %parallel_loop3A_592 = arith.constant 32 : i32
        %parallel_loop3A_593 = vector.broadcast %parallel_loop3A_592 : i32 to vector<16xi32>
        %parallel_loop3A_594 = arith.addi %parallel_loop3A_591, %parallel_loop3A_593 : vector<16xi32>
        %parallel_loop3A_595 = arith.constant 0 : i32
        %parallel_loop3A_596 = arith.constant 0 : i32
        %parallel_loop3A_597 = tpu.memref_slice %arg7[%parallel_loop3A_327, %parallel_loop3A_595, %parallel_loop3A_596] : memref<2x128x128xf32, #tpu.memory_space<vmem>> -> memref<1x128x128xf32, #tpu.memory_space<vmem>>
        %parallel_loop3A_598 = tpu.memref_squeeze %parallel_loop3A_597 : memref<1x128x128xf32, #tpu.memory_space<vmem>> -> memref<128x128xf32, #tpu.memory_space<vmem>>
        %parallel_loop3A_599 = tpu.vector_load_idx %parallel_loop3A_598[%parallel_loop3A_594, %parallel_loop3A_556] : memref<128x128xf32, #tpu.memory_space<vmem>>[vector<16xi32>, vector<16xi32>], vector<16xf32>,
        %parallel_loop3A_600 = arith.addf %parallel_loop3A_599, %parallel_loop3A_555 : vector<16xf32>
        %parallel_loop3A_601 = arith.constant 0 : i32
        %parallel_loop3A_602 = arith.constant 0 : i32
        %parallel_loop3A_603 = tpu.memref_slice %arg8[%parallel_loop3A_328, %parallel_loop3A_601, %parallel_loop3A_602] : memref<2x64x128xf32, #tpu.memory_space<vmem>> -> memref<1x64x128xf32, #tpu.memory_space<vmem>>
        %parallel_loop3A_604 = tpu.memref_squeeze %parallel_loop3A_603 : memref<1x64x128xf32, #tpu.memory_space<vmem>> -> memref<64x128xf32, #tpu.memory_space<vmem>>
        %parallel_loop3A_605 = arith.index_cast %parallel_loop3A_551 : i32 to index
        %parallel_loop3A_606 = arith.constant 32 : index
        %parallel_loop3A_607 = tpu.vector_load %parallel_loop3A_604[%parallel_loop3A_605, %parallel_loop3A_606] {strides = array<i32>} : memref<64x128xf32, #tpu.memory_space<vmem>>, vector<16xf32>,
        tpu.vector_store %parallel_loop3A_604[%parallel_loop3A_605, %parallel_loop3A_606], %parallel_loop3A_600 {strides = array<i32>} : memref<64x128xf32, #tpu.memory_space<vmem>>, vector<16xf32>,
        %parallel_loop3A_608 = tpu.iota {dimensions = array<i32: 0>} : vector<16xi32>
        %parallel_loop3A_609 = arith.constant 48 : i32
        %parallel_loop3A_610 = vector.broadcast %parallel_loop3A_609 : i32 to vector<16xi32>
        %parallel_loop3A_611 = arith.addi %parallel_loop3A_608, %parallel_loop3A_610 : vector<16xi32>
        %parallel_loop3A_612 = arith.constant 0 : i32
        %parallel_loop3A_613 = arith.constant 0 : i32
        %parallel_loop3A_614 = tpu.memref_slice %arg7[%parallel_loop3A_327, %parallel_loop3A_612, %parallel_loop3A_613] : memref<2x128x128xf32, #tpu.memory_space<vmem>> -> memref<1x128x128xf32, #tpu.memory_space<vmem>>
        %parallel_loop3A_615 = tpu.memref_squeeze %parallel_loop3A_614 : memref<1x128x128xf32, #tpu.memory_space<vmem>> -> memref<128x128xf32, #tpu.memory_space<vmem>>
        %parallel_loop3A_616 = tpu.vector_load_idx %parallel_loop3A_615[%parallel_loop3A_611, %parallel_loop3A_556] : memref<128x128xf32, #tpu.memory_space<vmem>>[vector<16xi32>, vector<16xi32>], vector<16xf32>,
        %parallel_loop3A_617 = arith.addf %parallel_loop3A_616, %parallel_loop3A_555 : vector<16xf32>
        %parallel_loop3A_618 = arith.constant 0 : i32
        %parallel_loop3A_619 = arith.constant 0 : i32
        %parallel_loop3A_620 = tpu.memref_slice %arg8[%parallel_loop3A_328, %parallel_loop3A_618, %parallel_loop3A_619] : memref<2x64x128xf32, #tpu.memory_space<vmem>> -> memref<1x64x128xf32, #tpu.memory_space<vmem>>
        %parallel_loop3A_621 = tpu.memref_squeeze %parallel_loop3A_620 : memref<1x64x128xf32, #tpu.memory_space<vmem>> -> memref<64x128xf32, #tpu.memory_space<vmem>>
        %parallel_loop3A_622 = arith.index_cast %parallel_loop3A_551 : i32 to index
        %parallel_loop3A_623 = arith.constant 48 : index
        %parallel_loop3A_624 = tpu.vector_load %parallel_loop3A_621[%parallel_loop3A_622, %parallel_loop3A_623] {strides = array<i32>} : memref<64x128xf32, #tpu.memory_space<vmem>>, vector<16xf32>,
        tpu.vector_store %parallel_loop3A_621[%parallel_loop3A_622, %parallel_loop3A_623], %parallel_loop3A_617 {strides = array<i32>} : memref<64x128xf32, #tpu.memory_space<vmem>>, vector<16xf32>,
        %parallel_loop3A_625 = tpu.iota {dimensions = array<i32: 0>} : vector<16xi32>
        %parallel_loop3A_626 = arith.constant 64 : i32
        %parallel_loop3A_627 = vector.broadcast %parallel_loop3A_626 : i32 to vector<16xi32>
        %parallel_loop3A_628 = arith.addi %parallel_loop3A_625, %parallel_loop3A_627 : vector<16xi32>
        %parallel_loop3A_629 = arith.constant 0 : i32
        %parallel_loop3A_630 = arith.constant 0 : i32
        %parallel_loop3A_631 = tpu.memref_slice %arg7[%parallel_loop3A_327, %parallel_loop3A_629, %parallel_loop3A_630] : memref<2x128x128xf32, #tpu.memory_space<vmem>> -> memref<1x128x128xf32, #tpu.memory_space<vmem>>
        %parallel_loop3A_632 = tpu.memref_squeeze %parallel_loop3A_631 : memref<1x128x128xf32, #tpu.memory_space<vmem>> -> memref<128x128xf32, #tpu.memory_space<vmem>>
        %parallel_loop3A_633 = tpu.vector_load_idx %parallel_loop3A_632[%parallel_loop3A_628, %parallel_loop3A_556] : memref<128x128xf32, #tpu.memory_space<vmem>>[vector<16xi32>, vector<16xi32>], vector<16xf32>,
        %parallel_loop3A_634 = arith.addf %parallel_loop3A_633, %parallel_loop3A_555 : vector<16xf32>
        %parallel_loop3A_635 = arith.constant 0 : i32
        %parallel_loop3A_636 = arith.constant 0 : i32
        %parallel_loop3A_637 = tpu.memref_slice %arg8[%parallel_loop3A_328, %parallel_loop3A_635, %parallel_loop3A_636] : memref<2x64x128xf32, #tpu.memory_space<vmem>> -> memref<1x64x128xf32, #tpu.memory_space<vmem>>
        %parallel_loop3A_638 = tpu.memref_squeeze %parallel_loop3A_637 : memref<1x64x128xf32, #tpu.memory_space<vmem>> -> memref<64x128xf32, #tpu.memory_space<vmem>>
        %parallel_loop3A_639 = arith.index_cast %parallel_loop3A_551 : i32 to index
        %parallel_loop3A_640 = arith.constant 64 : index
        %parallel_loop3A_641 = tpu.vector_load %parallel_loop3A_638[%parallel_loop3A_639, %parallel_loop3A_640] {strides = array<i32>} : memref<64x128xf32, #tpu.memory_space<vmem>>, vector<16xf32>,
        tpu.vector_store %parallel_loop3A_638[%parallel_loop3A_639, %parallel_loop3A_640], %parallel_loop3A_634 {strides = array<i32>} : memref<64x128xf32, #tpu.memory_space<vmem>>, vector<16xf32>,
        %parallel_loop3A_642 = tpu.iota {dimensions = array<i32: 0>} : vector<16xi32>
        %parallel_loop3A_643 = arith.constant 80 : i32
        %parallel_loop3A_644 = vector.broadcast %parallel_loop3A_643 : i32 to vector<16xi32>
        %parallel_loop3A_645 = arith.addi %parallel_loop3A_642, %parallel_loop3A_644 : vector<16xi32>
        %parallel_loop3A_646 = arith.constant 0 : i32
        %parallel_loop3A_647 = arith.constant 0 : i32
        %parallel_loop3A_648 = tpu.memref_slice %arg7[%parallel_loop3A_327, %parallel_loop3A_646, %parallel_loop3A_647] : memref<2x128x128xf32, #tpu.memory_space<vmem>> -> memref<1x128x128xf32, #tpu.memory_space<vmem>>
        %parallel_loop3A_649 = tpu.memref_squeeze %parallel_loop3A_648 : memref<1x128x128xf32, #tpu.memory_space<vmem>> -> memref<128x128xf32, #tpu.memory_space<vmem>>
        %parallel_loop3A_650 = tpu.vector_load_idx %parallel_loop3A_649[%parallel_loop3A_645, %parallel_loop3A_556] : memref<128x128xf32, #tpu.memory_space<vmem>>[vector<16xi32>, vector<16xi32>], vector<16xf32>,
        %parallel_loop3A_651 = arith.addf %parallel_loop3A_650, %parallel_loop3A_555 : vector<16xf32>
        %parallel_loop3A_652 = arith.constant 0 : i32
        %parallel_loop3A_653 = arith.constant 0 : i32
        %parallel_loop3A_654 = tpu.memref_slice %arg8[%parallel_loop3A_328, %parallel_loop3A_652, %parallel_loop3A_653] : memref<2x64x128xf32, #tpu.memory_space<vmem>> -> memref<1x64x128xf32, #tpu.memory_space<vmem>>
        %parallel_loop3A_655 = tpu.memref_squeeze %parallel_loop3A_654 : memref<1x64x128xf32, #tpu.memory_space<vmem>> -> memref<64x128xf32, #tpu.memory_space<vmem>>
        %parallel_loop3A_656 = arith.index_cast %parallel_loop3A_551 : i32 to index
        %parallel_loop3A_657 = arith.constant 80 : index
        %parallel_loop3A_658 = tpu.vector_load %parallel_loop3A_655[%parallel_loop3A_656, %parallel_loop3A_657] {strides = array<i32>} : memref<64x128xf32, #tpu.memory_space<vmem>>, vector<16xf32>,
        tpu.vector_store %parallel_loop3A_655[%parallel_loop3A_656, %parallel_loop3A_657], %parallel_loop3A_651 {strides = array<i32>} : memref<64x128xf32, #tpu.memory_space<vmem>>, vector<16xf32>,
        %parallel_loop3A_659 = tpu.iota {dimensions = array<i32: 0>} : vector<16xi32>
        %parallel_loop3A_660 = arith.constant 96 : i32
        %parallel_loop3A_661 = vector.broadcast %parallel_loop3A_660 : i32 to vector<16xi32>
        %parallel_loop3A_662 = arith.addi %parallel_loop3A_659, %parallel_loop3A_661 : vector<16xi32>
        %parallel_loop3A_663 = arith.constant 0 : i32
        %parallel_loop3A_664 = arith.constant 0 : i32
        %parallel_loop3A_665 = tpu.memref_slice %arg7[%parallel_loop3A_327, %parallel_loop3A_663, %parallel_loop3A_664] : memref<2x128x128xf32, #tpu.memory_space<vmem>> -> memref<1x128x128xf32, #tpu.memory_space<vmem>>
        %parallel_loop3A_666 = tpu.memref_squeeze %parallel_loop3A_665 : memref<1x128x128xf32, #tpu.memory_space<vmem>> -> memref<128x128xf32, #tpu.memory_space<vmem>>
        %parallel_loop3A_667 = tpu.vector_load_idx %parallel_loop3A_666[%parallel_loop3A_662, %parallel_loop3A_556] : memref<128x128xf32, #tpu.memory_space<vmem>>[vector<16xi32>, vector<16xi32>], vector<16xf32>,
        %parallel_loop3A_668 = arith.addf %parallel_loop3A_667, %parallel_loop3A_555 : vector<16xf32>
        %parallel_loop3A_669 = arith.constant 0 : i32
        %parallel_loop3A_670 = arith.constant 0 : i32
        %parallel_loop3A_671 = tpu.memref_slice %arg8[%parallel_loop3A_328, %parallel_loop3A_669, %parallel_loop3A_670] : memref<2x64x128xf32, #tpu.memory_space<vmem>> -> memref<1x64x128xf32, #tpu.memory_space<vmem>>
        %parallel_loop3A_672 = tpu.memref_squeeze %parallel_loop3A_671 : memref<1x64x128xf32, #tpu.memory_space<vmem>> -> memref<64x128xf32, #tpu.memory_space<vmem>>
        %parallel_loop3A_673 = arith.index_cast %parallel_loop3A_551 : i32 to index
        %parallel_loop3A_674 = arith.constant 96 : index
        %parallel_loop3A_675 = tpu.vector_load %parallel_loop3A_672[%parallel_loop3A_673, %parallel_loop3A_674] {strides = array<i32>} : memref<64x128xf32, #tpu.memory_space<vmem>>, vector<16xf32>,
        tpu.vector_store %parallel_loop3A_672[%parallel_loop3A_673, %parallel_loop3A_674], %parallel_loop3A_668 {strides = array<i32>} : memref<64x128xf32, #tpu.memory_space<vmem>>, vector<16xf32>,
        %parallel_loop3A_676 = tpu.iota {dimensions = array<i32: 0>} : vector<16xi32>
        %parallel_loop3A_677 = arith.constant 112 : i32
        %parallel_loop3A_678 = vector.broadcast %parallel_loop3A_677 : i32 to vector<16xi32>
        %parallel_loop3A_679 = arith.addi %parallel_loop3A_676, %parallel_loop3A_678 : vector<16xi32>
        %parallel_loop3A_680 = arith.constant 0 : i32
        %parallel_loop3A_681 = arith.constant 0 : i32
        %parallel_loop3A_682 = tpu.memref_slice %arg7[%parallel_loop3A_327, %parallel_loop3A_680, %parallel_loop3A_681] : memref<2x128x128xf32, #tpu.memory_space<vmem>> -> memref<1x128x128xf32, #tpu.memory_space<vmem>>
        %parallel_loop3A_683 = tpu.memref_squeeze %parallel_loop3A_682 : memref<1x128x128xf32, #tpu.memory_space<vmem>> -> memref<128x128xf32, #tpu.memory_space<vmem>>
        %parallel_loop3A_684 = tpu.vector_load_idx %parallel_loop3A_683[%parallel_loop3A_679, %parallel_loop3A_556] : memref<128x128xf32, #tpu.memory_space<vmem>>[vector<16xi32>, vector<16xi32>], vector<16xf32>,
        %parallel_loop3A_685 = arith.addf %parallel_loop3A_684, %parallel_loop3A_555 : vector<16xf32>
        %parallel_loop3A_686 = arith.constant 0 : i32
        %parallel_loop3A_687 = arith.constant 0 : i32
        %parallel_loop3A_688 = tpu.memref_slice %arg8[%parallel_loop3A_328, %parallel_loop3A_686, %parallel_loop3A_687] : memref<2x64x128xf32, #tpu.memory_space<vmem>> -> memref<1x64x128xf32, #tpu.memory_space<vmem>>
        %parallel_loop3A_689 = tpu.memref_squeeze %parallel_loop3A_688 : memref<1x64x128xf32, #tpu.memory_space<vmem>> -> memref<64x128xf32, #tpu.memory_space<vmem>>
        %parallel_loop3A_690 = arith.index_cast %parallel_loop3A_551 : i32 to index
        %parallel_loop3A_691 = arith.constant 112 : index
        %parallel_loop3A_692 = tpu.vector_load %parallel_loop3A_689[%parallel_loop3A_690, %parallel_loop3A_691] {strides = array<i32>} : memref<64x128xf32, #tpu.memory_space<vmem>>, vector<16xf32>,
        tpu.vector_store %parallel_loop3A_689[%parallel_loop3A_690, %parallel_loop3A_691], %parallel_loop3A_685 {strides = array<i32>} : memref<64x128xf32, #tpu.memory_space<vmem>>, vector<16xf32>,
      } {sc.loop_unroll_factor = 4 : i64, sc.parallel_access}
      %add3A_329 = arith.addi %mul3A_2, %add3A_171 : i32
      %shift_right_logical3A_330 = arith.constant 3 : i32
      %shift_right_logical3A_331 = arith.shrui %add3A_329, %shift_right_logical3A_330 : i32
      %rem3A_332 = arith.constant 8 : i32
      %rem3A_333 = arith.remsi %add3A_329, %rem3A_332 : i32
      %mul3A_334 = arith.constant 128 : i32
      %mul3A_335 = arith.muli %rem3A_333, %mul3A_334 : i32
      %dma_start3A_336 = arith.constant 0 : i32
      %dma_start3A_337 = arith.constant 0 : i32
      %dma_start3A_338 = arith.constant 0 : i32
      %dma_start3A_339 = tpu.memref_slice %arg8[%dma_start3A_336, %dma_start3A_337, %dma_start3A_338] : memref<2x64x128xf32, #tpu.memory_space<vmem>> -> memref<1x64x128xf32, #tpu.memory_space<vmem>>
      %dma_start3A_340 = tpu.memref_squeeze %dma_start3A_339 : memref<1x64x128xf32, #tpu.memory_space<vmem>> -> memref<64x128xf32, #tpu.memory_space<vmem>>
      %dma_start3A_341 = arith.constant 0 : i32
      %dma_start3A_342 = arith.constant 0 : i32
      %dma_start3A_343 = tpu.memref_slice %arg5[%shift_right_logical3A_331, %dma_start3A_341, %dma_start3A_342] : memref<200x64x1024xf32, #tpu.memory_space<hbm>> -> memref<1x64x1024xf32, #tpu.memory_space<hbm>>
      %dma_start3A_344 = tpu.memref_squeeze %dma_start3A_343 : memref<1x64x1024xf32, #tpu.memory_space<hbm>> -> memref<64x1024xf32, #tpu.memory_space<hbm>>
      %dma_start3A_345 = arith.constant 0 : i32
      %dma_start3A_346 = tpu.memref_slice %dma_start3A_344[%dma_start3A_345, %mul3A_335] : memref<64x1024xf32, #tpu.memory_space<hbm>> -> memref<64x128xf32, #tpu.memory_space<hbm>>
      %dma_start3A_347 = arith.constant 0 : i32
      %dma_start3A_348 = arith.constant 0 : i32
      %dma_start3A_349 = tpu.memref_slice %arg5[%shift_right_logical3A_331, %dma_start3A_347, %dma_start3A_348] : memref<200x64x1024xf32, #tpu.memory_space<hbm>> -> memref<1x64x1024xf32, #tpu.memory_space<hbm>>
      %dma_start3A_350 = tpu.memref_squeeze %dma_start3A_349 : memref<1x64x1024xf32, #tpu.memory_space<hbm>> -> memref<64x1024xf32, #tpu.memory_space<hbm>>
      %dma_start3A_351 = arith.constant 0 : i32
      %dma_start3A_352 = tpu.memref_slice %dma_start3A_350[%dma_start3A_351, %mul3A_335] : memref<64x1024xf32, #tpu.memory_space<hbm>> -> memref<64x128xf32, #tpu.memory_space<hbm>>
      %dma_start3A_353 = arith.constant 0 : i32
      %dma_start3A_354 = arith.constant 0 : i32
      %dma_start3A_355 = tpu.memref_slice %arg8[%dma_start3A_336, %dma_start3A_353, %dma_start3A_354] : memref<2x64x128xf32, #tpu.memory_space<vmem>> -> memref<1x64x128xf32, #tpu.memory_space<vmem>>
      %dma_start3A_356 = tpu.memref_squeeze %dma_start3A_355 : memref<1x64x128xf32, #tpu.memory_space<vmem>> -> memref<64x128xf32, #tpu.memory_space<vmem>>
      tpu.enqueue_dma source(%dma_start3A_356 : memref<64x128xf32, #tpu.memory_space<vmem>>) target(%dma_start3A_352 : memref<64x128xf32, #tpu.memory_space<hbm>>) target_semaphore(%arg12 : memref<!tpu.dma_semaphore, #tpu.memory_space<semaphore_mem>>)
      %mul3A_357 = arith.constant 2 : i32
      %mul3A_358 = arith.muli %scan3A_167, %mul3A_357 : i32
      %add3A_359 = arith.constant 1 : i32
      %add3A_360 = arith.addi %mul3A_358, %add3A_359 : i32
      %add3A_361 = arith.constant 1 : i32
      %add3A_362 = arith.addi %add3A_360, %add3A_361 : i32
      %lt3A_363 = arith.constant 50 : i32
      %lt3A_364 = arith.cmpi slt, %add3A_362, %lt3A_363 : i32
      %convert_element_type3A_365 = arith.extui %lt3A_364 : i1 to i32
      %cond3A_366 = arith.constant 0 : i32
      %cond3A_367 = arith.cmpi ne, %convert_element_type3A_365, %cond3A_366 : i32
      scf.if %cond3A_367 {
        %add3A_551 = arith.constant 1 : i32
        %add3A_552 = arith.addi %add3A_360, %add3A_551 : i32
        %mul3A_553 = arith.constant 128 : i32
        %mul3A_554 = arith.muli %add3A_552, %mul3A_553 : i32
        %add3A_555 = arith.constant 0 : i32
        %add3A_556 = arith.addi %mul3A_554, %add3A_555 : i32
        %get3A_557 = arith.index_cast %add3A_556 : i32 to index
        %get3A_558 = tpu.vector_load %arg6[%get3A_557] {strides = array<i32>} : memref<6400xi32, #tpu.memory_space<vmem>>, vector<16xi32>,
        %mul3A_559 = arith.constant 128 : i32
        %mul3A_560 = arith.muli %add3A_552, %mul3A_559 : i32
        %add3A_561 = arith.constant 16 : i32
        %add3A_562 = arith.addi %mul3A_560, %add3A_561 : i32
        %get3A_563 = arith.index_cast %add3A_562 : i32 to index
        %get3A_564 = tpu.vector_load %arg6[%get3A_563] {strides = array<i32>} : memref<6400xi32, #tpu.memory_space<vmem>>, vector<16xi32>,
        %mul3A_565 = arith.constant 128 : i32
        %mul3A_566 = arith.muli %add3A_552, %mul3A_565 : i32
        %add3A_567 = arith.constant 32 : i32
        %add3A_568 = arith.addi %mul3A_566, %add3A_567 : i32
        %get3A_569 = arith.index_cast %add3A_568 : i32 to index
        %get3A_570 = tpu.vector_load %arg6[%get3A_569] {strides = array<i32>} : memref<6400xi32, #tpu.memory_space<vmem>>, vector<16xi32>,
        %mul3A_571 = arith.constant 128 : i32
        %mul3A_572 = arith.muli %add3A_552, %mul3A_571 : i32
        %add3A_573 = arith.constant 48 : i32
        %add3A_574 = arith.addi %mul3A_572, %add3A_573 : i32
        %get3A_575 = arith.index_cast %add3A_574 : i32 to index
        %get3A_576 = tpu.vector_load %arg6[%get3A_575] {strides = array<i32>} : memref<6400xi32, #tpu.memory_space<vmem>>, vector<16xi32>,
        %mul3A_577 = arith.constant 128 : i32
        %mul3A_578 = arith.muli %add3A_552, %mul3A_577 : i32
        %add3A_579 = arith.constant 64 : i32
        %add3A_580 = arith.addi %mul3A_578, %add3A_579 : i32
        %get3A_581 = arith.index_cast %add3A_580 : i32 to index
        %get3A_582 = tpu.vector_load %arg6[%get3A_581] {strides = array<i32>} : memref<6400xi32, #tpu.memory_space<vmem>>, vector<16xi32>,
        %mul3A_583 = arith.constant 128 : i32
        %mul3A_584 = arith.muli %add3A_552, %mul3A_583 : i32
        %add3A_585 = arith.constant 80 : i32
        %add3A_586 = arith.addi %mul3A_584, %add3A_585 : i32
        %get3A_587 = arith.index_cast %add3A_586 : i32 to index
        %get3A_588 = tpu.vector_load %arg6[%get3A_587] {strides = array<i32>} : memref<6400xi32, #tpu.memory_space<vmem>>, vector<16xi32>,
        %mul3A_589 = arith.constant 128 : i32
        %mul3A_590 = arith.muli %add3A_552, %mul3A_589 : i32
        %add3A_591 = arith.constant 96 : i32
        %add3A_592 = arith.addi %mul3A_590, %add3A_591 : i32
        %get3A_593 = arith.index_cast %add3A_592 : i32 to index
        %get3A_594 = tpu.vector_load %arg6[%get3A_593] {strides = array<i32>} : memref<6400xi32, #tpu.memory_space<vmem>>, vector<16xi32>,
        %mul3A_595 = arith.constant 128 : i32
        %mul3A_596 = arith.muli %add3A_552, %mul3A_595 : i32
        %add3A_597 = arith.constant 112 : i32
        %add3A_598 = arith.addi %mul3A_596, %add3A_597 : i32
        %get3A_599 = arith.index_cast %add3A_598 : i32 to index
        %get3A_600 = tpu.vector_load %arg6[%get3A_599] {strides = array<i32>} : memref<6400xi32, #tpu.memory_space<vmem>>, vector<16xi32>,
        %dma_start3A_601 = arith.constant 0 : i32
        %dma_start3A_602 = arith.constant 0 : i32
        %dma_start3A_603 = arith.constant 0 : i32
        %dma_start3A_604 = tpu.memref_slice %arg7[%dma_start3A_601, %dma_start3A_602, %dma_start3A_603] : memref<2x128x128xf32, #tpu.memory_space<vmem>> -> memref<1x128x128xf32, #tpu.memory_space<vmem>>
        %dma_start3A_605 = tpu.memref_squeeze %dma_start3A_604 : memref<1x128x128xf32, #tpu.memory_space<vmem>> -> memref<128x128xf32, #tpu.memory_space<vmem>>
        %dma_start3A_606 = arith.constant 0 : i32
        %dma_start3A_607 = arith.constant 0 : i32
        %dma_start3A_608 = tpu.memref_slice %dma_start3A_605[%dma_start3A_606, %dma_start3A_607] : memref<128x128xf32, #tpu.memory_space<vmem>> -> memref<16x128xf32, #tpu.memory_space<vmem>>
        %dma_start3A_609 = arith.constant 0 : i32
        %dma_start3A_610 = arith.constant 0 : i32
        %dma_start3A_611 = tpu.memref_slice %arg4[%dma_start3A_609, %dma_start3A_610] : memref<1000000x128xf32, #tpu.memory_space<hbm>> -> memref<1000000x128xf32, #tpu.memory_space<hbm>>
        tpu.enqueue_indirect_dma source(%dma_start3A_611 : memref<1000000x128xf32, #tpu.memory_space<hbm>>) target(%dma_start3A_608 : memref<16x128xf32, #tpu.memory_space<vmem>>) offsets(%get3A_558 : vector<16xi32>) semaphore(%arg10 : memref<!tpu.dma_semaphore, #tpu.memory_space<semaphore_mem>>)
        %dma_start3A_612 = arith.constant 0 : i32
        %dma_start3A_613 = arith.constant 0 : i32
        %dma_start3A_614 = arith.constant 0 : i32
        %dma_start3A_615 = tpu.memref_slice %arg7[%dma_start3A_612, %dma_start3A_613, %dma_start3A_614] : memref<2x128x128xf32, #tpu.memory_space<vmem>> -> memref<1x128x128xf32, #tpu.memory_space<vmem>>
        %dma_start3A_616 = tpu.memref_squeeze %dma_start3A_615 : memref<1x128x128xf32, #tpu.memory_space<vmem>> -> memref<128x128xf32, #tpu.memory_space<vmem>>
        %dma_start3A_617 = arith.constant 16 : i32
        %dma_start3A_618 = arith.constant 0 : i32
        %dma_start3A_619 = tpu.memref_slice %dma_start3A_616[%dma_start3A_617, %dma_start3A_618] : memref<128x128xf32, #tpu.memory_space<vmem>> -> memref<16x128xf32, #tpu.memory_space<vmem>>
        %dma_start3A_620 = arith.constant 0 : i32
        %dma_start3A_621 = arith.constant 0 : i32
        %dma_start3A_622 = tpu.memref_slice %arg4[%dma_start3A_620, %dma_start3A_621] : memref<1000000x128xf32, #tpu.memory_space<hbm>> -> memref<1000000x128xf32, #tpu.memory_space<hbm>>
        tpu.enqueue_indirect_dma source(%dma_start3A_622 : memref<1000000x128xf32, #tpu.memory_space<hbm>>) target(%dma_start3A_619 : memref<16x128xf32, #tpu.memory_space<vmem>>) offsets(%get3A_564 : vector<16xi32>) semaphore(%arg10 : memref<!tpu.dma_semaphore, #tpu.memory_space<semaphore_mem>>)
        %dma_start3A_623 = arith.constant 0 : i32
        %dma_start3A_624 = arith.constant 0 : i32
        %dma_start3A_625 = arith.constant 0 : i32
        %dma_start3A_626 = tpu.memref_slice %arg7[%dma_start3A_623, %dma_start3A_624, %dma_start3A_625] : memref<2x128x128xf32, #tpu.memory_space<vmem>> -> memref<1x128x128xf32, #tpu.memory_space<vmem>>
        %dma_start3A_627 = tpu.memref_squeeze %dma_start3A_626 : memref<1x128x128xf32, #tpu.memory_space<vmem>> -> memref<128x128xf32, #tpu.memory_space<vmem>>
        %dma_start3A_628 = arith.constant 32 : i32
        %dma_start3A_629 = arith.constant 0 : i32
        %dma_start3A_630 = tpu.memref_slice %dma_start3A_627[%dma_start3A_628, %dma_start3A_629] : memref<128x128xf32, #tpu.memory_space<vmem>> -> memref<16x128xf32, #tpu.memory_space<vmem>>
        %dma_start3A_631 = arith.constant 0 : i32
        %dma_start3A_632 = arith.constant 0 : i32
        %dma_start3A_633 = tpu.memref_slice %arg4[%dma_start3A_631, %dma_start3A_632] : memref<1000000x128xf32, #tpu.memory_space<hbm>> -> memref<1000000x128xf32, #tpu.memory_space<hbm>>
        tpu.enqueue_indirect_dma source(%dma_start3A_633 : memref<1000000x128xf32, #tpu.memory_space<hbm>>) target(%dma_start3A_630 : memref<16x128xf32, #tpu.memory_space<vmem>>) offsets(%get3A_570 : vector<16xi32>) semaphore(%arg10 : memref<!tpu.dma_semaphore, #tpu.memory_space<semaphore_mem>>)
        %dma_start3A_634 = arith.constant 0 : i32
        %dma_start3A_635 = arith.constant 0 : i32
        %dma_start3A_636 = arith.constant 0 : i32
        %dma_start3A_637 = tpu.memref_slice %arg7[%dma_start3A_634, %dma_start3A_635, %dma_start3A_636] : memref<2x128x128xf32, #tpu.memory_space<vmem>> -> memref<1x128x128xf32, #tpu.memory_space<vmem>>
        %dma_start3A_638 = tpu.memref_squeeze %dma_start3A_637 : memref<1x128x128xf32, #tpu.memory_space<vmem>> -> memref<128x128xf32, #tpu.memory_space<vmem>>
        %dma_start3A_639 = arith.constant 48 : i32
        %dma_start3A_640 = arith.constant 0 : i32
        %dma_start3A_641 = tpu.memref_slice %dma_start3A_638[%dma_start3A_639, %dma_start3A_640] : memref<128x128xf32, #tpu.memory_space<vmem>> -> memref<16x128xf32, #tpu.memory_space<vmem>>
        %dma_start3A_642 = arith.constant 0 : i32
        %dma_start3A_643 = arith.constant 0 : i32
        %dma_start3A_644 = tpu.memref_slice %arg4[%dma_start3A_642, %dma_start3A_643] : memref<1000000x128xf32, #tpu.memory_space<hbm>> -> memref<1000000x128xf32, #tpu.memory_space<hbm>>
        tpu.enqueue_indirect_dma source(%dma_start3A_644 : memref<1000000x128xf32, #tpu.memory_space<hbm>>) target(%dma_start3A_641 : memref<16x128xf32, #tpu.memory_space<vmem>>) offsets(%get3A_576 : vector<16xi32>) semaphore(%arg10 : memref<!tpu.dma_semaphore, #tpu.memory_space<semaphore_mem>>)
        %dma_start3A_645 = arith.constant 0 : i32
        %dma_start3A_646 = arith.constant 0 : i32
        %dma_start3A_647 = arith.constant 0 : i32
        %dma_start3A_648 = tpu.memref_slice %arg7[%dma_start3A_645, %dma_start3A_646, %dma_start3A_647] : memref<2x128x128xf32, #tpu.memory_space<vmem>> -> memref<1x128x128xf32, #tpu.memory_space<vmem>>
        %dma_start3A_649 = tpu.memref_squeeze %dma_start3A_648 : memref<1x128x128xf32, #tpu.memory_space<vmem>> -> memref<128x128xf32, #tpu.memory_space<vmem>>
        %dma_start3A_650 = arith.constant 64 : i32
        %dma_start3A_651 = arith.constant 0 : i32
        %dma_start3A_652 = tpu.memref_slice %dma_start3A_649[%dma_start3A_650, %dma_start3A_651] : memref<128x128xf32, #tpu.memory_space<vmem>> -> memref<16x128xf32, #tpu.memory_space<vmem>>
        %dma_start3A_653 = arith.constant 0 : i32
        %dma_start3A_654 = arith.constant 0 : i32
        %dma_start3A_655 = tpu.memref_slice %arg4[%dma_start3A_653, %dma_start3A_654] : memref<1000000x128xf32, #tpu.memory_space<hbm>> -> memref<1000000x128xf32, #tpu.memory_space<hbm>>
        tpu.enqueue_indirect_dma source(%dma_start3A_655 : memref<1000000x128xf32, #tpu.memory_space<hbm>>) target(%dma_start3A_652 : memref<16x128xf32, #tpu.memory_space<vmem>>) offsets(%get3A_582 : vector<16xi32>) semaphore(%arg10 : memref<!tpu.dma_semaphore, #tpu.memory_space<semaphore_mem>>)
        %dma_start3A_656 = arith.constant 0 : i32
        %dma_start3A_657 = arith.constant 0 : i32
        %dma_start3A_658 = arith.constant 0 : i32
        %dma_start3A_659 = tpu.memref_slice %arg7[%dma_start3A_656, %dma_start3A_657, %dma_start3A_658] : memref<2x128x128xf32, #tpu.memory_space<vmem>> -> memref<1x128x128xf32, #tpu.memory_space<vmem>>
        %dma_start3A_660 = tpu.memref_squeeze %dma_start3A_659 : memref<1x128x128xf32, #tpu.memory_space<vmem>> -> memref<128x128xf32, #tpu.memory_space<vmem>>
        %dma_start3A_661 = arith.constant 80 : i32
        %dma_start3A_662 = arith.constant 0 : i32
        %dma_start3A_663 = tpu.memref_slice %dma_start3A_660[%dma_start3A_661, %dma_start3A_662] : memref<128x128xf32, #tpu.memory_space<vmem>> -> memref<16x128xf32, #tpu.memory_space<vmem>>
        %dma_start3A_664 = arith.constant 0 : i32
        %dma_start3A_665 = arith.constant 0 : i32
        %dma_start3A_666 = tpu.memref_slice %arg4[%dma_start3A_664, %dma_start3A_665] : memref<1000000x128xf32, #tpu.memory_space<hbm>> -> memref<1000000x128xf32, #tpu.memory_space<hbm>>
        tpu.enqueue_indirect_dma source(%dma_start3A_666 : memref<1000000x128xf32, #tpu.memory_space<hbm>>) target(%dma_start3A_663 : memref<16x128xf32, #tpu.memory_space<vmem>>) offsets(%get3A_588 : vector<16xi32>) semaphore(%arg10 : memref<!tpu.dma_semaphore, #tpu.memory_space<semaphore_mem>>)
        %dma_start3A_667 = arith.constant 0 : i32
        %dma_start3A_668 = arith.constant 0 : i32
        %dma_start3A_669 = arith.constant 0 : i32
        %dma_start3A_670 = tpu.memref_slice %arg7[%dma_start3A_667, %dma_start3A_668, %dma_start3A_669] : memref<2x128x128xf32, #tpu.memory_space<vmem>> -> memref<1x128x128xf32, #tpu.memory_space<vmem>>
        %dma_start3A_671 = tpu.memref_squeeze %dma_start3A_670 : memref<1x128x128xf32, #tpu.memory_space<vmem>> -> memref<128x128xf32, #tpu.memory_space<vmem>>
        %dma_start3A_672 = arith.constant 96 : i32
        %dma_start3A_673 = arith.constant 0 : i32
        %dma_start3A_674 = tpu.memref_slice %dma_start3A_671[%dma_start3A_672, %dma_start3A_673] : memref<128x128xf32, #tpu.memory_space<vmem>> -> memref<16x128xf32, #tpu.memory_space<vmem>>
        %dma_start3A_675 = arith.constant 0 : i32
        %dma_start3A_676 = arith.constant 0 : i32
        %dma_start3A_677 = tpu.memref_slice %arg4[%dma_start3A_675, %dma_start3A_676] : memref<1000000x128xf32, #tpu.memory_space<hbm>> -> memref<1000000x128xf32, #tpu.memory_space<hbm>>
        tpu.enqueue_indirect_dma source(%dma_start3A_677 : memref<1000000x128xf32, #tpu.memory_space<hbm>>) target(%dma_start3A_674 : memref<16x128xf32, #tpu.memory_space<vmem>>) offsets(%get3A_594 : vector<16xi32>) semaphore(%arg10 : memref<!tpu.dma_semaphore, #tpu.memory_space<semaphore_mem>>)
        %dma_start3A_678 = arith.constant 0 : i32
        %dma_start3A_679 = arith.constant 0 : i32
        %dma_start3A_680 = arith.constant 0 : i32
        %dma_start3A_681 = tpu.memref_slice %arg7[%dma_start3A_678, %dma_start3A_679, %dma_start3A_680] : memref<2x128x128xf32, #tpu.memory_space<vmem>> -> memref<1x128x128xf32, #tpu.memory_space<vmem>>
        %dma_start3A_682 = tpu.memref_squeeze %dma_start3A_681 : memref<1x128x128xf32, #tpu.memory_space<vmem>> -> memref<128x128xf32, #tpu.memory_space<vmem>>
        %dma_start3A_683 = arith.constant 112 : i32
        %dma_start3A_684 = arith.constant 0 : i32
        %dma_start3A_685 = tpu.memref_slice %dma_start3A_682[%dma_start3A_683, %dma_start3A_684] : memref<128x128xf32, #tpu.memory_space<vmem>> -> memref<16x128xf32, #tpu.memory_space<vmem>>
        %dma_start3A_686 = arith.constant 0 : i32
        %dma_start3A_687 = arith.constant 0 : i32
        %dma_start3A_688 = tpu.memref_slice %arg4[%dma_start3A_686, %dma_start3A_687] : memref<1000000x128xf32, #tpu.memory_space<hbm>> -> memref<1000000x128xf32, #tpu.memory_space<hbm>>
        tpu.enqueue_indirect_dma source(%dma_start3A_688 : memref<1000000x128xf32, #tpu.memory_space<hbm>>) target(%dma_start3A_685 : memref<16x128xf32, #tpu.memory_space<vmem>>) offsets(%get3A_600 : vector<16xi32>) semaphore(%arg10 : memref<!tpu.dma_semaphore, #tpu.memory_space<semaphore_mem>>)
      } else {
      }
      %mul3A_368 = arith.constant 128 : i32
      %mul3A_369 = arith.muli %add3A_360, %mul3A_368 : i32
      %add3A_370 = arith.constant 0 : i32
      %add3A_371 = arith.addi %mul3A_369, %add3A_370 : i32
      %get3A_372 = arith.index_cast %add3A_371 : i32 to index
      %get3A_373 = tpu.vector_load %arg6[%get3A_372] {strides = array<i32>} : memref<6400xi32, #tpu.memory_space<vmem>>, vector<16xi32>,
      %mul3A_374 = arith.constant 128 : i32
      %mul3A_375 = arith.muli %add3A_360, %mul3A_374 : i32
      %add3A_376 = arith.constant 16 : i32
      %add3A_377 = arith.addi %mul3A_375, %add3A_376 : i32
      %get3A_378 = arith.index_cast %add3A_377 : i32 to index
      %get3A_379 = tpu.vector_load %arg6[%get3A_378] {strides = array<i32>} : memref<6400xi32, #tpu.memory_space<vmem>>, vector<16xi32>,
      %mul3A_380 = arith.constant 128 : i32
      %mul3A_381 = arith.muli %add3A_360, %mul3A_380 : i32
      %add3A_382 = arith.constant 32 : i32
      %add3A_383 = arith.addi %mul3A_381, %add3A_382 : i32
      %get3A_384 = arith.index_cast %add3A_383 : i32 to index
      %get3A_385 = tpu.vector_load %arg6[%get3A_384] {strides = array<i32>} : memref<6400xi32, #tpu.memory_space<vmem>>, vector<16xi32>,
      %mul3A_386 = arith.constant 128 : i32
      %mul3A_387 = arith.muli %add3A_360, %mul3A_386 : i32
      %add3A_388 = arith.constant 48 : i32
      %add3A_389 = arith.addi %mul3A_387, %add3A_388 : i32
      %get3A_390 = arith.index_cast %add3A_389 : i32 to index
      %get3A_391 = tpu.vector_load %arg6[%get3A_390] {strides = array<i32>} : memref<6400xi32, #tpu.memory_space<vmem>>, vector<16xi32>,
      %mul3A_392 = arith.constant 128 : i32
      %mul3A_393 = arith.muli %add3A_360, %mul3A_392 : i32
      %add3A_394 = arith.constant 64 : i32
      %add3A_395 = arith.addi %mul3A_393, %add3A_394 : i32
      %get3A_396 = arith.index_cast %add3A_395 : i32 to index
      %get3A_397 = tpu.vector_load %arg6[%get3A_396] {strides = array<i32>} : memref<6400xi32, #tpu.memory_space<vmem>>, vector<16xi32>,
      %mul3A_398 = arith.constant 128 : i32
      %mul3A_399 = arith.muli %add3A_360, %mul3A_398 : i32
      %add3A_400 = arith.constant 80 : i32
      %add3A_401 = arith.addi %mul3A_399, %add3A_400 : i32
      %get3A_402 = arith.index_cast %add3A_401 : i32 to index
      %get3A_403 = tpu.vector_load %arg6[%get3A_402] {strides = array<i32>} : memref<6400xi32, #tpu.memory_space<vmem>>, vector<16xi32>,
      %mul3A_404 = arith.constant 128 : i32
      %mul3A_405 = arith.muli %add3A_360, %mul3A_404 : i32
      %add3A_406 = arith.constant 96 : i32
      %add3A_407 = arith.addi %mul3A_405, %add3A_406 : i32
      %get3A_408 = arith.index_cast %add3A_407 : i32 to index
      %get3A_409 = tpu.vector_load %arg6[%get3A_408] {strides = array<i32>} : memref<6400xi32, #tpu.memory_space<vmem>>, vector<16xi32>,
      %mul3A_410 = arith.constant 128 : i32
      %mul3A_411 = arith.muli %add3A_360, %mul3A_410 : i32
      %add3A_412 = arith.constant 112 : i32
      %add3A_413 = arith.addi %mul3A_411, %add3A_412 : i32
      %get3A_414 = arith.index_cast %add3A_413 : i32 to index
      %get3A_415 = tpu.vector_load %arg6[%get3A_414] {strides = array<i32>} : memref<6400xi32, #tpu.memory_space<vmem>>, vector<16xi32>,
      %dma_wait3A_416 = arith.constant 1 : i32
      %dma_wait3A_417 = arith.constant 0 : i32
      %dma_wait3A_418 = arith.constant 0 : i32
      %dma_wait3A_419 = tpu.memref_slice %arg7[%dma_wait3A_416, %dma_wait3A_417, %dma_wait3A_418] : memref<2x128x128xf32, #tpu.memory_space<vmem>> -> memref<1x128x128xf32, #tpu.memory_space<vmem>>
      %dma_wait3A_420 = tpu.memref_squeeze %dma_wait3A_419 : memref<1x128x128xf32, #tpu.memory_space<vmem>> -> memref<128x128xf32, #tpu.memory_space<vmem>>
      %dma_wait3A_421 = arith.constant 0 : i32
      %dma_wait3A_422 = arith.constant 0 : i32
      %dma_wait3A_423 = tpu.memref_slice %dma_wait3A_420[%dma_wait3A_421, %dma_wait3A_422] : memref<128x128xf32, #tpu.memory_space<vmem>> -> memref<16x128xf32, #tpu.memory_space<vmem>>
      %dma_wait3A_424 = arith.constant 0 : i32
      %dma_wait3A_425 = arith.constant 0 : i32
      %dma_wait3A_426 = tpu.memref_slice %arg4[%dma_wait3A_424, %dma_wait3A_425] : memref<1000000x128xf32, #tpu.memory_space<hbm>> -> memref<1000000x128xf32, #tpu.memory_space<hbm>>
      tpu.wait_indirect_dma semaphore(%arg11 : memref<!tpu.dma_semaphore, #tpu.memory_space<semaphore_mem>>) src(%dma_wait3A_426 : memref<1000000x128xf32, #tpu.memory_space<hbm>>) dst(%dma_wait3A_423 : memref<16x128xf32, #tpu.memory_space<vmem>>)
      %dma_wait3A_427 = arith.constant 1 : i32
      %dma_wait3A_428 = arith.constant 0 : i32
      %dma_wait3A_429 = arith.constant 0 : i32
      %dma_wait3A_430 = tpu.memref_slice %arg7[%dma_wait3A_427, %dma_wait3A_428, %dma_wait3A_429] : memref<2x128x128xf32, #tpu.memory_space<vmem>> -> memref<1x128x128xf32, #tpu.memory_space<vmem>>
      %dma_wait3A_431 = tpu.memref_squeeze %dma_wait3A_430 : memref<1x128x128xf32, #tpu.memory_space<vmem>> -> memref<128x128xf32, #tpu.memory_space<vmem>>
      %dma_wait3A_432 = arith.constant 16 : i32
      %dma_wait3A_433 = arith.constant 0 : i32
      %dma_wait3A_434 = tpu.memref_slice %dma_wait3A_431[%dma_wait3A_432, %dma_wait3A_433] : memref<128x128xf32, #tpu.memory_space<vmem>> -> memref<16x128xf32, #tpu.memory_space<vmem>>
      %dma_wait3A_435 = arith.constant 0 : i32
      %dma_wait3A_436 = arith.constant 0 : i32
      %dma_wait3A_437 = tpu.memref_slice %arg4[%dma_wait3A_435, %dma_wait3A_436] : memref<1000000x128xf32, #tpu.memory_space<hbm>> -> memref<1000000x128xf32, #tpu.memory_space<hbm>>
      tpu.wait_indirect_dma semaphore(%arg11 : memref<!tpu.dma_semaphore, #tpu.memory_space<semaphore_mem>>) src(%dma_wait3A_437 : memref<1000000x128xf32, #tpu.memory_space<hbm>>) dst(%dma_wait3A_434 : memref<16x128xf32, #tpu.memory_space<vmem>>)
      %dma_wait3A_438 = arith.constant 1 : i32
      %dma_wait3A_439 = arith.constant 0 : i32
      %dma_wait3A_440 = arith.constant 0 : i32
      %dma_wait3A_441 = tpu.memref_slice %arg7[%dma_wait3A_438, %dma_wait3A_439, %dma_wait3A_440] : memref<2x128x128xf32, #tpu.memory_space<vmem>> -> memref<1x128x128xf32, #tpu.memory_space<vmem>>
      %dma_wait3A_442 = tpu.memref_squeeze %dma_wait3A_441 : memref<1x128x128xf32, #tpu.memory_space<vmem>> -> memref<128x128xf32, #tpu.memory_space<vmem>>
      %dma_wait3A_443 = arith.constant 32 : i32
      %dma_wait3A_444 = arith.constant 0 : i32
      %dma_wait3A_445 = tpu.memref_slice %dma_wait3A_442[%dma_wait3A_443, %dma_wait3A_444] : memref<128x128xf32, #tpu.memory_space<vmem>> -> memref<16x128xf32, #tpu.memory_space<vmem>>
      %dma_wait3A_446 = arith.constant 0 : i32
      %dma_wait3A_447 = arith.constant 0 : i32
      %dma_wait3A_448 = tpu.memref_slice %arg4[%dma_wait3A_446, %dma_wait3A_447] : memref<1000000x128xf32, #tpu.memory_space<hbm>> -> memref<1000000x128xf32, #tpu.memory_space<hbm>>
      tpu.wait_indirect_dma semaphore(%arg11 : memref<!tpu.dma_semaphore, #tpu.memory_space<semaphore_mem>>) src(%dma_wait3A_448 : memref<1000000x128xf32, #tpu.memory_space<hbm>>) dst(%dma_wait3A_445 : memref<16x128xf32, #tpu.memory_space<vmem>>)
      %dma_wait3A_449 = arith.constant 1 : i32
      %dma_wait3A_450 = arith.constant 0 : i32
      %dma_wait3A_451 = arith.constant 0 : i32
      %dma_wait3A_452 = tpu.memref_slice %arg7[%dma_wait3A_449, %dma_wait3A_450, %dma_wait3A_451] : memref<2x128x128xf32, #tpu.memory_space<vmem>> -> memref<1x128x128xf32, #tpu.memory_space<vmem>>
      %dma_wait3A_453 = tpu.memref_squeeze %dma_wait3A_452 : memref<1x128x128xf32, #tpu.memory_space<vmem>> -> memref<128x128xf32, #tpu.memory_space<vmem>>
      %dma_wait3A_454 = arith.constant 48 : i32
      %dma_wait3A_455 = arith.constant 0 : i32
      %dma_wait3A_456 = tpu.memref_slice %dma_wait3A_453[%dma_wait3A_454, %dma_wait3A_455] : memref<128x128xf32, #tpu.memory_space<vmem>> -> memref<16x128xf32, #tpu.memory_space<vmem>>
      %dma_wait3A_457 = arith.constant 0 : i32
      %dma_wait3A_458 = arith.constant 0 : i32
      %dma_wait3A_459 = tpu.memref_slice %arg4[%dma_wait3A_457, %dma_wait3A_458] : memref<1000000x128xf32, #tpu.memory_space<hbm>> -> memref<1000000x128xf32, #tpu.memory_space<hbm>>
      tpu.wait_indirect_dma semaphore(%arg11 : memref<!tpu.dma_semaphore, #tpu.memory_space<semaphore_mem>>) src(%dma_wait3A_459 : memref<1000000x128xf32, #tpu.memory_space<hbm>>) dst(%dma_wait3A_456 : memref<16x128xf32, #tpu.memory_space<vmem>>)
      %dma_wait3A_460 = arith.constant 1 : i32
      %dma_wait3A_461 = arith.constant 0 : i32
      %dma_wait3A_462 = arith.constant 0 : i32
      %dma_wait3A_463 = tpu.memref_slice %arg7[%dma_wait3A_460, %dma_wait3A_461, %dma_wait3A_462] : memref<2x128x128xf32, #tpu.memory_space<vmem>> -> memref<1x128x128xf32, #tpu.memory_space<vmem>>
      %dma_wait3A_464 = tpu.memref_squeeze %dma_wait3A_463 : memref<1x128x128xf32, #tpu.memory_space<vmem>> -> memref<128x128xf32, #tpu.memory_space<vmem>>
      %dma_wait3A_465 = arith.constant 64 : i32
      %dma_wait3A_466 = arith.constant 0 : i32
      %dma_wait3A_467 = tpu.memref_slice %dma_wait3A_464[%dma_wait3A_465, %dma_wait3A_466] : memref<128x128xf32, #tpu.memory_space<vmem>> -> memref<16x128xf32, #tpu.memory_space<vmem>>
      %dma_wait3A_468 = arith.constant 0 : i32
      %dma_wait3A_469 = arith.constant 0 : i32
      %dma_wait3A_470 = tpu.memref_slice %arg4[%dma_wait3A_468, %dma_wait3A_469] : memref<1000000x128xf32, #tpu.memory_space<hbm>> -> memref<1000000x128xf32, #tpu.memory_space<hbm>>
      tpu.wait_indirect_dma semaphore(%arg11 : memref<!tpu.dma_semaphore, #tpu.memory_space<semaphore_mem>>) src(%dma_wait3A_470 : memref<1000000x128xf32, #tpu.memory_space<hbm>>) dst(%dma_wait3A_467 : memref<16x128xf32, #tpu.memory_space<vmem>>)
      %dma_wait3A_471 = arith.constant 1 : i32
      %dma_wait3A_472 = arith.constant 0 : i32
      %dma_wait3A_473 = arith.constant 0 : i32
      %dma_wait3A_474 = tpu.memref_slice %arg7[%dma_wait3A_471, %dma_wait3A_472, %dma_wait3A_473] : memref<2x128x128xf32, #tpu.memory_space<vmem>> -> memref<1x128x128xf32, #tpu.memory_space<vmem>>
      %dma_wait3A_475 = tpu.memref_squeeze %dma_wait3A_474 : memref<1x128x128xf32, #tpu.memory_space<vmem>> -> memref<128x128xf32, #tpu.memory_space<vmem>>
      %dma_wait3A_476 = arith.constant 80 : i32
      %dma_wait3A_477 = arith.constant 0 : i32
      %dma_wait3A_478 = tpu.memref_slice %dma_wait3A_475[%dma_wait3A_476, %dma_wait3A_477] : memref<128x128xf32, #tpu.memory_space<vmem>> -> memref<16x128xf32, #tpu.memory_space<vmem>>
      %dma_wait3A_479 = arith.constant 0 : i32
      %dma_wait3A_480 = arith.constant 0 : i32
      %dma_wait3A_481 = tpu.memref_slice %arg4[%dma_wait3A_479, %dma_wait3A_480] : memref<1000000x128xf32, #tpu.memory_space<hbm>> -> memref<1000000x128xf32, #tpu.memory_space<hbm>>
      tpu.wait_indirect_dma semaphore(%arg11 : memref<!tpu.dma_semaphore, #tpu.memory_space<semaphore_mem>>) src(%dma_wait3A_481 : memref<1000000x128xf32, #tpu.memory_space<hbm>>) dst(%dma_wait3A_478 : memref<16x128xf32, #tpu.memory_space<vmem>>)
      %dma_wait3A_482 = arith.constant 1 : i32
      %dma_wait3A_483 = arith.constant 0 : i32
      %dma_wait3A_484 = arith.constant 0 : i32
      %dma_wait3A_485 = tpu.memref_slice %arg7[%dma_wait3A_482, %dma_wait3A_483, %dma_wait3A_484] : memref<2x128x128xf32, #tpu.memory_space<vmem>> -> memref<1x128x128xf32, #tpu.memory_space<vmem>>
      %dma_wait3A_486 = tpu.memref_squeeze %dma_wait3A_485 : memref<1x128x128xf32, #tpu.memory_space<vmem>> -> memref<128x128xf32, #tpu.memory_space<vmem>>
      %dma_wait3A_487 = arith.constant 96 : i32
      %dma_wait3A_488 = arith.constant 0 : i32
      %dma_wait3A_489 = tpu.memref_slice %dma_wait3A_486[%dma_wait3A_487, %dma_wait3A_488] : memref<128x128xf32, #tpu.memory_space<vmem>> -> memref<16x128xf32, #tpu.memory_space<vmem>>
      %dma_wait3A_490 = arith.constant 0 : i32
      %dma_wait3A_491 = arith.constant 0 : i32
      %dma_wait3A_492 = tpu.memref_slice %arg4[%dma_wait3A_490, %dma_wait3A_491] : memref<1000000x128xf32, #tpu.memory_space<hbm>> -> memref<1000000x128xf32, #tpu.memory_space<hbm>>
      tpu.wait_indirect_dma semaphore(%arg11 : memref<!tpu.dma_semaphore, #tpu.memory_space<semaphore_mem>>) src(%dma_wait3A_492 : memref<1000000x128xf32, #tpu.memory_space<hbm>>) dst(%dma_wait3A_489 : memref<16x128xf32, #tpu.memory_space<vmem>>)
      %dma_wait3A_493 = arith.constant 1 : i32
      %dma_wait3A_494 = arith.constant 0 : i32
      %dma_wait3A_495 = arith.constant 0 : i32
      %dma_wait3A_496 = tpu.memref_slice %arg7[%dma_wait3A_493, %dma_wait3A_494, %dma_wait3A_495] : memref<2x128x128xf32, #tpu.memory_space<vmem>> -> memref<1x128x128xf32, #tpu.memory_space<vmem>>
      %dma_wait3A_497 = tpu.memref_squeeze %dma_wait3A_496 : memref<1x128x128xf32, #tpu.memory_space<vmem>> -> memref<128x128xf32, #tpu.memory_space<vmem>>
      %dma_wait3A_498 = arith.constant 112 : i32
      %dma_wait3A_499 = arith.constant 0 : i32
      %dma_wait3A_500 = tpu.memref_slice %dma_wait3A_497[%dma_wait3A_498, %dma_wait3A_499] : memref<128x128xf32, #tpu.memory_space<vmem>> -> memref<16x128xf32, #tpu.memory_space<vmem>>
      %dma_wait3A_501 = arith.constant 0 : i32
      %dma_wait3A_502 = arith.constant 0 : i32
      %dma_wait3A_503 = tpu.memref_slice %arg4[%dma_wait3A_501, %dma_wait3A_502] : memref<1000000x128xf32, #tpu.memory_space<hbm>> -> memref<1000000x128xf32, #tpu.memory_space<hbm>>
      tpu.wait_indirect_dma semaphore(%arg11 : memref<!tpu.dma_semaphore, #tpu.memory_space<semaphore_mem>>) src(%dma_wait3A_503 : memref<1000000x128xf32, #tpu.memory_space<hbm>>) dst(%dma_wait3A_500 : memref<16x128xf32, #tpu.memory_space<vmem>>)
      %ge3A_504 = arith.constant 2 : i32
      %ge3A_505 = arith.cmpi sge, %add3A_360, %ge3A_504 : i32
      %convert_element_type3A_506 = arith.extui %ge3A_505 : i1 to i32
      %cond3A_507 = arith.constant 0 : i32
      %cond3A_508 = arith.cmpi ne, %convert_element_type3A_506, %cond3A_507 : i32
      scf.if %cond3A_508 {
        %sub3A = arith.constant 2 : i32
        %sub3A_551 = arith.subi %add3A_360, %sub3A : i32
        %add3A_552 = arith.addi %mul3A_2, %sub3A_551 : i32
        %shift_right_logical3A_553 = arith.constant 3 : i32
        %shift_right_logical3A_554 = arith.shrui %add3A_552, %shift_right_logical3A_553 : i32
        %rem3A_555 = arith.constant 8 : i32
        %rem3A_556 = arith.remsi %add3A_552, %rem3A_555 : i32
        %mul3A_557 = arith.constant 128 : i32
        %mul3A_558 = arith.muli %rem3A_556, %mul3A_557 : i32
        %dma_wait3A_559 = arith.constant 1 : i32
        %dma_wait3A_560 = arith.constant 0 : i32
        %dma_wait3A_561 = arith.constant 0 : i32
        %dma_wait3A_562 = tpu.memref_slice %arg8[%dma_wait3A_559, %dma_wait3A_560, %dma_wait3A_561] : memref<2x64x128xf32, #tpu.memory_space<vmem>> -> memref<1x64x128xf32, #tpu.memory_space<vmem>>
        %dma_wait3A_563 = tpu.memref_squeeze %dma_wait3A_562 : memref<1x64x128xf32, #tpu.memory_space<vmem>> -> memref<64x128xf32, #tpu.memory_space<vmem>>
        %dma_wait3A_564 = arith.constant 0 : i32
        %dma_wait3A_565 = arith.constant 0 : i32
        %dma_wait3A_566 = tpu.memref_slice %arg5[%shift_right_logical3A_554, %dma_wait3A_564, %dma_wait3A_565] : memref<200x64x1024xf32, #tpu.memory_space<hbm>> -> memref<1x64x1024xf32, #tpu.memory_space<hbm>>
        %dma_wait3A_567 = tpu.memref_squeeze %dma_wait3A_566 : memref<1x64x1024xf32, #tpu.memory_space<hbm>> -> memref<64x1024xf32, #tpu.memory_space<hbm>>
        %dma_wait3A_568 = arith.constant 0 : i32
        %dma_wait3A_569 = tpu.memref_slice %dma_wait3A_567[%dma_wait3A_568, %mul3A_558] : memref<64x1024xf32, #tpu.memory_space<hbm>> -> memref<64x128xf32, #tpu.memory_space<hbm>>
        %dma_wait3A_570 = arith.constant 0 : i32
        %dma_wait3A_571 = arith.constant 0 : i32
        %dma_wait3A_572 = tpu.memref_slice %arg5[%shift_right_logical3A_554, %dma_wait3A_570, %dma_wait3A_571] : memref<200x64x1024xf32, #tpu.memory_space<hbm>> -> memref<1x64x1024xf32, #tpu.memory_space<hbm>>
        %dma_wait3A_573 = tpu.memref_squeeze %dma_wait3A_572 : memref<1x64x1024xf32, #tpu.memory_space<hbm>> -> memref<64x1024xf32, #tpu.memory_space<hbm>>
        %dma_wait3A_574 = arith.constant 0 : i32
        %dma_wait3A_575 = tpu.memref_slice %dma_wait3A_573[%dma_wait3A_574, %mul3A_558] : memref<64x1024xf32, #tpu.memory_space<hbm>> -> memref<64x128xf32, #tpu.memory_space<hbm>>
        %dma_wait3A_576 = arith.constant 0 : i32
        %dma_wait3A_577 = arith.constant 0 : i32
        %dma_wait3A_578 = tpu.memref_slice %arg8[%dma_wait3A_559, %dma_wait3A_576, %dma_wait3A_577] : memref<2x64x128xf32, #tpu.memory_space<vmem>> -> memref<1x64x128xf32, #tpu.memory_space<vmem>>
        %dma_wait3A_579 = tpu.memref_squeeze %dma_wait3A_578 : memref<1x64x128xf32, #tpu.memory_space<vmem>> -> memref<64x128xf32, #tpu.memory_space<vmem>>
        tpu.wait_dma2 semaphore(%arg13 : memref<!tpu.dma_semaphore, #tpu.memory_space<semaphore_mem>>) src(%dma_wait3A_579 : memref<64x128xf32, #tpu.memory_space<vmem>>) dst(%dma_wait3A_575 : memref<64x128xf32, #tpu.memory_space<hbm>>)
      } else {
      }
      %add3A_509 = arith.addi %mul3A_2, %add3A_360 : i32
      %shift_right_logical3A_510 = arith.constant 3 : i32
      %shift_right_logical3A_511 = arith.shrui %add3A_509, %shift_right_logical3A_510 : i32
      %shift_right_logical3A_512 = arith.constant 1 : i32
      %shift_right_logical3A_513 = arith.shrui %shift_right_logical3A_511, %shift_right_logical3A_512 : i32
      %rem3A_514 = arith.constant 2 : i32
      %rem3A_515 = arith.remsi %shift_right_logical3A_511, %rem3A_514 : i32
      %mul3A_516 = arith.constant 64 : i32
      %mul3A_517 = arith.muli %rem3A_515, %mul3A_516 : i32
      %parallel_loop3A_518 = arith.constant 0 : i32
      %parallel_loop3A_519 = arith.constant 64 : i32
      %parallel_loop3A_520 = arith.constant 1 : i32
      %parallel_loop3A_521 = arith.constant 1 : i32
      %parallel_loop3A_522 = arith.constant 1 : i32
      scf.for %parallel_loop3A_551 = %parallel_loop3A_518 to %parallel_loop3A_519 step %parallel_loop3A_520  : i32 {
        %parallel_loop3A_552 = vector.broadcast %shift_right_logical3A_513 : i32 to vector<16xi32>
        %parallel_loop3A_553 = arith.addi %mul3A_517, %parallel_loop3A_551 : i32
        %parallel_loop3A_554 = vector.broadcast %parallel_loop3A_553 : i32 to vector<16xi32>
        %parallel_loop3A_555 = tpu.vector_load_idx %arg9[%parallel_loop3A_552, %parallel_loop3A_554] : memref<100x128xf32, #tpu.memory_space<vmem>>[vector<16xi32>, vector<16xi32>], vector<16xf32>,
        %parallel_loop3A_556 = vector.broadcast %parallel_loop3A_551 : i32 to vector<16xi32>
        %parallel_loop3A_557 = tpu.iota {dimensions = array<i32: 0>} : vector<16xi32>
        %parallel_loop3A_558 = arith.constant 0 : i32
        %parallel_loop3A_559 = vector.broadcast %parallel_loop3A_558 : i32 to vector<16xi32>
        %parallel_loop3A_560 = arith.addi %parallel_loop3A_557, %parallel_loop3A_559 : vector<16xi32>
        %parallel_loop3A_561 = arith.constant 0 : i32
        %parallel_loop3A_562 = arith.constant 0 : i32
        %parallel_loop3A_563 = tpu.memref_slice %arg7[%parallel_loop3A_521, %parallel_loop3A_561, %parallel_loop3A_562] : memref<2x128x128xf32, #tpu.memory_space<vmem>> -> memref<1x128x128xf32, #tpu.memory_space<vmem>>
        %parallel_loop3A_564 = tpu.memref_squeeze %parallel_loop3A_563 : memref<1x128x128xf32, #tpu.memory_space<vmem>> -> memref<128x128xf32, #tpu.memory_space<vmem>>
        %parallel_loop3A_565 = tpu.vector_load_idx %parallel_loop3A_564[%parallel_loop3A_560, %parallel_loop3A_556] : memref<128x128xf32, #tpu.memory_space<vmem>>[vector<16xi32>, vector<16xi32>], vector<16xf32>,
        %parallel_loop3A_566 = arith.addf %parallel_loop3A_565, %parallel_loop3A_555 : vector<16xf32>
        %parallel_loop3A_567 = arith.constant 0 : i32
        %parallel_loop3A_568 = arith.constant 0 : i32
        %parallel_loop3A_569 = tpu.memref_slice %arg8[%parallel_loop3A_522, %parallel_loop3A_567, %parallel_loop3A_568] : memref<2x64x128xf32, #tpu.memory_space<vmem>> -> memref<1x64x128xf32, #tpu.memory_space<vmem>>
        %parallel_loop3A_570 = tpu.memref_squeeze %parallel_loop3A_569 : memref<1x64x128xf32, #tpu.memory_space<vmem>> -> memref<64x128xf32, #tpu.memory_space<vmem>>
        %parallel_loop3A_571 = arith.index_cast %parallel_loop3A_551 : i32 to index
        %parallel_loop3A_572 = arith.constant 0 : index
        %parallel_loop3A_573 = tpu.vector_load %parallel_loop3A_570[%parallel_loop3A_571, %parallel_loop3A_572] {strides = array<i32>} : memref<64x128xf32, #tpu.memory_space<vmem>>, vector<16xf32>,
        tpu.vector_store %parallel_loop3A_570[%parallel_loop3A_571, %parallel_loop3A_572], %parallel_loop3A_566 {strides = array<i32>} : memref<64x128xf32, #tpu.memory_space<vmem>>, vector<16xf32>,
        %parallel_loop3A_574 = tpu.iota {dimensions = array<i32: 0>} : vector<16xi32>
        %parallel_loop3A_575 = arith.constant 16 : i32
        %parallel_loop3A_576 = vector.broadcast %parallel_loop3A_575 : i32 to vector<16xi32>
        %parallel_loop3A_577 = arith.addi %parallel_loop3A_574, %parallel_loop3A_576 : vector<16xi32>
        %parallel_loop3A_578 = arith.constant 0 : i32
        %parallel_loop3A_579 = arith.constant 0 : i32
        %parallel_loop3A_580 = tpu.memref_slice %arg7[%parallel_loop3A_521, %parallel_loop3A_578, %parallel_loop3A_579] : memref<2x128x128xf32, #tpu.memory_space<vmem>> -> memref<1x128x128xf32, #tpu.memory_space<vmem>>
        %parallel_loop3A_581 = tpu.memref_squeeze %parallel_loop3A_580 : memref<1x128x128xf32, #tpu.memory_space<vmem>> -> memref<128x128xf32, #tpu.memory_space<vmem>>
        %parallel_loop3A_582 = tpu.vector_load_idx %parallel_loop3A_581[%parallel_loop3A_577, %parallel_loop3A_556] : memref<128x128xf32, #tpu.memory_space<vmem>>[vector<16xi32>, vector<16xi32>], vector<16xf32>,
        %parallel_loop3A_583 = arith.addf %parallel_loop3A_582, %parallel_loop3A_555 : vector<16xf32>
        %parallel_loop3A_584 = arith.constant 0 : i32
        %parallel_loop3A_585 = arith.constant 0 : i32
        %parallel_loop3A_586 = tpu.memref_slice %arg8[%parallel_loop3A_522, %parallel_loop3A_584, %parallel_loop3A_585] : memref<2x64x128xf32, #tpu.memory_space<vmem>> -> memref<1x64x128xf32, #tpu.memory_space<vmem>>
        %parallel_loop3A_587 = tpu.memref_squeeze %parallel_loop3A_586 : memref<1x64x128xf32, #tpu.memory_space<vmem>> -> memref<64x128xf32, #tpu.memory_space<vmem>>
        %parallel_loop3A_588 = arith.index_cast %parallel_loop3A_551 : i32 to index
        %parallel_loop3A_589 = arith.constant 16 : index
        %parallel_loop3A_590 = tpu.vector_load %parallel_loop3A_587[%parallel_loop3A_588, %parallel_loop3A_589] {strides = array<i32>} : memref<64x128xf32, #tpu.memory_space<vmem>>, vector<16xf32>,
        tpu.vector_store %parallel_loop3A_587[%parallel_loop3A_588, %parallel_loop3A_589], %parallel_loop3A_583 {strides = array<i32>} : memref<64x128xf32, #tpu.memory_space<vmem>>, vector<16xf32>,
        %parallel_loop3A_591 = tpu.iota {dimensions = array<i32: 0>} : vector<16xi32>
        %parallel_loop3A_592 = arith.constant 32 : i32
        %parallel_loop3A_593 = vector.broadcast %parallel_loop3A_592 : i32 to vector<16xi32>
        %parallel_loop3A_594 = arith.addi %parallel_loop3A_591, %parallel_loop3A_593 : vector<16xi32>
        %parallel_loop3A_595 = arith.constant 0 : i32
        %parallel_loop3A_596 = arith.constant 0 : i32
        %parallel_loop3A_597 = tpu.memref_slice %arg7[%parallel_loop3A_521, %parallel_loop3A_595, %parallel_loop3A_596] : memref<2x128x128xf32, #tpu.memory_space<vmem>> -> memref<1x128x128xf32, #tpu.memory_space<vmem>>
        %parallel_loop3A_598 = tpu.memref_squeeze %parallel_loop3A_597 : memref<1x128x128xf32, #tpu.memory_space<vmem>> -> memref<128x128xf32, #tpu.memory_space<vmem>>
        %parallel_loop3A_599 = tpu.vector_load_idx %parallel_loop3A_598[%parallel_loop3A_594, %parallel_loop3A_556] : memref<128x128xf32, #tpu.memory_space<vmem>>[vector<16xi32>, vector<16xi32>], vector<16xf32>,
        %parallel_loop3A_600 = arith.addf %parallel_loop3A_599, %parallel_loop3A_555 : vector<16xf32>
        %parallel_loop3A_601 = arith.constant 0 : i32
        %parallel_loop3A_602 = arith.constant 0 : i32
        %parallel_loop3A_603 = tpu.memref_slice %arg8[%parallel_loop3A_522, %parallel_loop3A_601, %parallel_loop3A_602] : memref<2x64x128xf32, #tpu.memory_space<vmem>> -> memref<1x64x128xf32, #tpu.memory_space<vmem>>
        %parallel_loop3A_604 = tpu.memref_squeeze %parallel_loop3A_603 : memref<1x64x128xf32, #tpu.memory_space<vmem>> -> memref<64x128xf32, #tpu.memory_space<vmem>>
        %parallel_loop3A_605 = arith.index_cast %parallel_loop3A_551 : i32 to index
        %parallel_loop3A_606 = arith.constant 32 : index
        %parallel_loop3A_607 = tpu.vector_load %parallel_loop3A_604[%parallel_loop3A_605, %parallel_loop3A_606] {strides = array<i32>} : memref<64x128xf32, #tpu.memory_space<vmem>>, vector<16xf32>,
        tpu.vector_store %parallel_loop3A_604[%parallel_loop3A_605, %parallel_loop3A_606], %parallel_loop3A_600 {strides = array<i32>} : memref<64x128xf32, #tpu.memory_space<vmem>>, vector<16xf32>,
        %parallel_loop3A_608 = tpu.iota {dimensions = array<i32: 0>} : vector<16xi32>
        %parallel_loop3A_609 = arith.constant 48 : i32
        %parallel_loop3A_610 = vector.broadcast %parallel_loop3A_609 : i32 to vector<16xi32>
        %parallel_loop3A_611 = arith.addi %parallel_loop3A_608, %parallel_loop3A_610 : vector<16xi32>
        %parallel_loop3A_612 = arith.constant 0 : i32
        %parallel_loop3A_613 = arith.constant 0 : i32
        %parallel_loop3A_614 = tpu.memref_slice %arg7[%parallel_loop3A_521, %parallel_loop3A_612, %parallel_loop3A_613] : memref<2x128x128xf32, #tpu.memory_space<vmem>> -> memref<1x128x128xf32, #tpu.memory_space<vmem>>
        %parallel_loop3A_615 = tpu.memref_squeeze %parallel_loop3A_614 : memref<1x128x128xf32, #tpu.memory_space<vmem>> -> memref<128x128xf32, #tpu.memory_space<vmem>>
        %parallel_loop3A_616 = tpu.vector_load_idx %parallel_loop3A_615[%parallel_loop3A_611, %parallel_loop3A_556] : memref<128x128xf32, #tpu.memory_space<vmem>>[vector<16xi32>, vector<16xi32>], vector<16xf32>,
        %parallel_loop3A_617 = arith.addf %parallel_loop3A_616, %parallel_loop3A_555 : vector<16xf32>
        %parallel_loop3A_618 = arith.constant 0 : i32
        %parallel_loop3A_619 = arith.constant 0 : i32
        %parallel_loop3A_620 = tpu.memref_slice %arg8[%parallel_loop3A_522, %parallel_loop3A_618, %parallel_loop3A_619] : memref<2x64x128xf32, #tpu.memory_space<vmem>> -> memref<1x64x128xf32, #tpu.memory_space<vmem>>
        %parallel_loop3A_621 = tpu.memref_squeeze %parallel_loop3A_620 : memref<1x64x128xf32, #tpu.memory_space<vmem>> -> memref<64x128xf32, #tpu.memory_space<vmem>>
        %parallel_loop3A_622 = arith.index_cast %parallel_loop3A_551 : i32 to index
        %parallel_loop3A_623 = arith.constant 48 : index
        %parallel_loop3A_624 = tpu.vector_load %parallel_loop3A_621[%parallel_loop3A_622, %parallel_loop3A_623] {strides = array<i32>} : memref<64x128xf32, #tpu.memory_space<vmem>>, vector<16xf32>,
        tpu.vector_store %parallel_loop3A_621[%parallel_loop3A_622, %parallel_loop3A_623], %parallel_loop3A_617 {strides = array<i32>} : memref<64x128xf32, #tpu.memory_space<vmem>>, vector<16xf32>,
        %parallel_loop3A_625 = tpu.iota {dimensions = array<i32: 0>} : vector<16xi32>
        %parallel_loop3A_626 = arith.constant 64 : i32
        %parallel_loop3A_627 = vector.broadcast %parallel_loop3A_626 : i32 to vector<16xi32>
        %parallel_loop3A_628 = arith.addi %parallel_loop3A_625, %parallel_loop3A_627 : vector<16xi32>
        %parallel_loop3A_629 = arith.constant 0 : i32
        %parallel_loop3A_630 = arith.constant 0 : i32
        %parallel_loop3A_631 = tpu.memref_slice %arg7[%parallel_loop3A_521, %parallel_loop3A_629, %parallel_loop3A_630] : memref<2x128x128xf32, #tpu.memory_space<vmem>> -> memref<1x128x128xf32, #tpu.memory_space<vmem>>
        %parallel_loop3A_632 = tpu.memref_squeeze %parallel_loop3A_631 : memref<1x128x128xf32, #tpu.memory_space<vmem>> -> memref<128x128xf32, #tpu.memory_space<vmem>>
        %parallel_loop3A_633 = tpu.vector_load_idx %parallel_loop3A_632[%parallel_loop3A_628, %parallel_loop3A_556] : memref<128x128xf32, #tpu.memory_space<vmem>>[vector<16xi32>, vector<16xi32>], vector<16xf32>,
        %parallel_loop3A_634 = arith.addf %parallel_loop3A_633, %parallel_loop3A_555 : vector<16xf32>
        %parallel_loop3A_635 = arith.constant 0 : i32
        %parallel_loop3A_636 = arith.constant 0 : i32
        %parallel_loop3A_637 = tpu.memref_slice %arg8[%parallel_loop3A_522, %parallel_loop3A_635, %parallel_loop3A_636] : memref<2x64x128xf32, #tpu.memory_space<vmem>> -> memref<1x64x128xf32, #tpu.memory_space<vmem>>
        %parallel_loop3A_638 = tpu.memref_squeeze %parallel_loop3A_637 : memref<1x64x128xf32, #tpu.memory_space<vmem>> -> memref<64x128xf32, #tpu.memory_space<vmem>>
        %parallel_loop3A_639 = arith.index_cast %parallel_loop3A_551 : i32 to index
        %parallel_loop3A_640 = arith.constant 64 : index
        %parallel_loop3A_641 = tpu.vector_load %parallel_loop3A_638[%parallel_loop3A_639, %parallel_loop3A_640] {strides = array<i32>} : memref<64x128xf32, #tpu.memory_space<vmem>>, vector<16xf32>,
        tpu.vector_store %parallel_loop3A_638[%parallel_loop3A_639, %parallel_loop3A_640], %parallel_loop3A_634 {strides = array<i32>} : memref<64x128xf32, #tpu.memory_space<vmem>>, vector<16xf32>,
        %parallel_loop3A_642 = tpu.iota {dimensions = array<i32: 0>} : vector<16xi32>
        %parallel_loop3A_643 = arith.constant 80 : i32
        %parallel_loop3A_644 = vector.broadcast %parallel_loop3A_643 : i32 to vector<16xi32>
        %parallel_loop3A_645 = arith.addi %parallel_loop3A_642, %parallel_loop3A_644 : vector<16xi32>
        %parallel_loop3A_646 = arith.constant 0 : i32
        %parallel_loop3A_647 = arith.constant 0 : i32
        %parallel_loop3A_648 = tpu.memref_slice %arg7[%parallel_loop3A_521, %parallel_loop3A_646, %parallel_loop3A_647] : memref<2x128x128xf32, #tpu.memory_space<vmem>> -> memref<1x128x128xf32, #tpu.memory_space<vmem>>
        %parallel_loop3A_649 = tpu.memref_squeeze %parallel_loop3A_648 : memref<1x128x128xf32, #tpu.memory_space<vmem>> -> memref<128x128xf32, #tpu.memory_space<vmem>>
        %parallel_loop3A_650 = tpu.vector_load_idx %parallel_loop3A_649[%parallel_loop3A_645, %parallel_loop3A_556] : memref<128x128xf32, #tpu.memory_space<vmem>>[vector<16xi32>, vector<16xi32>], vector<16xf32>,
        %parallel_loop3A_651 = arith.addf %parallel_loop3A_650, %parallel_loop3A_555 : vector<16xf32>
        %parallel_loop3A_652 = arith.constant 0 : i32
        %parallel_loop3A_653 = arith.constant 0 : i32
        %parallel_loop3A_654 = tpu.memref_slice %arg8[%parallel_loop3A_522, %parallel_loop3A_652, %parallel_loop3A_653] : memref<2x64x128xf32, #tpu.memory_space<vmem>> -> memref<1x64x128xf32, #tpu.memory_space<vmem>>
        %parallel_loop3A_655 = tpu.memref_squeeze %parallel_loop3A_654 : memref<1x64x128xf32, #tpu.memory_space<vmem>> -> memref<64x128xf32, #tpu.memory_space<vmem>>
        %parallel_loop3A_656 = arith.index_cast %parallel_loop3A_551 : i32 to index
        %parallel_loop3A_657 = arith.constant 80 : index
        %parallel_loop3A_658 = tpu.vector_load %parallel_loop3A_655[%parallel_loop3A_656, %parallel_loop3A_657] {strides = array<i32>} : memref<64x128xf32, #tpu.memory_space<vmem>>, vector<16xf32>,
        tpu.vector_store %parallel_loop3A_655[%parallel_loop3A_656, %parallel_loop3A_657], %parallel_loop3A_651 {strides = array<i32>} : memref<64x128xf32, #tpu.memory_space<vmem>>, vector<16xf32>,
        %parallel_loop3A_659 = tpu.iota {dimensions = array<i32: 0>} : vector<16xi32>
        %parallel_loop3A_660 = arith.constant 96 : i32
        %parallel_loop3A_661 = vector.broadcast %parallel_loop3A_660 : i32 to vector<16xi32>
        %parallel_loop3A_662 = arith.addi %parallel_loop3A_659, %parallel_loop3A_661 : vector<16xi32>
        %parallel_loop3A_663 = arith.constant 0 : i32
        %parallel_loop3A_664 = arith.constant 0 : i32
        %parallel_loop3A_665 = tpu.memref_slice %arg7[%parallel_loop3A_521, %parallel_loop3A_663, %parallel_loop3A_664] : memref<2x128x128xf32, #tpu.memory_space<vmem>> -> memref<1x128x128xf32, #tpu.memory_space<vmem>>
        %parallel_loop3A_666 = tpu.memref_squeeze %parallel_loop3A_665 : memref<1x128x128xf32, #tpu.memory_space<vmem>> -> memref<128x128xf32, #tpu.memory_space<vmem>>
        %parallel_loop3A_667 = tpu.vector_load_idx %parallel_loop3A_666[%parallel_loop3A_662, %parallel_loop3A_556] : memref<128x128xf32, #tpu.memory_space<vmem>>[vector<16xi32>, vector<16xi32>], vector<16xf32>,
        %parallel_loop3A_668 = arith.addf %parallel_loop3A_667, %parallel_loop3A_555 : vector<16xf32>
        %parallel_loop3A_669 = arith.constant 0 : i32
        %parallel_loop3A_670 = arith.constant 0 : i32
        %parallel_loop3A_671 = tpu.memref_slice %arg8[%parallel_loop3A_522, %parallel_loop3A_669, %parallel_loop3A_670] : memref<2x64x128xf32, #tpu.memory_space<vmem>> -> memref<1x64x128xf32, #tpu.memory_space<vmem>>
        %parallel_loop3A_672 = tpu.memref_squeeze %parallel_loop3A_671 : memref<1x64x128xf32, #tpu.memory_space<vmem>> -> memref<64x128xf32, #tpu.memory_space<vmem>>
        %parallel_loop3A_673 = arith.index_cast %parallel_loop3A_551 : i32 to index
        %parallel_loop3A_674 = arith.constant 96 : index
        %parallel_loop3A_675 = tpu.vector_load %parallel_loop3A_672[%parallel_loop3A_673, %parallel_loop3A_674] {strides = array<i32>} : memref<64x128xf32, #tpu.memory_space<vmem>>, vector<16xf32>,
        tpu.vector_store %parallel_loop3A_672[%parallel_loop3A_673, %parallel_loop3A_674], %parallel_loop3A_668 {strides = array<i32>} : memref<64x128xf32, #tpu.memory_space<vmem>>, vector<16xf32>,
        %parallel_loop3A_676 = tpu.iota {dimensions = array<i32: 0>} : vector<16xi32>
        %parallel_loop3A_677 = arith.constant 112 : i32
        %parallel_loop3A_678 = vector.broadcast %parallel_loop3A_677 : i32 to vector<16xi32>
        %parallel_loop3A_679 = arith.addi %parallel_loop3A_676, %parallel_loop3A_678 : vector<16xi32>
        %parallel_loop3A_680 = arith.constant 0 : i32
        %parallel_loop3A_681 = arith.constant 0 : i32
        %parallel_loop3A_682 = tpu.memref_slice %arg7[%parallel_loop3A_521, %parallel_loop3A_680, %parallel_loop3A_681] : memref<2x128x128xf32, #tpu.memory_space<vmem>> -> memref<1x128x128xf32, #tpu.memory_space<vmem>>
        %parallel_loop3A_683 = tpu.memref_squeeze %parallel_loop3A_682 : memref<1x128x128xf32, #tpu.memory_space<vmem>> -> memref<128x128xf32, #tpu.memory_space<vmem>>
        %parallel_loop3A_684 = tpu.vector_load_idx %parallel_loop3A_683[%parallel_loop3A_679, %parallel_loop3A_556] : memref<128x128xf32, #tpu.memory_space<vmem>>[vector<16xi32>, vector<16xi32>], vector<16xf32>,
        %parallel_loop3A_685 = arith.addf %parallel_loop3A_684, %parallel_loop3A_555 : vector<16xf32>
        %parallel_loop3A_686 = arith.constant 0 : i32
        %parallel_loop3A_687 = arith.constant 0 : i32
        %parallel_loop3A_688 = tpu.memref_slice %arg8[%parallel_loop3A_522, %parallel_loop3A_686, %parallel_loop3A_687] : memref<2x64x128xf32, #tpu.memory_space<vmem>> -> memref<1x64x128xf32, #tpu.memory_space<vmem>>
        %parallel_loop3A_689 = tpu.memref_squeeze %parallel_loop3A_688 : memref<1x64x128xf32, #tpu.memory_space<vmem>> -> memref<64x128xf32, #tpu.memory_space<vmem>>
        %parallel_loop3A_690 = arith.index_cast %parallel_loop3A_551 : i32 to index
        %parallel_loop3A_691 = arith.constant 112 : index
        %parallel_loop3A_692 = tpu.vector_load %parallel_loop3A_689[%parallel_loop3A_690, %parallel_loop3A_691] {strides = array<i32>} : memref<64x128xf32, #tpu.memory_space<vmem>>, vector<16xf32>,
        tpu.vector_store %parallel_loop3A_689[%parallel_loop3A_690, %parallel_loop3A_691], %parallel_loop3A_685 {strides = array<i32>} : memref<64x128xf32, #tpu.memory_space<vmem>>, vector<16xf32>,
      } {sc.loop_unroll_factor = 4 : i64, sc.parallel_access}
      %add3A_523 = arith.addi %mul3A_2, %add3A_360 : i32
      %shift_right_logical3A_524 = arith.constant 3 : i32
      %shift_right_logical3A_525 = arith.shrui %add3A_523, %shift_right_logical3A_524 : i32
      %rem3A_526 = arith.constant 8 : i32
      %rem3A_527 = arith.remsi %add3A_523, %rem3A_526 : i32
      %mul3A_528 = arith.constant 128 : i32
      %mul3A_529 = arith.muli %rem3A_527, %mul3A_528 : i32
      %dma_start3A_530 = arith.constant 1 : i32
      %dma_start3A_531 = arith.constant 0 : i32
      %dma_start3A_532 = arith.constant 0 : i32
      %dma_start3A_533 = tpu.memref_slice %arg8[%dma_start3A_530, %dma_start3A_531, %dma_start3A_532] : memref<2x64x128xf32, #tpu.memory_space<vmem>> -> memref<1x64x128xf32, #tpu.memory_space<vmem>>
      %dma_start3A_534 = tpu.memref_squeeze %dma_start3A_533 : memref<1x64x128xf32, #tpu.memory_space<vmem>> -> memref<64x128xf32, #tpu.memory_space<vmem>>
      %dma_start3A_535 = arith.constant 0 : i32
      %dma_start3A_536 = arith.constant 0 : i32
      %dma_start3A_537 = tpu.memref_slice %arg5[%shift_right_logical3A_525, %dma_start3A_535, %dma_start3A_536] : memref<200x64x1024xf32, #tpu.memory_space<hbm>> -> memref<1x64x1024xf32, #tpu.memory_space<hbm>>
      %dma_start3A_538 = tpu.memref_squeeze %dma_start3A_537 : memref<1x64x1024xf32, #tpu.memory_space<hbm>> -> memref<64x1024xf32, #tpu.memory_space<hbm>>
      %dma_start3A_539 = arith.constant 0 : i32
      %dma_start3A_540 = tpu.memref_slice %dma_start3A_538[%dma_start3A_539, %mul3A_529] : memref<64x1024xf32, #tpu.memory_space<hbm>> -> memref<64x128xf32, #tpu.memory_space<hbm>>
      %dma_start3A_541 = arith.constant 0 : i32
      %dma_start3A_542 = arith.constant 0 : i32
      %dma_start3A_543 = tpu.memref_slice %arg5[%shift_right_logical3A_525, %dma_start3A_541, %dma_start3A_542] : memref<200x64x1024xf32, #tpu.memory_space<hbm>> -> memref<1x64x1024xf32, #tpu.memory_space<hbm>>
      %dma_start3A_544 = tpu.memref_squeeze %dma_start3A_543 : memref<1x64x1024xf32, #tpu.memory_space<hbm>> -> memref<64x1024xf32, #tpu.memory_space<hbm>>
      %dma_start3A_545 = arith.constant 0 : i32
      %dma_start3A_546 = tpu.memref_slice %dma_start3A_544[%dma_start3A_545, %mul3A_529] : memref<64x1024xf32, #tpu.memory_space<hbm>> -> memref<64x128xf32, #tpu.memory_space<hbm>>
      %dma_start3A_547 = arith.constant 0 : i32
      %dma_start3A_548 = arith.constant 0 : i32
      %dma_start3A_549 = tpu.memref_slice %arg8[%dma_start3A_530, %dma_start3A_547, %dma_start3A_548] : memref<2x64x128xf32, #tpu.memory_space<vmem>> -> memref<1x64x128xf32, #tpu.memory_space<vmem>>
      %dma_start3A_550 = tpu.memref_squeeze %dma_start3A_549 : memref<1x64x128xf32, #tpu.memory_space<vmem>> -> memref<64x128xf32, #tpu.memory_space<vmem>>
      tpu.enqueue_dma source(%dma_start3A_550 : memref<64x128xf32, #tpu.memory_space<vmem>>) target(%dma_start3A_546 : memref<64x128xf32, #tpu.memory_space<hbm>>) target_semaphore(%arg13 : memref<!tpu.dma_semaphore, #tpu.memory_space<semaphore_mem>>)
    }
    %scan3A_111 = arith.constant 25 : i32
    %add3A_112 = arith.constant 48 : i32
    %add3A_113 = arith.addi %mul3A_2, %add3A_112 : i32
    %shift_right_logical3A = arith.constant 3 : i32
    %shift_right_logical3A_114 = arith.shrui %add3A_113, %shift_right_logical3A : i32
    %rem3A = arith.constant 8 : i32
    %rem3A_115 = arith.remsi %add3A_113, %rem3A : i32
    %mul3A_116 = arith.constant 128 : i32
    %mul3A_117 = arith.muli %rem3A_115, %mul3A_116 : i32
    %dma_wait3A = arith.constant 0 : i32
    %dma_wait3A_118 = arith.constant 0 : i32
    %dma_wait3A_119 = arith.constant 0 : i32
    %dma_wait3A_120 = tpu.memref_slice %arg8[%dma_wait3A, %dma_wait3A_118, %dma_wait3A_119] : memref<2x64x128xf32, #tpu.memory_space<vmem>> -> memref<1x64x128xf32, #tpu.memory_space<vmem>>
    %dma_wait3A_121 = tpu.memref_squeeze %dma_wait3A_120 : memref<1x64x128xf32, #tpu.memory_space<vmem>> -> memref<64x128xf32, #tpu.memory_space<vmem>>
    %dma_wait3A_122 = arith.constant 0 : i32
    %dma_wait3A_123 = arith.constant 0 : i32
    %dma_wait3A_124 = tpu.memref_slice %arg5[%shift_right_logical3A_114, %dma_wait3A_122, %dma_wait3A_123] : memref<200x64x1024xf32, #tpu.memory_space<hbm>> -> memref<1x64x1024xf32, #tpu.memory_space<hbm>>
    %dma_wait3A_125 = tpu.memref_squeeze %dma_wait3A_124 : memref<1x64x1024xf32, #tpu.memory_space<hbm>> -> memref<64x1024xf32, #tpu.memory_space<hbm>>
    %dma_wait3A_126 = arith.constant 0 : i32
    %dma_wait3A_127 = tpu.memref_slice %dma_wait3A_125[%dma_wait3A_126, %mul3A_117] : memref<64x1024xf32, #tpu.memory_space<hbm>> -> memref<64x128xf32, #tpu.memory_space<hbm>>
    %dma_wait3A_128 = arith.constant 0 : i32
    %dma_wait3A_129 = arith.constant 0 : i32
    %dma_wait3A_130 = tpu.memref_slice %arg5[%shift_right_logical3A_114, %dma_wait3A_128, %dma_wait3A_129] : memref<200x64x1024xf32, #tpu.memory_space<hbm>> -> memref<1x64x1024xf32, #tpu.memory_space<hbm>>
    %dma_wait3A_131 = tpu.memref_squeeze %dma_wait3A_130 : memref<1x64x1024xf32, #tpu.memory_space<hbm>> -> memref<64x1024xf32, #tpu.memory_space<hbm>>
    %dma_wait3A_132 = arith.constant 0 : i32
    %dma_wait3A_133 = tpu.memref_slice %dma_wait3A_131[%dma_wait3A_132, %mul3A_117] : memref<64x1024xf32, #tpu.memory_space<hbm>> -> memref<64x128xf32, #tpu.memory_space<hbm>>
    %dma_wait3A_134 = arith.constant 0 : i32
    %dma_wait3A_135 = arith.constant 0 : i32
    %dma_wait3A_136 = tpu.memref_slice %arg8[%dma_wait3A, %dma_wait3A_134, %dma_wait3A_135] : memref<2x64x128xf32, #tpu.memory_space<vmem>> -> memref<1x64x128xf32, #tpu.memory_space<vmem>>
    %dma_wait3A_137 = tpu.memref_squeeze %dma_wait3A_136 : memref<1x64x128xf32, #tpu.memory_space<vmem>> -> memref<64x128xf32, #tpu.memory_space<vmem>>
    tpu.wait_dma2 semaphore(%arg12 : memref<!tpu.dma_semaphore, #tpu.memory_space<semaphore_mem>>) src(%dma_wait3A_137 : memref<64x128xf32, #tpu.memory_space<vmem>>) dst(%dma_wait3A_133 : memref<64x128xf32, #tpu.memory_space<hbm>>)
    %add3A_138 = arith.constant 49 : i32
    %add3A_139 = arith.addi %mul3A_2, %add3A_138 : i32
    %shift_right_logical3A_140 = arith.constant 3 : i32
    %shift_right_logical3A_141 = arith.shrui %add3A_139, %shift_right_logical3A_140 : i32
    %rem3A_142 = arith.constant 8 : i32
    %rem3A_143 = arith.remsi %add3A_139, %rem3A_142 : i32
    %mul3A_144 = arith.constant 128 : i32
    %mul3A_145 = arith.muli %rem3A_143, %mul3A_144 : i32
    %dma_wait3A_146 = arith.constant 1 : i32
    %dma_wait3A_147 = arith.constant 0 : i32
    %dma_wait3A_148 = arith.constant 0 : i32
    %dma_wait3A_149 = tpu.memref_slice %arg8[%dma_wait3A_146, %dma_wait3A_147, %dma_wait3A_148] : memref<2x64x128xf32, #tpu.memory_space<vmem>> -> memref<1x64x128xf32, #tpu.memory_space<vmem>>
    %dma_wait3A_150 = tpu.memref_squeeze %dma_wait3A_149 : memref<1x64x128xf32, #tpu.memory_space<vmem>> -> memref<64x128xf32, #tpu.memory_space<vmem>>
    %dma_wait3A_151 = arith.constant 0 : i32
    %dma_wait3A_152 = arith.constant 0 : i32
    %dma_wait3A_153 = tpu.memref_slice %arg5[%shift_right_logical3A_141, %dma_wait3A_151, %dma_wait3A_152] : memref<200x64x1024xf32, #tpu.memory_space<hbm>> -> memref<1x64x1024xf32, #tpu.memory_space<hbm>>
    %dma_wait3A_154 = tpu.memref_squeeze %dma_wait3A_153 : memref<1x64x1024xf32, #tpu.memory_space<hbm>> -> memref<64x1024xf32, #tpu.memory_space<hbm>>
    %dma_wait3A_155 = arith.constant 0 : i32
    %dma_wait3A_156 = tpu.memref_slice %dma_wait3A_154[%dma_wait3A_155, %mul3A_145] : memref<64x1024xf32, #tpu.memory_space<hbm>> -> memref<64x128xf32, #tpu.memory_space<hbm>>
    %dma_wait3A_157 = arith.constant 0 : i32
    %dma_wait3A_158 = arith.constant 0 : i32
    %dma_wait3A_159 = tpu.memref_slice %arg5[%shift_right_logical3A_141, %dma_wait3A_157, %dma_wait3A_158] : memref<200x64x1024xf32, #tpu.memory_space<hbm>> -> memref<1x64x1024xf32, #tpu.memory_space<hbm>>
    %dma_wait3A_160 = tpu.memref_squeeze %dma_wait3A_159 : memref<1x64x1024xf32, #tpu.memory_space<hbm>> -> memref<64x1024xf32, #tpu.memory_space<hbm>>
    %dma_wait3A_161 = arith.constant 0 : i32
    %dma_wait3A_162 = tpu.memref_slice %dma_wait3A_160[%dma_wait3A_161, %mul3A_145] : memref<64x1024xf32, #tpu.memory_space<hbm>> -> memref<64x128xf32, #tpu.memory_space<hbm>>
    %dma_wait3A_163 = arith.constant 0 : i32
    %dma_wait3A_164 = arith.constant 0 : i32
    %dma_wait3A_165 = tpu.memref_slice %arg8[%dma_wait3A_146, %dma_wait3A_163, %dma_wait3A_164] : memref<2x64x128xf32, #tpu.memory_space<vmem>> -> memref<1x64x128xf32, #tpu.memory_space<vmem>>
    %dma_wait3A_166 = tpu.memref_squeeze %dma_wait3A_165 : memref<1x64x128xf32, #tpu.memory_space<vmem>> -> memref<64x128xf32, #tpu.memory_space<vmem>>
    tpu.wait_dma2 semaphore(%arg13 : memref<!tpu.dma_semaphore, #tpu.memory_space<semaphore_mem>>) src(%dma_wait3A_166 : memref<64x128xf32, #tpu.memory_space<vmem>>) dst(%dma_wait3A_162 : memref<64x128xf32, #tpu.memory_space<hbm>>)
    return
  }
}

</mosaic_0001>

<sc_bundles>
// kernel: kernel.3.cloned.1.call-start
scs
__scs_entry_jumppad:
0x0: {  	(pc) =	sbr.rel $0x88, $3  }
0x1: {  	(tag) =	ssettag $0x0;
	lr =	simm.s32 $0x1  }
0x2: {  	[smem:$0x3F9E] =	sst lr;
	_ =	strace $0xD0000000  }
0x3: {  	_ = 	snop  }
0x4: {  	_ = 	snop  }
0x5: {  	_ = 	snop  }
0x6: {  	_ = 	snop  }
0x7: {  	_ = 	snop  }
__scs_overlays_trampoline_lowered:
0x8: {  	[smem:$0x3FAD] =	sst s0  }
0x9: {  	[smem:$0x3FAE] =	sst s1  }
0xa: {  	[smem:$0x3FAF] =	sst s2  }
0xb: {  	[smem:$0x3FB0] =	sst s3  }
0xc: {  	[smem:$0x3FB1] =	sst s4  }
0xd: {  	[smem:$0x3FB2] =	sst s5  }
0xe: {  	[smem:$0x3FB3] =	sst s6  }
0xf: {  	[smem:$0x3FB4] =	sst s7  }
0x10: {  	[smem:$0x3FB5] =	sst s8  }
0x11: {  	[smem:$0x3FB6] =	sst s9;
	s0 =	simm.s32 @!p0 $0x0  }
0x12: {  	s1 =	sld [smem:$0x3F9C];
	s0 =	simm.s32 @p0 $0x1  }
0x13: {  	[smem:$0x3FB7] =	sst s0;
	s0 =	simm.s32 @!p1 $0x0  }
0x14: {  	s2 =	sld [smem:$0x3F9B];
	s0 =	simm.s32 @p1 $0x1  }
0x15: {  	[smem:$0x3FB8] =	sst s0;
	s0 =	simm.s32 @!p2 $0x0  }
0x16: {  	s3 =	sld [smem:$0x3FDB];
	s0 =	simm.s32 @p2 $0x1  }
0x17: {  	s4 =	simm.s32 $0x1BF5;
	[smem:$0x3FBA] =	sst s0  }
0x18: {  	s0 =	sld [smem:$0x3F9D];
	_ =	swait.ge [sflag:s4], $0x0  }
0x19: {  	s7 =	sld [smem:$0x3F9E]  }
0x1a: {  	s8 =	sadd.s32 $0xFFFFE003, lr  }
0x1b: {  	s9 =	sadd.s32 $0xFFFFFEF7, lr;
	s5 =	simm.s32 $0xFFFFFFFF;
	p2 =	slt.u32 s8, $0xFFFFF086  }
0x1c: {  	p1 =	slt.u32 s9, $0xF7A;
	s5 =	simm.s32 @!p2 $0x0  }
0x1d: {  	s5 =	simm.s32 @p1 $0x1;
	p0 =	seq.s32 s7, s2  }
0x1e: {  	s7 =	smul.u32 @!p0 $0xF7A, s2;
	p2 =	seq.s32 @!p0 s5, $0x0  }
0x1f: {  	s9 =	smul.u32 $0xF7A, s1;
	s8 =	simm.s32 @!p0 $0x1BF5;
	p2 =	por !p2, p0  }
0x20: {  	[sflag:s8] =	ssyncset.s32 @!p0 $0xFFFFF086;
	s6 =	sadd.s32 @!p0 s3, s7;
	s7 =	simm.s32 @!p0 $0x108  }
0x21: {  	s3 =	sadd.s32 s3, s9;
	s6 =	sadd.s32 @!p0 $0x88, s6;
	s7 =	simm.s32 @p2 $0x1082  }
0x22: {  	[simem:s7], [sflag:s8] =	dma.local @!p0 [hbm:s6], $0xF7A  }
0x23: {  	s9 =	sor.u32 $0xD0000000, s2;
	s6 =	simm.s32 $0x108;
	_ =	swait.ge @!p0 [sflag:s8], $0x0  }
0x24: {  	s3 =	sadd.s32 $0x88, s3;
	s6 =	simm.s32 @!p1 $0x1082;
	[sflag:s4] =	ssyncset.s32 $0xFFFFF086  }
0x25: {  	[simem:s6], [sflag:s4] =	dma.local [hbm:s3], $0xF7A  }
0x26: {  	[smem:$0x3F9E] =	sst s1;
	(tag) =	ssettag s2;
	_ =	strace s9  }
0x27: {  	s1 =	sld [smem:$0x3FAE]  }
0x28: {  	s2 =	sld [smem:$0x3FAF]  }
0x29: {  	s4 =	sld [smem:$0x3FB1]  }
0x2a: {  	p0 =	seq.s32 s5, $0x0;
	s5 =	sld [smem:$0x3FB2]  }
0x2b: {  	s6 =	sld [smem:$0x3FB3]  }
0x2c: {  	s7 =	sld [smem:$0x3FB4]  }
0x2d: {  	s3 =	simm.s32 $0x108;
	s8 =	sld [smem:$0x3FB5]  }
0x2e: {  	s3 =	simm.s32 @!p0 $0x1082;
	s9 =	sld [smem:$0x3FB6]  }
0x2f: {  	lr =	sadd.s32 s0, s3;
	s0 =	sld [smem:$0x3FAD]  }
0x30: {  	s3 =	sld [smem:$0x3FB0]  }
0x31: {  	[smem:$0x3FB9] =	sst s10  }
0x32: {  	s10 =	sld [smem:$0x3FB7];
	_ =	sdelay $0x3  }
0x33: {  	p0 =	seq.s32 s10, $0x1;
	s10 =	sld [smem:$0x3FB9];
	_ =	sdelay $0x3  }
0x34: {  	[smem:$0x3FB9] =	sst s10  }
0x35: {  	s10 =	sld [smem:$0x3FB8];
	_ =	sdelay $0x3  }
0x36: {  	p1 =	seq.s32 s10, $0x1;
	s10 =	sld [smem:$0x3FB9];
	_ =	sdelay $0x3  }
0x37: {  	[smem:$0x3FB9] =	sst s10  }
0x38: {  	s10 =	sld [smem:$0x3FBA]  }
0x39: {  	_ = 	snop;
	(pc) =	sbr.ind lr, $3  }
0x3a: {  	_ = 	snop  }
0x3b: {  	_ = 	snop  }
0x3c: {  	p2 =	seq.s32 s10, $0x1;
	s10 =	sld [smem:$0x3FB9]  }
0x3d: {  	_ =	shalt  }
0x3e: {  	_ =	shalt  }
0x3f: {  	_ =	shalt  }
0x40: {  	_ =	shalt  }
0x41: {  	_ =	shalt  }
0x42: {  	_ =	shalt  }
0x43: {  	_ =	shalt  }
0x44: {  	_ =	shalt  }
0x45: {  	_ =	shalt  }
0x46: {  	_ =	shalt  }
0x47: {  	_ =	shalt  }
0x48: {  	_ =	shalt  }
0x49: {  	_ =	shalt  }
0x4a: {  	_ =	shalt  }
0x4b: {  	_ =	shalt  }
0x4c: {  	_ =	shalt  }
0x4d: {  	_ =	shalt  }
0x4e: {  	_ =	shalt  }
0x4f: {  	_ =	shalt  }
0x50: {  	_ =	shalt  }
0x51: {  	_ =	shalt  }
0x52: {  	_ =	shalt  }
0x53: {  	_ =	shalt  }
0x54: {  	_ =	shalt  }
0x55: {  	_ =	shalt  }
0x56: {  	_ =	shalt  }
0x57: {  	_ =	shalt  }
0x58: {  	_ =	shalt  }
0x59: {  	_ =	shalt  }
0x5a: {  	_ =	shalt  }
0x5b: {  	_ =	shalt  }
0x5c: {  	_ =	shalt  }
0x5d: {  	_ =	shalt  }
0x5e: {  	_ =	shalt  }
0x5f: {  	_ =	shalt  }
0x60: {  	_ =	shalt  }
0x61: {  	_ =	shalt  }
0x62: {  	_ =	shalt  }
0x63: {  	_ =	shalt  }
0x64: {  	_ =	shalt  }
0x65: {  	_ =	shalt  }
0x66: {  	_ =	shalt  }
0x67: {  	_ =	shalt  }
0x68: {  	_ =	shalt  }
0x69: {  	_ =	shalt  }
0x6a: {  	_ =	shalt  }
0x6b: {  	_ =	shalt  }
0x6c: {  	_ =	shalt  }
0x6d: {  	_ =	shalt  }
0x6e: {  	_ =	shalt  }
0x6f: {  	_ =	shalt  }
0x70: {  	_ =	shalt  }
0x71: {  	_ =	shalt  }
0x72: {  	_ =	shalt  }
0x73: {  	_ =	shalt  }
0x74: {  	_ =	shalt  }
0x75: {  	_ =	shalt  }
0x76: {  	_ =	shalt  }
0x77: {  	_ =	shalt  }
0x78: {  	_ =	shalt  }
0x79: {  	_ =	shalt  }
0x7a: {  	_ =	shalt  }
0x7b: {  	_ =	shalt  }
0x7c: {  	_ =	shalt  }
0x7d: {  	_ =	shalt  }
0x7e: {  	_ =	shalt  }
0x7f: {  	_ =	shalt  }
0x80: {  	_ =	shalt  }
0x81: {  	_ =	shalt  }
0x82: {  	_ =	shalt  }
0x83: {  	_ =	shalt  }
0x84: {  	_ =	shalt  }
0x85: {  	_ =	shalt  }
0x86: {  	_ =	shalt  }
0x87: {  	_ =	shalt  }
.Lfunc_end0:
.L_simem_size_0:
called_computation_lowered:
.L_overlay_start_0:
0x88: {  	s2 =	sld [smem:$0x3FD9]  }
0x89: {  	s3 =	sld [smem:$0x3FFE];
	_ =	sdelay $0x1  }
0x8a: {  	s1 =	srdreg.scid  }
0x8b: {  	s0 =	sand.u32 $0x1, s1  }
0x8c: {  	s17 =	sshll.u32 s0, $0xA;
	s2 =	sadd.s32 s3, s2  }
0x8d: {  	s2 =	sadd.s32 s2, s17  }
0x8e: {  	[smem:$0x3FC5] =	sst s2  }
0x8f: {  	_ = 	snop  }
0x90: {  	s2 =	sld [smem:$0x3FD0];
	(tm) =	ssettm $0x1  }
0x91: {  	s18 =	sld [smem:$0x3FFB];
	_ =	sdelay $0x3  }
0x92: {  	_ =	strace s18  }
0x93: {  	s3 =	sld [smem:$0x3FFC];
	_ =	sdelay $0x3  }
0x94: {  	_ =	strace s3  }
0x95: {  	s3 =	sld [smem:$0x3FFD];
	_ =	sdelay $0x3  }
0x96: {  	_ =	strace s3  }
0x97: {  	_ =	strace $0x8FFFFFFF  }
0x98: {  	s19 =	sld [smem:$0x3FDB];
	_ =	sdelay $0x1  }
0x99: {  	s4 =	simm.s32 $_scs_section_size  }
0x9a: {  	s5 =	simm.s32 $_size__tile_overlayer_lowered;
	s6 =	simm.s32 $_tile_overlayer_lowered  }
0x9b: {  	s22 =	simm.s32 $0x1BFF;
	s21 =	sshll.u32 s6, $0x1;
	s3 =	sadd.s32 s4, s19  }
0x9c: {  	s7 =	simm.s32 $0x0;
	s20 =	sshll.u32 s5, $0x1;
	s5 =	sadd.s32 s21, s3  }
0x9d: {  	[timem:s7], [sflag:s22] =	dma.local [hbm:s5], s20  }
0x9e: {  	_ =	swait.ge [sflag:s22], s20  }
0x9f: {  	s4 =	ssub.s32 $0x0, s20;
	[sflag:s22] =	ssyncset.done $0x0  }
0xa0: {  	[sflag:s22] =	ssyncadd.s32 s4;
	_ =	sdelay $0x1  }
0xa1: {  	s23 =	simm.s32 $0x1B8B  }
0xa2: {  	_ =	swait.ge [sflag:s23], $0x1  }
0xa3: {  	[sflag:s23] =	ssyncset.done $0x0  }
0xa4: {  	s25 =	simm.s32 $0x1B8E;
	s24 =	sld [smem:$0x3FFE];
	[sflag:s23] =	ssyncadd.s32 $0xFFFFFFFF  }
0xa5: {  	s26 =	simm.s32 $execute0_lowered;
	[smem:$0x3FD2] =	sst s25  }
0xa6: {  	s5 =	sshll.u32 s26, $0x1;
	_ =	strace $0x80000046;
	[dreg:$0x1] =	wrdreg $0xFFFFFFFF  }
0xa7: {  	s28 =	simm.s32 $_size_execute0_lowered;
	s3 =	sadd.s32 s3, s5;
	[dreg:$0x0] =	wrdreg $0x0  }
0xa8: {  	s5 =	sshll.u32 s28, $0x1;
	[dreg:$0x2] =	wrdreg s3  }
0xa9: {  	[dreg:$0x3] =	wrdreg s5  }
0xaa: {  	[dreg:$0x4] =	wrdreg $0xC0  }
0xab: {  	_ =	task [dreg:s7], $0x5FFFF  }
0xac: {  	[dreg:$0x1] =	wrdreg $0xFFFFFFFF  }
0xad: {  	[dreg:$0x0] =	wrdreg $0x60  }
0xae: {  	[dreg:$0x2] =	wrdreg s24  }
0xaf: {  	[dreg:$0x3] =	wrdreg s2  }
0xb0: {  	[dreg:$0x4] =	wrdreg $0x9  }
0xb1: {  	_ =	task.clear_ibuf [dreg:s7], $0x5FFFF;
	_ =	strace $0x90000046  }
0xb2: {  	s29 =	simm.s32 $0x9;
	_ =	strace $0x80000048  }
0xb3: {  	_ =	swait.ge [sflag:s29], $0x1  }
0xb4: {  	[sflag:s29] =	ssyncadd.s32 $0xFFFFFFFF  }
0xb5: {  	_ =	strace $0x90000048  }
0xb6: {  	_ =	sfence  }
0xb7: {  	s30 =	sld [smem:$0x0];
	_ =	sdelay $0x2  }
0xb8: {  	s31 =	sshll.u32 s1, $0xD;
	s1 =	sshrl.u32 s1, $0x2  }
0xb9: {  	s3 =	sand.u32 $0x4000, s31;
	s1 =	sadd.s32 s1, s30  }
0xba: {  	s0 =	sor.u32 s3, s0;
	s1 =	sshll.u32 s1, $0x11  }
0xbb: {  	s0 =	sor.u32 s1, s0  }
0xbc: {  	s0 =	sadd.s32 $0x8F2B, s0  }
0xbd: {  	[sflag:s0] =	ssyncadd.remote.s32 $0x1  }
0xbe: {  	_ =	sfence.sel $0xFFFF  }
0xbf: {  	[dreg:$0x0] =	wrdreg $0xFFFFFFFF;
	(pc) =	sbr.abs _section_cstart, $3  }
0xc0: {  	[dreg:$0x1] =	wrdreg $0xFFFFFFFF  }
0xc1: {  	_ =	task.clear_ibuf [dreg:s7], $0x2FFFF;
	_ =	strace $0x9FFFFFFF  }
0xc2: {  	(tm) =	ssettm $0x7FFFFFFF  }
0xc3: {  	_ =	shalt  }
tec
execute0_lowered:
.L_overlay_start_1:
0x0: {  	(tag) =	ssettag $0x1  }
0x1: {  	s0 =	rddreg [dreg:$0x0];
	s1 =	srdreg.scid  }
0x2: {  	s6 =	stileid.u32;
	s2 =	rddreg [dreg:$0x1]  }
0x3: {  	s3 =	simm.s32 $0x0;
	s11 =	simm.s32 $0xD900;
	s13 =	simm.s32 $0x1900  }
0x4: {  	s21 =	simm.s32 $0x5900;
	v0 =	vlaneseq.u32;
	s30 =	simm.s32 $0x1;
	s1 =	sand.u32 $0x1, s1  }
0x5: {  	s4 =	sshll.u32 s6, $0x1;
	[smem:$0x7FF] =	sst s3;
	s7 =	smul.u32 $0x64, s6;
	v6 =	vmul.u32 $0x80, v0  }
0x6: {  	s4 =	sor.u32 s1, s4;
	s24 =	ssub.s32 $0x2, s1;
	s1 =	smul.u32 $0x32, s1  }
0x7: {  	s25 =	sadd.s32 $0xF49000, s0;
	_ =	strace $0x80000047;
	s5 =	smul.u32 $0x320, s4;
	v4 =	vor.u32 $0x3800, v6;
	[tilespmem:$0x1FFE0] =	vst v6  }
0x8: {  	s31 =	simm.s32 $0x400;
	s14 =	simm.s32 $0x2;
	[dreg:$0x3] =	wrdreg s25;
	v1 =	vor.u32 $0x2000, v6;
	[tilespmem:$0x1FF90] =	vst v4  }
0x9: {  	s26 =	sshrl.u32 s24, $0x1;
	v2 =	vor.u32 $0x2800, v6;
	s1 =	sadd.s32 s1, s7;
	[tilespmem:$0x1FFA0] =	vst v1;
	s8 =	sadd.s32 s5, s0  }
0xa: {  	v0 =	vor.u32 $0x1800, v6;
	[tilespmem:$0x1FFB0] =	vst v2;
	s5 =	sadd.s32 $0xF49800, s0;
	[dreg:$0x4] =	wrdreg s1;
	s29 =	sor.u32 $0x1, s1  }
0xb: {  	v3 =	vor.u32 $0x3000, v6;
	[tilespmem:$0x1FFC0] =	vst v0;
	s0 =	ssub.s32 s24, s26;
	s28 =	sadd.s32 $0xF42C00, s8;
	[dreg:$0x7] =	wrdreg s29  }
0xc: {  	s6 =	smul.u32 $0x32, s4;
	v17 =	vor.u32 $0x800, v6;
	[tilespmem:$0x1FFD0] =	vst v3;
	s0 =	smax.u32 s0, $0x1;
	[dreg:$0x5] =	wrdreg s28  }
0xd: {  	vm0 =	vmmov $0xffff;
	v5 =	vor.u32 $0x1000, v6;
	s7 =	simm.s32 $0x0;
	[tilespmem:$0x1FFF0] =	vst v17;
	s1 =	simm.s32 $0x2000;
	[dreg:$0x6] =	wrdreg s0  }
.LBB2_1:
0xe: {  	[dreg:$0x8] =	wrdreg s7  }
0xf: {  	s0 =	rddreg [dreg:$0x3];
	s4 =	simm.s32 $0x5  }
0x10: {  	[tilespmem:s11], [sflag:$0x5] =	stream.linear.gather [hbm4b:s0+s3], $0x3200, $0x38;
	[tilespmem:$0x10D00] =	vst v63  }
0x11: {  	_ =	swait.ge [sflag:s4], $0x3200  }
0x12: {  	[sflag:s4] =	ssyncset.done $0x0  }
0x13: {  	s20 =	rddreg [dreg:$0x5];
	[sflag:s4] =	ssyncadd.s32 $0xFFFFCE00  }
0x14: {  	[tilespmem:s3], [sflag:$0x5] =	stream.linear.gather [hbm4b:s20+s3], $0x1900, $0x38;
	[tilespmem:$0x10D00] =	vst v63  }
0x15: {  	_ =	swait.ge [sflag:s4], $0x1900  }
0x16: {  	[sflag:s4] =	ssyncset.done $0x0  }
0x17: {  	[sflag:s4] =	ssyncadd.s32 $0xFFFFE700  }
0x18: {  	v8 =	vld [tilespmem:$0x0];
	_ =	sdelay $0x1  }
0x19: {  	v9 =	vld [tilespmem:$0x10]  }
0x1a: {  	v10 =	vld [tilespmem:$0x20]  }
0x1b: {  	v11 =	vld [tilespmem:$0x30]  }
0x1c: {  	v12 =	vld [tilespmem:$0x40]  }
0x1d: {  	v13 =	vld [tilespmem:$0x50]  }
0x1e: {  	v14 =	vld [tilespmem:$0x60]  }
0x1f: {  	v15 =	vld [tilespmem:$0x70];
	[tilespmem:s13], [sflag:$0x1] =	stream.indirect_vreg.gather [hbm4b:s5+s3], $0x80, v8, vm0, $0xb8  }
0x20: {  	s22 =	simm.s32 $0x2100  }
0x21: {  	[tilespmem:s22], [sflag:$0x1] =	stream.indirect_vreg.gather [hbm4b:s5+s3], $0x80, v9, vm0, $0xb8;
	[tilespmem:$0x10D00] =	vst v63  }
0x22: {  	s23 =	simm.s32 $0x2900  }
0x23: {  	[tilespmem:s23], [sflag:$0x1] =	stream.indirect_vreg.gather [hbm4b:s5+s3], $0x80, v10, vm0, $0xb8;
	[tilespmem:$0x10D00] =	vst v63  }
0x24: {  	s24 =	simm.s32 $0x3100  }
0x25: {  	[tilespmem:s24], [sflag:$0x1] =	stream.indirect_vreg.gather [hbm4b:s5+s3], $0x80, v11, vm0, $0xb8;
	[tilespmem:$0x10D00] =	vst v63  }
0x26: {  	s25 =	simm.s32 $0x3900  }
0x27: {  	[tilespmem:s25], [sflag:$0x1] =	stream.indirect_vreg.gather [hbm4b:s5+s3], $0x80, v12, vm0, $0xb8;
	[tilespmem:$0x10D00] =	vst v63  }
0x28: {  	s26 =	simm.s32 $0x4100  }
0x29: {  	[tilespmem:s26], [sflag:$0x1] =	stream.indirect_vreg.gather [hbm4b:s5+s3], $0x80, v13, vm0, $0xb8;
	[tilespmem:$0x10D00] =	vst v63  }
0x2a: {  	s28 =	simm.s32 $0x4900;
	s10 =	rddreg [dreg:$0x7]  }
0x2b: {  	[tilespmem:s28], [sflag:$0x1] =	stream.indirect_vreg.gather [hbm4b:s5+s3], $0x80, v14, vm0, $0xb8;
	[tilespmem:$0x10D00] =	vst v63  }
0x2c: {  	s29 =	simm.s32 $0x5100;
	s7 =	rddreg [dreg:$0x4];
	s4 =	simm.s32 $0x0  }
0x2d: {  	[tilespmem:s29], [sflag:$0x1] =	stream.indirect_vreg.gather [hbm4b:s5+s3], $0x80, v15, vm0, $0xb8;
	[tilespmem:$0x10D00] =	vst v63  }
.LBB2_2:
0x2e: {  	s9 =	sshllo.u32 s4, $0x1  }
0x2f: {  	s8 =	sshll.u32 s9, $0x7  }
0x30: {  	s8 =	sand.u32 $0x3FFFFF80, s8  }
0x31: {  	v8 =	vld [tilespmem:s8+$0x0];
	_ =	sdelay $0x1  }
0x32: {  	v9 =	vld [tilespmem:s8+$0x10]  }
0x33: {  	v10 =	vld [tilespmem:s8+$0x20]  }
0x34: {  	v11 =	vld [tilespmem:s8+$0x30]  }
0x35: {  	v12 =	vld [tilespmem:s8+$0x40]  }
0x36: {  	v13 =	vld [tilespmem:s8+$0x50]  }
0x37: {  	v14 =	vld [tilespmem:s8+$0x60]  }
0x38: {  	v15 =	vld [tilespmem:s8+$0x70];
	[tilespmem:s21], [sflag:$0x2] =	stream.indirect_vreg.gather [hbm4b:s5+s3], $0x80, v8, vm0, $0xb8  }
0x39: {  	s0 =	simm.s32 $0x6100  }
0x3a: {  	[tilespmem:s0], [sflag:$0x2] =	stream.indirect_vreg.gather [hbm4b:s5+s3], $0x80, v9, vm0, $0xb8;
	[tilespmem:$0x10D00] =	vst v63  }
0x3b: {  	s23 =	simm.s32 $0x6900  }
0x3c: {  	[tilespmem:s23], [sflag:$0x2] =	stream.indirect_vreg.gather [hbm4b:s5+s3], $0x80, v10, vm0, $0xb8;
	[tilespmem:$0x10D00] =	vst v63  }
0x3d: {  	s24 =	simm.s32 $0x7100  }
0x3e: {  	[tilespmem:s24], [sflag:$0x2] =	stream.indirect_vreg.gather [hbm4b:s5+s3], $0x80, v11, vm0, $0xb8;
	[tilespmem:$0x10D00] =	vst v63  }
0x3f: {  	s25 =	simm.s32 $0x7900  }
0x40: {  	[tilespmem:s25], [sflag:$0x2] =	stream.indirect_vreg.gather [hbm4b:s5+s3], $0x80, v12, vm0, $0xb8;
	[tilespmem:$0x10D00] =	vst v63  }
0x41: {  	s26 =	simm.s32 $0x8100  }
0x42: {  	[tilespmem:s26], [sflag:$0x2] =	stream.indirect_vreg.gather [hbm4b:s5+s3], $0x80, v13, vm0, $0xb8;
	[tilespmem:$0x10D00] =	vst v63  }
0x43: {  	s28 =	simm.s32 $0x8900  }
0x44: {  	[tilespmem:s28], [sflag:$0x2] =	stream.indirect_vreg.gather [hbm4b:s5+s3], $0x80, v14, vm0, $0xb8;
	[tilespmem:$0x10D00] =	vst v63  }
0x45: {  	s29 =	simm.s32 $0x9100  }
0x46: {  	[tilespmem:s29], [sflag:$0x2] =	stream.indirect_vreg.gather [hbm4b:s5+s3], $0x80, v15, vm0, $0xb8;
	[tilespmem:$0x10D00] =	vst v63  }
0x47: {  	_ =	swait.ge [sflag:s30], $0x800  }
0x48: {  	[sflag:s30] =	ssyncset.done $0x0  }
0x49: {  	[sflag:s30] =	ssyncadd.s32 $0xFFFFF800  }
0x4a: {  	_ =	swait.ge [sflag:s30], $0x800  }
0x4b: {  	[sflag:s30] =	ssyncset.done $0x0  }
0x4c: {  	[sflag:s30] =	ssyncadd.s32 $0xFFFFF800  }
0x4d: {  	_ =	swait.ge [sflag:s30], $0x800  }
0x4e: {  	[sflag:s30] =	ssyncset.done $0x0  }
0x4f: {  	[sflag:s30] =	ssyncadd.s32 $0xFFFFF800  }
0x50: {  	_ =	swait.ge [sflag:s30], $0x800  }
0x51: {  	[sflag:s30] =	ssyncset.done $0x0  }
0x52: {  	[sflag:s30] =	ssyncadd.s32 $0xFFFFF800  }
0x53: {  	_ =	swait.ge [sflag:s30], $0x800  }
0x54: {  	[sflag:s30] =	ssyncset.done $0x0  }
0x55: {  	[sflag:s30] =	ssyncadd.s32 $0xFFFFF800  }
0x56: {  	s12 =	sshll.u32 s4, $0x1;
	s0 =	sshll.u32 s7, $0x3;
	_ =	swait.ge [sflag:s30], $0x800  }
0x57: {  	s19 =	sadd.s32 s6, s12;
	s20 =	sand.u32 $0x40, s0;
	[sflag:s30] =	ssyncset.done $0x0  }
0x58: {  	s12 =	simm.s32 $0x2;
	s15 =	sadd.s32 $0x0, s20;
	[sflag:s30] =	ssyncadd.s32 $0xFFFFF800  }
0x59: {  	s16 =	sshll.u32 s19, $0x3;
	v8 =	vmov s12;
	s17 =	sadd.s32 $0x2, s15;
	_ =	swait.ge [sflag:s30], $0x800  }
0x5a: {  	s18 =	sand.u32 $0xFFFFFF80, s16;
	v8 =	vand.u32 $0x7E, v8;
	v9 =	vmov s17;
	[sflag:s30] =	ssyncset.done $0x0  }
0x5b: {  	v23 =	vbroadcast v8, $0x0;
	v10 =	vmov s18;
	v9 =	vand.u32 $0x7E, v9;
	[sflag:s30] =	ssyncadd.s32 $0xFFFFF800  }
0x5c: {  	v8 =	vor.u32 v10, v9;
	_ =	swait.ge [sflag:s30], $0x800  }
0x5d: {  	p0 =	seq.s32 s4, $0x0;
	s22 =	simm.s32 $0x0;
	v9 =	vor.u32 v6, v23;
	v8 =	vbroadcast v8, $0x0;
	[sflag:s30] =	ssyncset.done $0x0  }
0x5e: {  	s23 =	simm.s32 $0x1;
	s17 =	simm.s32 @!p0 $0x3;
	[sflag:s30] =	ssyncadd.s32 $0xFFFFF800  }
0x5f: {  	v11 =	vmov s22;
	v12 =	vmov s23;
	_ =	swait.ge @!p0 [sflag:s17], $0x2000  }
0x60: {  	v11 =	vand.u32 $0x7C, v11;
	v12 =	vand.u32 $0x7D, v12;
	v14 =	vmov s15;
	[sflag:s17] =	ssyncset.done @!p0 $0x0  }
0x61: {  	v20 =	vbroadcast v12, $0x0;
	v12 =	vbroadcast v11, $0x0;
	v14 =	vand.u32 $0x7C, v14;
	[sflag:s17] =	ssyncadd.s32 @!p0 $0xFFFFE000  }
0x62: {  	v14 =	vor.u32 v10, v14;
	v9 =	vld.idx.msk [tilespmem:v9+s13+$0x0], $0xffff  }
0x63: {  	s25 =	sadd.s32 $0x1, s15;
	s26 =	simm.s32 $0x3;
	v16 =	vor.u32 v6, v12;
	v14 =	vbroadcast v14, $0x0;
	v36 =	vld.idx.msk [tilespmem:v8+s11+$0x0], $0xffff  }
0x64: {  	s24 =	sadd.s32 $0x3, s15;
	v15 =	vmov s25;
	v8 =	vmov s26  }
0x65: {  	v13 =	vmov s24;
	v11 =	vand.u32 $0x7D, v15;
	v8 =	vand.u32 $0x7F, v8  }
0x66: {  	v11 =	vor.u32 v10, v11;
	v34 =	vbroadcast v8, $0x0;
	v8 =	vor.u32 v17, v23  }
0x67: {  	v13 =	vand.u32 $0x7F, v13;
	v15 =	vor.u32 v6, v20;
	v11 =	vbroadcast v11, $0x0  }
0x68: {  	v13 =	vor.u32 v10, v13;
	v16 =	vld.idx.msk [tilespmem:v16+s13+$0x0], $0xffff;
	v9 =	vadd.f32 v9, v36  }
0x69: {  	v13 =	vbroadcast v13, $0x0;
	s17 =	simm.s32 $0x9A00;
	v31 =	vld.idx.msk [tilespmem:v14+s11+$0x0], $0xffff  }
0x6a: {  	s29 =	simm.s32 $0x5;
	[tilespmem:s17+$0x0] =	vst v9  }
0x6b: {  	v7 =	vmov v17;
	s28 =	sadd.s32 $0x4, s20;
	v14 =	vmov s29;
	v17 =	vor.u32 v6, v34;
	v8 =	vld.idx.msk [tilespmem:v8+s13+$0x0], $0xffff  }
0x6c: {  	s18 =	sadd.s32 $0x3, s28;
	s15 =	sadd.s32 $0x1, s28;
	v15 =	vld.idx.msk [tilespmem:v15+s13+$0x0], $0xffff;
	v14 =	vand.u32 $0x7D, v14;
	v9 =	vor.u32 v7, v12  }
0x6d: {  	v18 =	vmov s18;
	v19 =	vmov s15;
	v27 =	vld.idx.msk [tilespmem:v11+s11+$0x0], $0xffff;
	v32 =	vbroadcast v14, $0x0  }
0x6e: {  	v14 =	vadd.f32 v16, v31;
	v16 =	vand.u32 $0x7D, v19;
	v19 =	vor.u32 v5, v23  }
0x6f: {  	v18 =	vand.u32 $0x7F, v18;
	v29 =	vld.idx.msk [tilespmem:v13+s11+$0x0], $0xffff;
	v16 =	vor.u32 v10, v16  }
0x70: {  	s0 =	simm.s32 $0x7;
	v11 =	vor.u32 v7, v20;
	[tilespmem:s17+$0xFFFFFF00] =	vst v14;
	v16 =	vbroadcast v16, $0x0;
	v17 =	vld.idx.msk [tilespmem:v17+s13+$0x0], $0xffff;
	v8 =	vadd.f32 v8, v36  }
0x71: {  	v13 =	vmov s0;
	v14 =	vor.u32 v10, v18;
	v18 =	vld.idx.msk [tilespmem:v9+s13+$0x0], $0xffff  }
0x72: {  	v21 =	vor.u32 v6, v32;
	v15 =	vadd.f32 v15, v27;
	v14 =	vbroadcast v14, $0x0;
	[tilespmem:s17+$0x10] =	vst v8  }
0x73: {  	v22 =	vor.u32 v5, v12;
	s23 =	sadd.s32 $0x2, s28;
	v25 =	vmov s28;
	v13 =	vand.u32 $0x7F, v13;
	v19 =	vld.idx.msk [tilespmem:v19+s13+$0x0], $0xffff  }
0x74: {  	s24 =	simm.s32 $0x6;
	v26 =	vmov s23;
	[tilespmem:s17+$0xFFFFFF80] =	vst v15;
	v9 =	vbroadcast v13, $0x0;
	v13 =	vor.u32 v7, v34  }
0x75: {  	s22 =	simm.s32 $0x4;
	v26 =	vand.u32 $0x7E, v26;
	v15 =	vmov s24;
	v11 =	vld.idx.msk [tilespmem:v11+s13+$0x0], $0xffff;
	v17 =	vadd.f32 v17, v29  }
0x76: {  	v8 =	vmov s22;
	v28 =	vadd.f32 v18, v31;
	v18 =	vld.idx.msk [tilespmem:v16+s11+$0x0], $0xffff;
	v16 =	vor.u32 v0, v23  }
0x77: {  	v15 =	vand.u32 $0x7E, v15;
	v21 =	vld.idx.msk [tilespmem:v21+s13+$0x0], $0xffff;
	v24 =	vor.u32 v6, v9;
	v8 =	vand.u32 $0x7C, v8  }
0x78: {  	v55 =	vbroadcast v15, $0x0;
	[tilespmem:s17+$0x80] =	vst v17;
	v30 =	vbroadcast v8, $0x0;
	v8 =	vld.idx.msk [tilespmem:v14+s11+$0x0], $0xffff;
	v19 =	vadd.f32 v19, v36  }
0x79: {  	v26 =	vor.u32 v10, v26;
	v15 =	vor.u32 v5, v20;
	v14 =	vand.u32 $0x7C, v25;
	v13 =	vld.idx.msk [tilespmem:v13+s13+$0x0], $0xffff;
	[tilespmem:s17+$0xFFFFFF10] =	vst v28  }
0x7a: {  	v25 =	vbroadcast v26, $0x0;
	v26 =	vor.u32 v6, v55;
	v14 =	vor.u32 v10, v14;
	v22 =	vld.idx.msk [tilespmem:v22+s13+$0x0], $0xffff;
	[tilespmem:s17+$0x20] =	vst v19  }
0x7b: {  	v11 =	vadd.f32 v11, v27;
	v14 =	vbroadcast v14, $0x0;
	v19 =	vld.idx.msk [tilespmem:v16+s13+$0x0], $0xffff;
	v16 =	vor.u32 v4, v30  }
0x7c: {  	v24 =	vld.idx.msk [tilespmem:v24+s13+$0x0], $0xffff;
	[tilespmem:$0x1FF60] =	vst v16  }
0x7d: {  	v37 =	vor.u32 v6, v30;
	[tilespmem:s17+$0xFFFFFF90] =	vst v11  }
0x7e: {  	v11 =	vor.u32 v0, v12;
	v39 =	vld.idx.msk [tilespmem:v15+s13+$0x0], $0xffff  }
0x7f: {  	v35 =	vor.u32 v4, v12;
	v38 =	vor.u32 v5, v34;
	v13 =	vadd.f32 v13, v29;
	v26 =	vld.idx.msk [tilespmem:v26+s13+$0x0], $0xffff  }
0x80: {  	v41 =	vor.u32 v1, v20;
	v43 =	vor.u32 v2, v12;
	v22 =	vadd.f32 v22, v31;
	v16 =	vld.idx.msk [tilespmem:v25+s11+$0x0], $0xffff  }
0x81: {  	v50 =	vor.u32 v2, v20;
	[tilespmem:s17+$0x90] =	vst v13;
	v15 =	vld.idx.msk [tilespmem:v14+s11+$0x0], $0xffff;
	v14 =	vor.u32 v0, v20  }
0x82: {  	v24 =	vadd.f32 v24, v8;
	v28 =	vld.idx.msk [tilespmem:v37+s13+$0x0], $0xffff;
	v13 =	vor.u32 v1, v23;
	[tilespmem:s17+$0xFFFFFF20] =	vst v22  }
0x83: {  	s16 =	simm.s32 $0x9C00;
	v51 =	vor.u32 v3, v12;
	s28 =	sadd.s32 $0x8, s20;
	v40 =	vor.u32 v7, v55;
	v47 =	vld.idx.msk [tilespmem:v11+s13+$0x0], $0xffff;
	v39 =	vadd.f32 v39, v27  }
0x84: {  	v33 =	vmov s28;
	v46 =	vor.u32 v7, v32;
	[tilespmem:s16+$0x80] =	vst v24;
	v38 =	vld.idx.msk [tilespmem:v38+s13+$0x0], $0xffff;
	v19 =	vadd.f32 v19, v36  }
0x85: {  	s0 =	sadd.s32 $0x3, s28;
	v42 =	vor.u32 v0, v34;
	v22 =	vor.u32 v7, v30;
	v26 =	vadd.f32 v26, v16;
	[tilespmem:s17+$0xFFFFFFA0] =	vst v39  }
0x86: {  	v48 =	vmov s0;
	v21 =	vadd.f32 v21, v18;
	v25 =	vor.u32 v1, v12;
	[tilespmem:s17+$0x30] =	vst v19;
	v14 =	vld.idx.msk [tilespmem:v14+s13+$0x0], $0xffff  }
0x87: {  	s26 =	simm.s32 $0x9;
	v62 =	vor.u32 v7, v9;
	v19 =	vand.u32 $0x7F, v48;
	v28 =	vadd.f32 v28, v15;
	v49 =	vld.idx.msk [tilespmem:v13+s13+$0x0], $0xffff;
	[tilespmem:s16+$0x0] =	vst v26  }
0x88: {  	[tilespmem:s16+$0xFFFFFF80] =	vst v21;
	v11 =	vmov s26;
	v13 =	vor.u32 v10, v19;
	v40 =	vld.idx.msk [tilespmem:v40+s13+$0x0], $0xffff;
	v47 =	vadd.f32 v47, v31  }
0x89: {  	s25 =	simm.s32 $0x8;
	s15 =	sadd.s32 $0x1, s28;
	v59 =	vld.idx.msk [tilespmem:v46+s13+$0x0], $0xffff;
	v11 =	vand.u32 $0x7D, v11;
	v38 =	vadd.f32 v38, v29;
	v24 =	vbroadcast v13, $0x0;
	[tilespmem:s16+$0xFFFFFF00] =	vst v28  }
0x8a: {  	v45 =	vmov s25;
	v11 =	vbroadcast v11, $0x0;
	v26 =	vmov s15;
	v22 =	vld.idx.msk [tilespmem:v22+s13+$0x0], $0xffff;
	[tilespmem:s17+$0xFFFFFF30] =	vst v47  }
0x8b: {  	v52 =	vor.u32 v5, v55;
	v26 =	vand.u32 $0x7D, v26;
	[tilespmem:s17+$0xA0] =	vst v38;
	v25 =	vld.idx.msk [tilespmem:v25+s13+$0x0], $0xffff;
	v53 =	vadd.f32 v14, v27  }
0x8c: {  	v45 =	vand.u32 $0x7C, v45;
	s29 =	simm.s32 $0xB;
	v28 =	vor.u32 v6, v11;
	v19 =	vor.u32 v10, v26;
	v26 =	vld.idx.msk [tilespmem:v42+s13+$0x0], $0xffff  }
0x8d: {  	v63 =	vmov s29;
	v44 =	vor.u32 v5, v30;
	v37 =	vld.idx.msk [tilespmem:v62+s13+$0x0], $0xffff;
	v40 =	vadd.f32 v40, v16;
	[tilespmem:s17+$0xFFFFFFB0] =	vst v53  }
0x8e: {  	v61 =	vor.u32 v1, v34;
	v39 =	vand.u32 $0x7F, v63;
	v54 =	vbroadcast v19, $0x0;
	v21 =	vld.idx.msk [tilespmem:v41+s13+$0x0], $0xffff  }
0x8f: {  	s8 =	sadd.s32 $0x2, s28;
	v46 =	vor.u32 v3, v34;
	v12 =	vld.idx.msk [tilespmem:v24+s11+$0x0], $0xffff;
	v14 =	vbroadcast v39, $0x0;
	v22 =	vadd.f32 v22, v15;
	[tilespmem:s16+$0x10] =	vst v40  }
0x90: {  	v13 =	vand.u32 $0x7C, v33;
	v19 =	vmov s8;
	v60 =	vld.idx.msk [tilespmem:v52+s13+$0x0], $0xffff;
	v25 =	vadd.f32 v25, v31  }
0x91: {  	s18 =	simm.s32 $0xA;
	v56 =	vand.u32 $0x7E, v19;
	v28 =	vld.idx.msk [tilespmem:v28+s13+$0x0], $0xffff;
	v26 =	vadd.f32 v26, v29;
	v57 =	vor.u32 v6, v14;
	[tilespmem:s16+$0xFFFFFF10] =	vst v22  }
0x92: {  	v19 =	vbroadcast v45, $0x0;
	v24 =	vmov s18;
	v44 =	vld.idx.msk [tilespmem:v44+s13+$0x0], $0xffff;
	[tilespmem:s17+$0xFFFFFF40] =	vst v25;
	v25 =	vadd.f32 v49, v36  }
0x93: {  	[tilespmem:s17+$0xB0] =	vst v26;
	v41 =	vld.idx.msk [tilespmem:v43+s13+$0x0], $0xffff;
	v26 =	vadd.f32 v21, v27;
	v21 =	vand.u32 $0x7E, v24;
	v24 =	vor.u32 v0, v55  }
0x94: {  	v37 =	vadd.f32 v37, v8;
	v58 =	vor.u32 v10, v13;
	v40 =	vor.u32 v6, v19;
	v13 =	vld.idx.msk [tilespmem:v54+s11+$0x0], $0xffff  }
0x95: {  	v52 =	vor.u32 v2, v23;
	v48 =	vld.idx.msk [tilespmem:v61+s13+$0x0], $0xffff;
	v62 =	vadd.f32 v60, v16;
	[tilespmem:s17+$0x40] =	vst v25  }
0x96: {  	v63 =	vor.u32 v2, v30;
	v49 =	vor.u32 v0, v30;
	v42 =	vld.idx.msk [tilespmem:v57+s13+$0x0], $0xffff;
	[tilespmem:s17+$0xFFFFFFC0] =	vst v26;
	v26 =	vbroadcast v58, $0x0  }
0x97: {  	v39 =	vor.u32 v10, v56;
	v44 =	vadd.f32 v44, v15;
	v21 =	vbroadcast v21, $0x0;
	[tilespmem:s16+$0x20] =	vst v62;
	v45 =	vld.idx.msk [tilespmem:v50+s13+$0x0], $0xffff  }
0x98: {  	v50 =	vor.u32 v5, v32;
	v41 =	vadd.f32 v41, v31;
	v24 =	vld.idx.msk [tilespmem:v24+s13+$0x0], $0xffff;
	[tilespmem:$0x1FF80] =	vst v63  }
0x99: {  	v33 =	vor.u32 v0, v9;
	v39 =	vbroadcast v39, $0x0;
	v53 =	vor.u32 v6, v21;
	v40 =	vld.idx.msk [tilespmem:v40+s13+$0x0], $0xffff;
	[tilespmem:s16+$0xFFFFFF20] =	vst v44  }
0x9a: {  	v17 =	vmov v29;
	v29 =	vor.u32 v3, v23;
	v25 =	vadd.f32 v59, v18;
	[tilespmem:s17+$0xFFFFFF50] =	vst v41;
	v41 =	vld.idx.msk [tilespmem:v52+s13+$0x0], $0xffff  }
0x9b: {  	v61 =	vor.u32 v4, v23;
	v59 =	vor.u32 v3, v20;
	v57 =	vadd.f32 v48, v17;
	v49 =	vld.idx.msk [tilespmem:v49+s13+$0x0], $0xffff  }
0x9c: {  	v60 =	vor.u32 v5, v9;
	v58 =	vor.u32 v4, v20;
	[tilespmem:s16+$0xFFFFFF90] =	vst v25;
	v20 =	vld.idx.msk [tilespmem:v26+s11+$0x0], $0xffff  }
0x9d: {  	v43 =	vor.u32 v2, v34;
	[tilespmem:s17+$0xC0] =	vst v57;
	v23 =	vadd.f32 v45, v27;
	v26 =	vld.idx.msk [tilespmem:v50+s13+$0x0], $0xffff  }
0x9e: {  	[tilespmem:s16+$0x90] =	vst v37;
	v45 =	vld.idx.msk [tilespmem:v53+s13+$0x0], $0xffff;
	v50 =	vadd.f32 v28, v13;
	v28 =	vadd.f32 v42, v12  }
0x9f: {  	s12 =	simm.s32 $0x9E00;
	[tilespmem:s17+$0xFFFFFFD0] =	vst v23;
	v23 =	vld.idx.msk [tilespmem:v39+s11+$0x0], $0xffff;
	v39 =	vor.u32 v1, v55;
	v24 =	vadd.f32 v24, v16  }
0xa0: {  	v48 =	vor.u32 v7, v19;
	[tilespmem:s12+$0x80] =	vst v28;
	v62 =	vld.idx.msk [tilespmem:v59+s13+$0x0], $0xffff;
	v41 =	vadd.f32 v41, v36  }
0xa1: {  	s24 =	simm.s32 $0xF;
	v53 =	vld.idx.msk [tilespmem:v60+s13+$0x0], $0xffff;
	v28 =	vor.u32 v0, v32;
	[tilespmem:s16+$0x30] =	vst v24;
	v49 =	vadd.f32 v49, v15  }
0xa2: {  	s22 =	simm.s32 $0xC;
	v47 =	vmov s24;
	v54 =	vor.u32 v7, v21;
	v51 =	vld.idx.msk [tilespmem:v51+s13+$0x0], $0xffff;
	v40 =	vadd.f32 v40, v20;
	[tilespmem:s17+$0x50] =	vst v41  }
0xa3: {  	s23 =	sadd.s32 $0xC, s20;
	v56 =	vor.u32 v1, v32;
	v63 =	vmov s22;
	v43 =	vld.idx.msk [tilespmem:v43+s13+$0x0], $0xffff;
	v26 =	vadd.f32 v26, v18;
	[tilespmem:s16+$0xFFFFFF30] =	vst v49  }
0xa4: {  	s22 =	sadd.s32 $0x3, s23;
	v25 =	vor.u32 v1, v30;
	v37 =	vand.u32 $0x7C, v63;
	[tilespmem:s12+$0xFFFFFF00] =	vst v40;
	v45 =	vadd.f32 v45, v23;
	v39 =	vld.idx.msk [tilespmem:v39+s13+$0x0], $0xffff  }
0xa5: {  	v57 =	vmov s22;
	v52 =	vand.u32 $0x7F, v47;
	[tilespmem:s16+$0xFFFFFFA0] =	vst v26;
	v48 =	vld.idx.msk [tilespmem:v48+s13+$0x0], $0xffff;
	v42 =	vadd.f32 v62, v27  }
0xa6: {  	s25 =	simm.s32 $0xD;
	s26 =	sadd.s32 $0x2, s23;
	v59 =	vor.u32 v7, v11;
	v40 =	vand.u32 $0x7F, v57;
	v57 =	vadd.f32 v53, v8;
	v60 =	vld.idx.msk [tilespmem:v28+s13+$0x0], $0xffff;
	[tilespmem:s12+$0x0] =	vst v45  }
0xa7: {  	v24 =	vmov s25;
	v62 =	vadd.f32 v51, v31;
	v45 =	vmov s26;
	[tilespmem:s17+$0xFFFFFFE0] =	vst v42;
	v53 =	vld.idx.msk [tilespmem:v54+s13+$0x0], $0xffff  }
0xa8: {  	s18 =	sadd.s32 $0x1, s23;
	v24 =	vand.u32 $0x7D, v24;
	v26 =	vmov s23;
	[tilespmem:s16+$0xA0] =	vst v57;
	v45 =	vand.u32 $0x7E, v45;
	v51 =	vld.idx.msk [tilespmem:v58+s13+$0x0], $0xffff  }
0xa9: {  	v28 =	vmov s18;
	v26 =	vand.u32 $0x7C, v26;
	[tilespmem:s17+$0xFFFFFF60] =	vst v62;
	v57 =	vor.u32 v10, v45;
	v45 =	vld.idx.msk [tilespmem:v33+s13+$0x0], $0xffff  }
0xaa: {  	v63 =	vand.u32 $0x7D, v28;
	v58 =	vor.u32 v10, v26;
	v26 =	vbroadcast v52, $0x0;
	v52 =	vld.idx.msk [tilespmem:v25+s13+$0x0], $0xffff;
	[tilespmem:$0x1FF70] =	vst v10  }
0xab: {  	v24 =	vbroadcast v24, $0x0;
	v25 =	vor.u32 v10, v63;
	v63 =	vadd.f32 v43, v17;
	v62 =	vld.idx.msk [tilespmem:v29+s13+$0x0], $0xffff  }
0xac: {  	[tilespmem:s12+$0xFFFFFF80] =	vst v50;
	v47 =	vadd.f32 v48, v20;
	v48 =	vor.u32 v5, v21;
	v60 =	vadd.f32 v60, v18  }
0xad: {  	v49 =	vor.u32 v6, v24;
	[tilespmem:s17+$0xD0] =	vst v63  }
0xae: {  	v44 =	vor.u32 v5, v19;
	v43 =	vld.idx.msk [tilespmem:v59+s13+$0x0], $0xffff;
	v33 =	vadd.f32 v53, v23;
	[tilespmem:s16+$0xFFFFFFB0] =	vst v60  }
0xaf: {  	v54 =	vor.u32 v6, v26;
	v63 =	vadd.f32 v39, v16;
	[tilespmem:s12+$0xFFFFFF10] =	vst v47;
	v56 =	vld.idx.msk [tilespmem:v56+s13+$0x0], $0xffff  }
0xb0: {  	v60 =	vadd.f32 v45, v8;
	v45 =	vld.idx.msk [tilespmem:v46+s13+$0x0], $0xffff;
	[tilespmem:s12+$0x10] =	vst v33;
	v42 =	vadd.f32 v62, v36  }
0xb1: {  	v22 =	vor.u32 v4, v19;
	v50 =	vbroadcast v25, $0x0;
	[tilespmem:s16+$0x40] =	vst v63;
	v27 =	vadd.f32 v51, v27;
	v48 =	vld.idx.msk [tilespmem:v48+s13+$0x0], $0xffff  }
0xb2: {  	v38 =	vor.u32 v7, v14;
	v40 =	vor.u32 v10, v40;
	v10 =	vld.idx.msk [tilespmem:v49+s13+$0x0], $0xffff;
	[tilespmem:s17+$0x60] =	vst v42  }
0xb3: {  	v41 =	vor.u32 v2, v55;
	v53 =	vbroadcast v40, $0x0;
	v62 =	vadd.f32 v52, v15;
	[tilespmem:s17+$0xFFFFFFF0] =	vst v27;
	v42 =	vld.idx.msk [tilespmem:v61+s13+$0x0], $0xffff  }
0xb4: {  	v28 =	vbroadcast v37, $0x0;
	v40 =	vor.u32 v3, v30;
	[tilespmem:s16+$0xB0] =	vst v60;
	v60 =	vld.idx.msk [tilespmem:v54+s13+$0x0], $0xffff;
	v54 =	vadd.f32 v43, v13  }
0xb5: {  	s28 =	simm.s32 $0xE;
	v58 =	vbroadcast v58, $0x0;
	v46 =	vor.u32 v2, v32;
	v59 =	vld.idx.msk [tilespmem:v44+s13+$0x0], $0xffff;
	[tilespmem:s16+$0xFFFFFF40] =	vst v62;
	v56 =	vadd.f32 v56, v18  }
0xb6: {  	v30 =	vmov s28;
	v52 =	vld.idx.msk [tilespmem:v35+s13+$0x0], $0xffff;
	[tilespmem:s12+$0xFFFFFF90] =	vst v54;
	v44 =	vadd.f32 v48, v23;
	v48 =	vadd.f32 v45, v17  }
0xb7: {  	v49 =	vor.u32 v4, v34;
	v51 =	vor.u32 v1, v9;
	v33 =	vand.u32 $0x7E, v30;
	v27 =	vld.idx.msk [tilespmem:v50+s11+$0x0], $0xffff;
	[tilespmem:s16+$0xFFFFFFC0] =	vst v56  }
0xb8: {  	v47 =	vor.u32 v6, v28;
	v34 =	vbroadcast v33, $0x0;
	v33 =	vld.idx.msk [tilespmem:v38+s13+$0x0], $0xffff;
	[tilespmem:s17+$0xE0] =	vst v48;
	v56 =	vadd.f32 v42, v36  }
0xb9: {  	v25 =	vor.u32 v4, v28;
	v37 =	vor.u32 v7, v26;
	v30 =	vld.idx.msk [tilespmem:v53+s11+$0x0], $0xffff;
	[tilespmem:s12+$0x20] =	vst v44  }
0xba: {  	v39 =	vor.u32 v3, v55;
	v35 =	vor.u32 v3, v9;
	v29 =	vld.idx.msk [tilespmem:v46+s13+$0x0], $0xffff;
	[tilespmem:s17+$0x70] =	vst v56  }
0xbb: {  	v50 =	vor.u32 v0, v19;
	v62 =	vbroadcast v57, $0x0;
	v61 =	vor.u32 v5, v11;
	v57 =	vld [tilespmem:$0x1FF80]  }
0xbc: {  	v38 =	vor.u32 v1, v11;
	v63 =	vor.u32 v6, v34;
	v53 =	vor.u32 v0, v21;
	v51 =	vld.idx.msk [tilespmem:v51+s13+$0x0], $0xffff  }
0xbd: {  	v43 =	vor.u32 v7, v34;
	v42 =	vor.u32 v0, v14;
	v0 =	vadd.f32 v59, v20;
	v59 =	vld.idx.msk [tilespmem:v47+s13+$0x0], $0xffff  }
0xbe: {  	v54 =	vor.u32 v5, v14;
	v46 =	vor.u32 v4, v32;
	v48 =	vor.u32 v3, v32;
	v32 =	vld.idx.msk [tilespmem:v58+s11+$0x0], $0xffff  }
0xbf: {  	v31 =	vadd.f32 v52, v31;
	v45 =	vor.u32 v2, v9;
	v52 =	vadd.f32 v10, v27;
	v36 =	vld.idx.msk [tilespmem:v49+s13+$0x0], $0xffff  }
0xc0: {  	v44 =	vor.u32 v2, v19;
	v47 =	vor.u32 v1, v19;
	v58 =	vld.idx.msk [tilespmem:v61+s13+$0x0], $0xffff;
	v29 =	vadd.f32 v29, v18  }
0xc1: {  	v2 =	vadd.f32 v51, v8;
	v51 =	vadd.f32 v33, v12;
	v56 =	vld.idx.msk [tilespmem:v53+s13+$0x0], $0xffff;
	[tilespmem:s17+$0xFFFFFF70] =	vst v31  }
0xc2: {  	s29 =	sshll.u32 s10, $0x3;
	v61 =	vadd.f32 v60, v30;
	v33 =	vor.u32 v5, v28;
	[tilespmem:s16+$0xFFFFFFD0] =	vst v29;
	v29 =	vld.idx.msk [tilespmem:v62+s11+$0x0], $0xffff  }
0xc3: {  	s8 =	sand.u32 $0x40, s29;
	v53 =	vor.u32 v1, v21;
	v31 =	vor.u32 v4, v55;
	[tilespmem:s12+$0xFFFFFF20] =	vst v0;
	v49 =	vld.idx.msk [tilespmem:v57+s13+$0x0], $0xffff  }
0xc4: {  	s22 =	sshrl.u32 s19, $0x3;
	s23 =	simm.s32 $0x10;
	s18 =	simm.s32 $0xA000;
	v55 =	vor.u32 v7, v28;
	[tilespmem:s16+$0xC0] =	vst v2;
	v60 =	vadd.f32 v36, v17;
	v57 =	vld.idx.msk [tilespmem:v63+s13+$0x0], $0xffff  }
.LBB2_3:
0xc5: {  	v17 =	vld [tilespmem:$0x1FFF0]  }
0xc6: {  	v0 =	vld.idx.msk [tilespmem:v48+s13+$0x0], $0xffff  }
0xc7: {  	v50 =	vld.idx.msk [tilespmem:v50+s13+$0x0], $0xffff  }
0xc8: {  	v4 =	vld [tilespmem:$0x1FFC0]  }
0xc9: {  	v41 =	vld.idx.msk [tilespmem:v41+s13+$0x0], $0xffff  }
0xca: {  	s26 =	sadd.s32 $0x3, s23;
	s28 =	smov.u32 s23;
	v6 =	vld [tilespmem:$0x1FFB0];
	[tilespmem:s18+$0x80] =	vst v61  }
0xcb: {  	v48 =	vmovc v21;
	v21 =	vmov v34;
	v10 =	vld [tilespmem:$0x1FFD0];
	v34 =	vmov s26;
	s26 =	sadd.s32 $0x1, s28;
	[tilespmem:s12+$0x90] =	vst v51;
	v61 =	vadd.f32 v49, v15  }
0xcc: {  	v51 =	vmovc v16;
	v16 =	vmov v23;
	v3 =	vmov s26;
	v54 =	vld.idx.msk [tilespmem:v54+s13+$0x0], $0xffff;
	v59 =	vadd.f32 v59, v32  }
0xcd: {  	v56 =	vadd.f32 v56, v16;
	v2 =	vand.u32 $0x7D, v3;
	v3 =	vld [tilespmem:$0x1FF70];
	[tilespmem:s16+$0xFFFFFF50] =	vst v61  }
0xce: {  	v49 =	vmovc v44;
	v44 =	vmovc v15;
	v15 =	vmov v20;
	v20 =	vmov v32;
	v32 =	vbroadcast v2, $0x0;
	v2 =	vld [tilespmem:$0x1FFE0];
	[tilespmem:s18+$0xFFFFFF00] =	vst v59  }
0xcf: {  	v62 =	vmov s23;
	[tilespmem:s17+$0xF0] =	vst v60;
	s17 =	smov.u32 s16;
	v50 =	vadd.f32 v50, v15;
	s16 =	smov.u32 s12;
	v40 =	vld.idx.msk [tilespmem:v40+s13+$0x0], $0xffff  }
0xd0: {  	v36 =	vmovc v12;
	v12 =	vmov v30;
	v30 =	vand.u32 $0x7C, v62;
	v62 =	vor.u32 v4, v11;
	v55 =	vld.idx.msk [tilespmem:v55+s13+$0x0], $0xffff;
	[tilespmem:s16+$0x30] =	vst v56  }
0xd1: {  	s25 =	sadd.s32 s23, s20;
	v7 =	vmov v5;
	v57 =	vadd.f32 v57, v29;
	[tilespmem:s16+$0xFFFFFF30] =	vst v50;
	v50 =	vor.u32 v5, v21;
	v5 =	vld [tilespmem:$0x1FFA0]  }
0xd2: {  	s29 =	sadd.s32 $0x1, s25;
	v34 =	vand.u32 $0x7F, v34;
	v58 =	vadd.f32 v58, v13;
	v0 =	vadd.f32 v0, v18;
	v53 =	vld.idx.msk [tilespmem:v53+s13+$0x0], $0xffff  }
0xd3: {  	v41 =	vadd.f32 v41, v51;
	v61 =	vmov s25;
	v59 =	vmov s29;
	[tilespmem:s18+$0x0] =	vst v57;
	v47 =	vld.idx.msk [tilespmem:v47+s13+$0x0], $0xffff  }
0xd4: {  	s0 =	sadd.s32 $0x2, s25;
	s15 =	sadd.s32 $0x3, s25;
	[tilespmem:s16+$0xFFFFFFA0] =	vst v58;
	v56 =	vand.u32 $0x7D, v59;
	v59 =	vand.u32 $0x7C, v61;
	v61 =	vbroadcast v34, $0x0;
	v34 =	vld.idx.msk [tilespmem:v43+s13+$0x0], $0xffff  }
0xd5: {  	v1 =	vmov s15;
	v60 =	vmov s0;
	[tilespmem:s17+$0x50] =	vst v41;
	v57 =	vld.idx.msk [tilespmem:v62+s13+$0x0], $0xffff  }
0xd6: {  	v1 =	vand.u32 $0x7F, v1;
	v60 =	vand.u32 $0x7E, v60;
	v63 =	vor.u32 v17, v24;
	[tilespmem:s17+$0xFFFFFFE0] =	vst v0;
	v0 =	vld.idx.msk [tilespmem:v45+s13+$0x0], $0xffff  }
0xd7: {  	v1 =	vor.u32 v3, v1;
	v54 =	vadd.f32 v54, v36;
	v58 =	vor.u32 v2, v32;
	v39 =	vld.idx.msk [tilespmem:v39+s13+$0x0], $0xffff  }
0xd8: {  	v43 =	vor.u32 v3, v60;
	v60 =	vor.u32 v3, v56;
	v45 =	vor.u32 v3, v59;
	v3 =	vld [tilespmem:$0x1FF60]  }
0xd9: {  	[tilespmem:s16+$0xA0] =	vst v54;
	v46 =	vld.idx.msk [tilespmem:v46+s13+$0x0], $0xffff;
	v40 =	vadd.f32 v40, v44  }
0xda: {  	v23 =	vmov v29;
	v59 =	vld [tilespmem:$0x1FF90];
	[tilespmem:s18+$0xFFFFFF80] =	vst v52;
	v62 =	vadd.f32 v55, v20  }
0xdb: {  	v30 =	vbroadcast v30, $0x0;
	v42 =	vld.idx.msk [tilespmem:v42+s13+$0x0], $0xffff;
	[tilespmem:s17+$0xFFFFFF60] =	vst v40;
	v34 =	vadd.f32 v34, v23  }
0xdc: {  	s12 =	smov.u32 s18;
	v41 =	vor.u32 v6, v48;
	v56 =	vbroadcast v60, $0x0;
	[tilespmem:s18+$0xFFFFFF10] =	vst v62;
	v52 =	vadd.f32 v57, v13;
	v57 =	vld.idx.msk [tilespmem:v58+s13+$0x0], $0xffff  }
0xdd: {  	v1 =	vbroadcast v1, $0x0;
	v54 =	vor.u32 v2, v61;
	v0 =	vadd.f32 v0, v8;
	v58 =	vld.idx.msk [tilespmem:v63+s13+$0x0], $0xffff;
	[tilespmem:s12+$0x10] =	vst v34  }
0xde: {  	v39 =	vadd.f32 v39, v51;
	v62 =	vadd.f32 v46, v18;
	[tilespmem:s16+$0xFFFFFFB0] =	vst v52;
	v46 =	vld.idx.msk [tilespmem:v50+s13+$0x0], $0xffff  }
0xdf: {  	v55 =	vor.u32 v2, v30;
	v40 =	vor.u32 v10, v19;
	v19 =	vmov v28;
	[tilespmem:s17+$0xD0] =	vst v0;
	v38 =	vld.idx.msk [tilespmem:v38+s13+$0x0], $0xffff  }
0xe0: {  	v28 =	vmov v30;
	v60 =	vor.u32 v59, v30;
	v63 =	vadd.f32 v42, v36;
	[tilespmem:s17+$0x60] =	vst v39;
	v42 =	vld.idx.msk [tilespmem:v35+s13+$0x0], $0xffff  }
0xe1: {  	v18 =	vmov v13;
	v52 =	vor.u32 v5, v14;
	v50 =	vadd.f32 v47, v15;
	[tilespmem:s17+$0xFFFFFFF0] =	vst v62;
	v47 =	vld.idx.msk [tilespmem:v3+s13+$0x0], $0xffff  }
0xe2: {  	s28 =	sadd.s32 $0x2, s28;
	v13 =	vmov v27;
	v0 =	vor.u32 v6, v11;
	v39 =	vor.u32 v10, v48;
	[tilespmem:s16+$0xB0] =	vst v63;
	v27 =	vld.idx.msk [tilespmem:v56+s11+$0x0], $0xffff  }
0xe3: {  	v29 =	vmov s28;
	v62 =	vor.u32 v17, v61;
	v63 =	vadd.f32 v53, v16;
	v3 =	vmovc v22;
	[tilespmem:s16+$0xFFFFFF40] =	vst v50;
	v30 =	vld.idx.msk [tilespmem:v1+s11+$0x0], $0xffff  }
0xe4: {  	v22 =	vand.u32 $0x7E, v29;
	v53 =	vor.u32 v4, v21;
	v35 =	vor.u32 v10, v14;
	[tilespmem:$0x1FF60] =	vst v3;
	v37 =	vld.idx.msk [tilespmem:v37+s13+$0x0], $0xffff  }
0xe5: {  	v50 =	vor.u32 v4, v19;
	v1 =	vor.u32 v59, v9;
	v34 =	vbroadcast v22, $0x0;
	[tilespmem:s16+$0x40] =	vst v63;
	v63 =	vld.idx.msk [tilespmem:v54+s13+$0x0], $0xffff  }
0xe6: {  	v9 =	vmovc v14;
	v3 =	vbroadcast v45, $0x0;
	v22 =	vadd.f32 v58, v13;
	v33 =	vld.idx.msk [tilespmem:v33+s13+$0x0], $0xffff;
	v54 =	vadd.f32 v46, v23  }
0xe7: {  	v58 =	vor.u32 v7, v24;
	v45 =	vor.u32 v6, v9;
	v49 =	vld.idx.msk [tilespmem:v49+s13+$0x0], $0xffff;
	v38 =	vadd.f32 v38, v18  }
0xe8: {  	v29 =	vbroadcast v43, $0x0;
	v31 =	vld.idx.msk [tilespmem:v31+s13+$0x0], $0xffff;
	v2 =	vor.u32 v2, v34;
	v42 =	vadd.f32 v42, v8;
	[tilespmem:s12+$0x20] =	vst v54  }
0xe9: {  	v14 =	vmov v26;
	v43 =	vor.u32 v17, v34;
	v46 =	vor.u32 v59, v11;
	[tilespmem:s16+$0xFFFFFFC0] =	vst v38;
	v56 =	vld.idx.msk [tilespmem:v53+s13+$0x0], $0xffff  }
0xea: {  	v26 =	vmov v61;
	v54 =	vor.u32 v7, v14;
	[tilespmem:s17+$0xE0] =	vst v42;
	v38 =	vor.u32 v5, v24;
	v0 =	vld.idx.msk [tilespmem:v0+s13+$0x0], $0xffff  }
0xeb: {  	v42 =	vor.u32 v4, v14;
	v33 =	vadd.f32 v33, v20;
	v61 =	vadd.f32 v63, v30;
	v4 =	vld.idx.msk [tilespmem:v52+s13+$0x0], $0xffff  }
0xec: {  	v53 =	vor.u32 v5, v21;
	v52 =	vadd.f32 v47, v44;
	v44 =	vor.u32 v6, v19;
	v1 =	vld.idx.msk [tilespmem:v1+s13+$0x0], $0xffff  }
0xed: {  	p1 =	slt.u32 s23, $0x3C;
	v47 =	vadd.f32 v31, v51;
	v31 =	vor.u32 v59, v48;
	v59 =	vld.idx.msk [tilespmem:v55+s13+$0x0], $0xffff;
	[tilespmem:s12+$0xFFFFFF90] =	vst v22  }
.Ltmp0:
0xee: {  	v48 =	vor.u32 v10, v11;
	v11 =	vmov v24;
	v24 =	vmov v32;
	v32 =	vld.idx.msk [tilespmem:v3+s11+$0x0], $0xffff;
	[tilespmem:s12+$0xFFFFFF20] =	vst v33;
	(pc) =	sbr.rel @p1 .LBB2_3-.Ltmp0, $4  }
0xef: {  	v51 =	vadd.f32 v37, v12;
	v55 =	vor.u32 v17, v28;
	[tilespmem:s17+$0x70] =	vst v47;
	v0 =	vadd.f32 v0, v18  }
0xf0: {  	v22 =	vmov v25;
	v58 =	vld.idx.msk [tilespmem:v58+s13+$0x0], $0xffff;
	v33 =	vor.u32 v7, v28;
	[tilespmem:s17+$0xFFFFFF70] =	vst v52;
	v3 =	vadd.f32 v4, v36  }
0xf1: {  	s24 =	sadd.s32 $0x4, s23;
	v25 =	vmov v60;
	v47 =	vor.u32 v5, v19;
	v52 =	vadd.f32 v57, v27;
	v57 =	vld.idx.msk [tilespmem:v2+s13+$0x0], $0xffff;
	[tilespmem:s16+$0xFFFFFFD0] =	vst v0  }
0xf2: {  	s23 =	smov.u32 s24;
	s18 =	sadd.s32 $0x200, s18;
	v37 =	vmovc v62;
	v5 =	vmov v7;
	v29 =	vld.idx.msk [tilespmem:v29+s11+$0x0], $0xffff;
	v60 =	vadd.f32 v1, v8;
	v8 =	vmov v36;
	[tilespmem:s16+$0xC0] =	vst v3  }
0xf3: {  	_ =	sdelay $0x1  }
0xf4: {  	[tilespmem:s18+$0x80] =	vst v61;
	v0 =	vadd.f32 v49, v15  }
0xf5: {  	[tilespmem:s12+$0x90] =	vst v51  }
0xf6: {  	v1 =	vld.idx.msk [tilespmem:v48+s13+$0x0], $0xffff;
	[tilespmem:s16+$0xFFFFFF50] =	vst v0  }
0xf7: {  	v48 =	vld [tilespmem:$0x1FFF0];
	_ =	sdelay $0x1  }
0xf8: {  	v2 =	vadd.f32 v59, v32  }
0xf9: {  	v3 =	vld.idx.msk [tilespmem:v50+s13+$0x0], $0xffff;
	[tilespmem:s17+$0xF0] =	vst v60  }
0xfa: {  	v41 =	vld.idx.msk [tilespmem:v41+s13+$0x0], $0xffff;
	[tilespmem:s18+$0xFFFFFF00] =	vst v2  }
0xfb: {  	v4 =	vadd.f32 v56, v23;
	v59 =	vld [tilespmem:$0x1FFC0];
	v49 =	vor.u32 v48, v24  }
0xfc: {  	v10 =	vld.idx.msk [tilespmem:v54+s13+$0x0], $0xffff;
	v51 =	vadd.f32 v58, v13  }
0xfd: {  	v37 =	vld.idx.msk [tilespmem:v37+s13+$0x0], $0xffff;
	[tilespmem:s12+$0x30] =	vst v4  }
0xfe: {  	v4 =	vld.idx.msk [tilespmem:v40+s13+$0x0], $0xffff;
	v54 =	vadd.f32 v57, v29;
	[tilespmem:s12+$0xFFFFFFA0] =	vst v51  }
0xff: {  	v56 =	vld.idx.msk [tilespmem:v55+s13+$0x0], $0xffff;
	[tilespmem:s18+$0xFFFFFF80] =	vst v52;
	v1 =	vadd.f32 v1, v18  }
0x100: {  	v3 =	vadd.f32 v3, v20;
	[tilespmem:s18+$0x0] =	vst v54;
	v36 =	vor.u32 v59, v11;
	v0 =	vld.idx.msk [tilespmem:v49+s13+$0x0], $0xffff  }
0x101: {  	v10 =	vadd.f32 v10, v12;
	[tilespmem:s16+$0xFFFFFFE0] =	vst v1;
	v57 =	vld.idx.msk [tilespmem:v43+s13+$0x0], $0xffff  }
0x102: {  	v63 =	vor.u32 v5, v26;
	[tilespmem:s12+$0xFFFFFF30] =	vst v3;
	v62 =	vld.idx.msk [tilespmem:v46+s13+$0x0], $0xffff;
	v46 =	vadd.f32 v37, v30  }
0x103: {  	v60 =	vld.idx.msk [tilespmem:v45+s13+$0x0], $0xffff;
	[tilespmem:s12+$0xA0] =	vst v10;
	v10 =	vor.u32 v5, v24;
	v4 =	vadd.f32 v4, v15  }
0x104: {  	v61 =	vor.u32 v5, v34;
	v45 =	vld.idx.msk [tilespmem:v47+s13+$0x0], $0xffff;
	v2 =	vadd.f32 v56, v32;
	[tilespmem:s18+$0x90] =	vst v46  }
0x105: {  	[tilespmem:s16+$0xFFFFFF60] =	vst v4;
	v36 =	vld.idx.msk [tilespmem:v36+s13+$0x0], $0xffff;
	v0 =	vadd.f32 v0, v27  }
0x106: {  	v4 =	vld.idx.msk [tilespmem:v42+s13+$0x0], $0xffff;
	[tilespmem:s18+$0xFFFFFF10] =	vst v2;
	v1 =	vadd.f32 v57, v29  }
0x107: {  	v58 =	vadd.f32 v41, v16;
	v2 =	vld.idx.msk [tilespmem:v63+s13+$0x0], $0xffff;
	[tilespmem:s18+$0xFFFFFF90] =	vst v0  }
0x108: {  	v18 =	vadd.f32 v62, v18;
	[tilespmem:s18+$0x10] =	vst v1;
	v47 =	vld.idx.msk [tilespmem:v10+s13+$0x0], $0xffff  }
0x109: {  	[tilespmem:s16+$0x50] =	vst v58;
	v50 =	vadd.f32 v45, v20;
	v3 =	vld.idx.msk [tilespmem:v61+s13+$0x0], $0xffff  }
0x10a: {  	v33 =	vld.idx.msk [tilespmem:v33+s13+$0x0], $0xffff;
	[tilespmem:s16+$0xFFFFFFF0] =	vst v18;
	v36 =	vadd.f32 v36, v13  }
0x10b: {  	[tilespmem:s12+$0xFFFFFF40] =	vst v50;
	v49 =	vadd.f32 v4, v12;
	v4 =	vor.u32 v59, v24;
	v10 =	vadd.f32 v60, v8  }
0x10c: {  	v51 =	vld.idx.msk [tilespmem:v53+s13+$0x0], $0xffff;
	[tilespmem:s12+$0xFFFFFFB0] =	vst v36  }
0x10d: {  	[tilespmem:s16+$0xD0] =	vst v10;
	v10 =	vld.idx.msk [tilespmem:v39+s13+$0x0], $0xffff;
	v1 =	vadd.f32 v47, v27  }
0x10e: {  	[tilespmem:s12+$0xB0] =	vst v49;
	v3 =	vadd.f32 v3, v29;
	v38 =	vld.idx.msk [tilespmem:v38+s13+$0x0], $0xffff  }
0x10f: {  	v18 =	vor.u32 v59, v34;
	v33 =	vadd.f32 v33, v32;
	v35 =	vld.idx.msk [tilespmem:v35+s13+$0x0], $0xffff;
	[tilespmem:s18+$0xFFFFFFA0] =	vst v1  }
0x110: {  	v2 =	vadd.f32 v2, v30;
	[tilespmem:s18+$0x20] =	vst v3;
	v1 =	vld.idx.msk [tilespmem:v4+s13+$0x0], $0xffff  }
0x111: {  	v58 =	vadd.f32 v51, v23;
	v56 =	vld [tilespmem:$0x1FFB0];
	[tilespmem:s18+$0xFFFFFF20] =	vst v33  }
0x112: {  	v7 =	vmov v5;
	v4 =	vadd.f32 v10, v16;
	v5 =	vld [tilespmem:$0x1FFA0];
	[tilespmem:s18+$0xA0] =	vst v2  }
0x113: {  	[tilespmem:s12+$0x40] =	vst v58  }
0x114: {  	v52 =	vor.u32 v59, v28;
	v10 =	vld.idx.msk [tilespmem:v18+s13+$0x0], $0xffff;
	[tilespmem:s16+$0x60] =	vst v4  }
0x115: {  	v53 =	vor.u32 v59, v26;
	v6 =	vld [tilespmem:$0x1FF60]  }
0x116: {  	v60 =	vadd.f32 v38, v13  }
0x117: {  	v61 =	vadd.f32 v35, v8  }
0x118: {  	[tilespmem:s12+$0xFFFFFFC0] =	vst v60;
	v1 =	vadd.f32 v1, v27  }
0x119: {  	v0 =	vld.idx.msk [tilespmem:v52+s13+$0x0], $0xffff;
	[tilespmem:s16+$0xE0] =	vst v61;
	v57 =	vor.u32 v56, v11;
	v10 =	vadd.f32 v10, v29  }
0x11a: {  	v36 =	vld.idx.msk [tilespmem:v53+s13+$0x0], $0xffff;
	v18 =	vor.u32 v5, v14;
	[tilespmem:s18+$0xFFFFFFB0] =	vst v1  }
0x11b: {  	v31 =	vld.idx.msk [tilespmem:v31+s13+$0x0], $0xffff;
	[tilespmem:s18+$0x30] =	vst v10  }
0x11c: {  	v47 =	vld [tilespmem:$0x1FF90]  }
0x11d: {  	v38 =	vor.u32 v56, v21;
	v17 =	vld.idx.msk [tilespmem:v6+s13+$0x0], $0xffff  }
0x11e: {  	v4 =	vor.u32 v5, v24;
	v3 =	vld.idx.msk [tilespmem:v57+s13+$0x0], $0xffff  }
0x11f: {  	v62 =	vor.u32 v5, v34;
	v0 =	vadd.f32 v0, v32;
	v18 =	vld.idx.msk [tilespmem:v18+s13+$0x0], $0xffff  }
0x120: {  	v63 =	vor.u32 v5, v28;
	v10 =	vadd.f32 v36, v30  }
0x121: {  	v37 =	vor.u32 v5, v26;
	v16 =	vadd.f32 v31, v16;
	[tilespmem:s18+$0xFFFFFF30] =	vst v0  }
0x122: {  	[tilespmem:s18+$0xB0] =	vst v10;
	v1 =	vld.idx.msk [tilespmem:v38+s13+$0x0], $0xffff;
	v15 =	vadd.f32 v17, v15  }
0x123: {  	[tilespmem:s16+$0x70] =	vst v16;
	v4 =	vld.idx.msk [tilespmem:v4+s13+$0x0], $0xffff;
	v3 =	vadd.f32 v3, v13  }
0x124: {  	v31 =	vld.idx.msk [tilespmem:v62+s13+$0x0], $0xffff;
	v9 =	vor.u32 v47, v9;
	[tilespmem:s16+$0xFFFFFF70] =	vst v15;
	v15 =	vadd.f32 v18, v12  }
0x125: {  	v39 =	vor.u32 v56, v14;
	v2 =	vld.idx.msk [tilespmem:v63+s13+$0x0], $0xffff;
	[tilespmem:s12+$0xFFFFFFD0] =	vst v3  }
0x126: {  	v10 =	vor.u32 v56, v24;
	v16 =	vld.idx.msk [tilespmem:v37+s13+$0x0], $0xffff;
	[tilespmem:s12+$0xC0] =	vst v15  }
0x127: {  	v52 =	vld [tilespmem:$0x1FFD0]  }
0x128: {  	v17 =	vld.idx.msk [tilespmem:v44+s13+$0x0], $0xffff;
	v41 =	vadd.f32 v4, v27;
	v18 =	vor.u32 v56, v34  }
0x129: {  	v4 =	vld.idx.msk [tilespmem:v9+s13+$0x0], $0xffff;
	v9 =	vadd.f32 v31, v29;
	v15 =	vor.u32 v56, v26  }
0x12a: {  	v40 =	vor.u32 v56, v28;
	v0 =	vld.idx.msk [tilespmem:v39+s13+$0x0], $0xffff;
	[tilespmem:s18+$0xFFFFFFC0] =	vst v41  }
0x12b: {  	[tilespmem:s18+$0x40] =	vst v9;
	v9 =	vld.idx.msk [tilespmem:v10+s13+$0x0], $0xffff;
	v10 =	vadd.f32 v16, v30  }
0x12c: {  	v2 =	vadd.f32 v2, v32;
	v31 =	vor.u32 v52, v11  }
0x12d: {  	v1 =	vadd.f32 v1, v23;
	v43 =	vld.idx.msk [tilespmem:v18+s13+$0x0], $0xffff;
	[tilespmem:s18+$0xC0] =	vst v10;
	v42 =	vor.u32 v52, v21  }
0x12e: {  	v17 =	vadd.f32 v17, v20;
	[tilespmem:s18+$0xFFFFFF40] =	vst v2;
	v10 =	vld.idx.msk [tilespmem:v15+s13+$0x0], $0xffff;
	v16 =	vor.u32 v52, v19  }
0x12f: {  	[tilespmem:s12+$0x50] =	vst v1;
	v4 =	vadd.f32 v4, v8;
	v18 =	vor.u32 v52, v14;
	v19 =	vld.idx.msk [tilespmem:v40+s13+$0x0], $0xffff  }
0x130: {  	[tilespmem:s12+$0xFFFFFF50] =	vst v17;
	v0 =	vadd.f32 v0, v12;
	v44 =	vor.u32 v52, v34  }
0x131: {  	[tilespmem:s16+$0xF0] =	vst v4;
	v45 =	vor.u32 v52, v26;
	v9 =	vadd.f32 v9, v27;
	v15 =	vld.idx.msk [tilespmem:v31+s13+$0x0], $0xffff  }
0x132: {  	v4 =	vor.u32 v52, v28;
	[tilespmem:s12+$0xD0] =	vst v0;
	v2 =	vadd.f32 v43, v29;
	v3 =	vld.idx.msk [tilespmem:v42+s13+$0x0], $0xffff  }
0x133: {  	v8 =	vor.u32 v52, v24;
	[tilespmem:s18+$0xFFFFFFD0] =	vst v9;
	v46 =	vadd.f32 v10, v30;
	v16 =	vld.idx.msk [tilespmem:v16+s13+$0x0], $0xffff  }
0x134: {  	[tilespmem:s18+$0x50] =	vst v2;
	v17 =	vld.idx.msk [tilespmem:v18+s13+$0x0], $0xffff;
	v9 =	vadd.f32 v19, v32  }
0x135: {  	v11 =	vor.u32 v47, v11;
	v1 =	vld.idx.msk [tilespmem:v44+s13+$0x0], $0xffff;
	[tilespmem:s18+$0xD0] =	vst v46  }
0x136: {  	v18 =	vor.u32 v47, v21;
	[tilespmem:s18+$0xFFFFFF50] =	vst v9;
	v0 =	vld.idx.msk [tilespmem:v45+s13+$0x0], $0xffff;
	v10 =	vadd.f32 v15, v13  }
0x137: {  	v4 =	vld.idx.msk [tilespmem:v4+s13+$0x0], $0xffff;
	v3 =	vadd.f32 v3, v23  }
0x138: {  	v8 =	vld.idx.msk [tilespmem:v8+s13+$0x0], $0xffff;
	v9 =	vor.u32 v47, v14;
	v49 =	vadd.f32 v16, v20;
	[tilespmem:s12+$0xFFFFFFE0] =	vst v10  }
0x139: {  	v14 =	vor.u32 v47, v34;
	v50 =	vadd.f32 v17, v12;
	[tilespmem:s12+$0x60] =	vst v3  }
0x13a: {  	v53 =	vor.u32 v47, v26;
	v1 =	vadd.f32 v1, v29;
	[tilespmem:s12+$0xFFFFFF60] =	vst v49;
	v11 =	vld.idx.msk [tilespmem:v11+s13+$0x0], $0xffff  }
0x13b: {  	v10 =	vor.u32 v47, v24;
	[tilespmem:s12+$0xE0] =	vst v50;
	v0 =	vadd.f32 v0, v30;
	v51 =	vld.idx.msk [tilespmem:v18+s13+$0x0], $0xffff  }
0x13c: {  	[tilespmem:s18+$0x60] =	vst v1;
	v15 =	vld.idx.msk [tilespmem:v22+s13+$0x0], $0xffff;
	v4 =	vadd.f32 v4, v32  }
0x13d: {  	v8 =	vadd.f32 v8, v27;
	v9 =	vld.idx.msk [tilespmem:v9+s13+$0x0], $0xffff;
	[tilespmem:s18+$0xE0] =	vst v0  }
0x13e: {  	[tilespmem:s18+$0xFFFFFF60] =	vst v4;
	v4 =	vld.idx.msk [tilespmem:v14+s13+$0x0], $0xffff  }
0x13f: {  	[tilespmem:s18+$0xFFFFFFE0] =	vst v8;
	v57 =	vld.idx.msk [tilespmem:v53+s13+$0x0], $0xffff;
	v54 =	vadd.f32 v11, v13  }
0x140: {  	v8 =	vld.idx.msk [tilespmem:v10+s13+$0x0], $0xffff;
	v2 =	vadd.f32 v51, v23  }
0x141: {  	v10 =	vld.idx.msk [tilespmem:v25+s13+$0x0], $0xffff;
	v55 =	vadd.f32 v15, v20;
	[tilespmem:s12+$0xFFFFFFF0] =	vst v54  }
0x142: {  	v58 =	vadd.f32 v9, v12;
	[tilespmem:s12+$0x70] =	vst v2  }
0x143: {  	[tilespmem:s12+$0xFFFFFF70] =	vst v55;
	v61 =	vadd.f32 v4, v29  }
0x144: {  	[tilespmem:s12+$0xF0] =	vst v58;
	v1 =	vadd.f32 v57, v30  }
0x145: {  	s0 =	sshll.u32 s22, $0xD;
	v60 =	vadd.f32 v8, v27;
	[tilespmem:s18+$0x70] =	vst v61  }
0x146: {  	s0 =	sand.u32 $0x1FFFE000, s0;
	s16 =	sshll.u32 s19, $0x7;
	v62 =	vadd.f32 v10, v32;
	[tilespmem:s18+$0xF0] =	vst v1  }
0x147: {  	s0 =	sadd.s32 s2, s0;
	s12 =	sand.u32 $0x300, s16;
	[tilespmem:s18+$0xFFFFFFF0] =	vst v60  }
0x148: {  	p1 =	seq.s32 s4, $0x18;
	s17 =	simm.s32 $0x9900;
	s0 =	sadd.s32 s12, s0;
	[tilespmem:s18+$0xFFFFFF70] =	vst v62  }
0x149: {  	[hbm4b:s0+s31] =	stream.strided.scatter [tilespmem:s17], [sflag:$0x3], $0x2000, s1, s31, $0x38;
	[tilespmem:$0x10D00] =	vst v63  }
0x14a: {  	s0 =	sshll.u32 @!p1 s4, $0x8  }
0x14b: {  	s0 =	sand.u32 @!p1 $0x3FFFFF00, s0  }
0x14c: {  	v0 =	vld @!p1 [tilespmem:s0+$0x100]  }
0x14d: {  	v1 =	vld @!p1 [tilespmem:s0+$0x110]  }
0x14e: {  	v2 =	vld @!p1 [tilespmem:s0+$0x120]  }
0x14f: {  	v3 =	vld @!p1 [tilespmem:s0+$0x130]  }
0x150: {  	v4 =	vld @!p1 [tilespmem:s0+$0x140]  }
0x151: {  	v8 =	vld @!p1 [tilespmem:s0+$0x150]  }
0x152: {  	v9 =	vld @!p1 [tilespmem:s0+$0x160]  }
0x153: {  	vm1 =	vmmov @!p1 $0xffff;
	s12 =	simm.s32 @!p1 $0x1900;
	v10 =	vld @!p1 [tilespmem:s0+$0x170];
	s0 =	simm.s32 @!p1 $0x0  }
0x154: {  	[tilespmem:s12], [sflag:$0x1] =	stream.indirect_vreg.gather @!p1 [hbm4b:s5+s0], $0x80, v0, vm1, $0xb8;
	[tilespmem:$0x10D00] =	vst v63  }
0x155: {  	s12 =	simm.s32 @!p1 $0x2100  }
0x156: {  	[tilespmem:s12], [sflag:$0x1] =	stream.indirect_vreg.gather @!p1 [hbm4b:s5+s0], $0x80, v1, vm1, $0xb8;
	[tilespmem:$0x10D00] =	vst v63  }
0x157: {  	s12 =	simm.s32 @!p1 $0x2900  }
0x158: {  	[tilespmem:s12], [sflag:$0x1] =	stream.indirect_vreg.gather @!p1 [hbm4b:s5+s0], $0x80, v2, vm1, $0xb8;
	[tilespmem:$0x10D00] =	vst v63  }
0x159: {  	s12 =	simm.s32 @!p1 $0x3100  }
0x15a: {  	[tilespmem:s12], [sflag:$0x1] =	stream.indirect_vreg.gather @!p1 [hbm4b:s5+s0], $0x80, v3, vm1, $0xb8;
	[tilespmem:$0x10D00] =	vst v63  }
0x15b: {  	s12 =	simm.s32 @!p1 $0x3900  }
0x15c: {  	[tilespmem:s12], [sflag:$0x1] =	stream.indirect_vreg.gather @!p1 [hbm4b:s5+s0], $0x80, v4, vm1, $0xb8;
	[tilespmem:$0x10D00] =	vst v63  }
0x15d: {  	s12 =	simm.s32 @!p1 $0x4100  }
0x15e: {  	[tilespmem:s12], [sflag:$0x1] =	stream.indirect_vreg.gather @!p1 [hbm4b:s5+s0], $0x80, v8, vm1, $0xb8;
	[tilespmem:$0x10D00] =	vst v63  }
0x15f: {  	s12 =	simm.s32 @!p1 $0x4900  }
0x160: {  	[tilespmem:s12], [sflag:$0x1] =	stream.indirect_vreg.gather @!p1 [hbm4b:s5+s0], $0x80, v9, vm1, $0xb8;
	[tilespmem:$0x10D00] =	vst v63  }
0x161: {  	s12 =	simm.s32 @!p1 $0x5100  }
0x162: {  	[tilespmem:s12], [sflag:$0x1] =	stream.indirect_vreg.gather @!p1 [hbm4b:s5+s0], $0x80, v10, vm1, $0xb8;
	[tilespmem:$0x10D00] =	vst v63  }
0x163: {  	_ =	swait.ge [sflag:s14], $0x800  }
0x164: {  	[sflag:s14] =	ssyncset.done $0x0  }
0x165: {  	[sflag:s14] =	ssyncadd.s32 $0xFFFFF800  }
0x166: {  	_ =	swait.ge [sflag:s14], $0x800  }
0x167: {  	[sflag:s14] =	ssyncset.done $0x0  }
0x168: {  	[sflag:s14] =	ssyncadd.s32 $0xFFFFF800  }
0x169: {  	_ =	swait.ge [sflag:s14], $0x800  }
0x16a: {  	[sflag:s14] =	ssyncset.done $0x0  }
0x16b: {  	[sflag:s14] =	ssyncadd.s32 $0xFFFFF800  }
0x16c: {  	_ =	swait.ge [sflag:s14], $0x800  }
0x16d: {  	[sflag:s14] =	ssyncset.done $0x0  }
0x16e: {  	[sflag:s14] =	ssyncadd.s32 $0xFFFFF800  }
0x16f: {  	_ =	swait.ge [sflag:s14], $0x800  }
0x170: {  	[sflag:s14] =	ssyncset.done $0x0  }
0x171: {  	[sflag:s14] =	ssyncadd.s32 $0xFFFFF800  }
0x172: {  	_ =	swait.ge [sflag:s14], $0x800  }
0x173: {  	[sflag:s14] =	ssyncset.done $0x0  }
0x174: {  	[sflag:s14] =	ssyncadd.s32 $0xFFFFF800  }
0x175: {  	_ =	swait.ge [sflag:s14], $0x800  }
0x176: {  	[sflag:s14] =	ssyncset.done $0x0  }
0x177: {  	s9 =	sadd.s32 s6, s9;
	s18 =	sadd.s32 $0x0, s8;
	[sflag:s14] =	ssyncadd.s32 $0xFFFFF800  }
0x178: {  	s15 =	sshll.u32 s9, $0x3;
	s20 =	sadd.s32 $0x2, s18;
	_ =	swait.ge [sflag:s14], $0x800  }
0x179: {  	s22 =	sand.u32 $0xFFFFFF80, s15;
	s19 =	simm.s32 $0x2;
	v32 =	vmov s20;
	v6 =	vld [tilespmem:$0x1FFE0]  }
0x17a: {  	v63 =	vmov s19;
	v58 =	vmov s22;
	v1 =	vand.u32 $0x7E, v32  }
0x17b: {  	v0 =	vand.u32 $0x7E, v63;
	v33 =	vor.u32 v58, v1  }
0x17c: {  	v23 =	vbroadcast v0, $0x0;
	v0 =	vbroadcast v33, $0x0  }
0x17d: {  	[sflag:s14] =	ssyncset.done $0x0  }
0x17e: {  	s23 =	simm.s32 $0x0;
	s16 =	simm.s32 @!p0 $0x4;
	v8 =	vmov s18;
	[sflag:s14] =	ssyncadd.s32 $0xFFFFF800;
	v34 =	vor.u32 v6, v23  }
0x17f: {  	v35 =	vmov s23;
	v8 =	vand.u32 $0x7C, v8;
	_ =	swait.ge @!p0 [sflag:s16], $0x2000  }
0x180: {  	v2 =	vand.u32 $0x7C, v35;
	v8 =	vor.u32 v58, v8;
	[sflag:s16] =	ssyncset.done @!p0 $0x0  }
0x181: {  	v12 =	vbroadcast v2, $0x0;
	v8 =	vbroadcast v8, $0x0;
	[sflag:s16] =	ssyncadd.s32 @!p0 $0xFFFFE000  }
0x182: {  	s26 =	sadd.s32 $0x1, s18;
	v31 =	vld.idx.msk [tilespmem:v0+s11+$0x0], $0xffff  }
0x183: {  	s24 =	simm.s32 $0x1;
	s25 =	sadd.s32 $0x3, s18;
	v37 =	vmov s26;
	v9 =	vor.u32 v6, v12;
	v1 =	vld.idx.msk [tilespmem:v34+s21+$0x0], $0xffff  }
0x184: {  	v36 =	vmov s24;
	v38 =	vand.u32 $0x7D, v37;
	v4 =	vmov s25  }
0x185: {  	v41 =	vor.u32 v48, v23;
	v2 =	vor.u32 v58, v38;
	v4 =	vand.u32 $0x7F, v4  }
0x186: {  	s28 =	simm.s32 $0x3;
	v3 =	vand.u32 $0x7D, v36;
	v2 =	vbroadcast v2, $0x0;
	v4 =	vor.u32 v58, v4  }
0x187: {  	v40 =	vmov s28;
	v20 =	vbroadcast v3, $0x0;
	v4 =	vbroadcast v4, $0x0;
	v32 =	vld.idx.msk [tilespmem:v8+s11+$0x0], $0xffff  }
0x188: {  	s29 =	sadd.s32 $0x4, s8;
	s23 =	simm.s32 $0x4;
	v0 =	vand.u32 $0x7F, v40;
	v9 =	vld.idx.msk [tilespmem:v9+s21+$0x0], $0xffff;
	v1 =	vadd.f32 v1, v31  }
0x189: {  	v16 =	vmov s23;
	s22 =	sadd.s32 $0x1, s29;
	s17 =	simm.s32 $0xBAF0;
	v39 =	vor.u32 v6, v20;
	v34 =	vbroadcast v0, $0x0  }
0x18a: {  	v16 =	vand.u32 $0x7C, v16;
	v14 =	vmov s22;
	s20 =	sadd.s32 $0x3, s29;
	s18 =	simm.s32 $0x5;
	[tilespmem:s17+$0xFFFFFF10] =	vst v1  }
0x18b: {  	v13 =	vmov s20;
	v8 =	vmov s18;
	v11 =	vor.u32 v6, v34;
	v0 =	vld.idx.msk [tilespmem:v41+s21+$0x0], $0xffff  }
0x18c: {  	v13 =	vand.u32 $0x7F, v13;
	v42 =	vor.u32 v48, v12;
	v27 =	vld.idx.msk [tilespmem:v2+s11+$0x0], $0xffff;
	v8 =	vand.u32 $0x7D, v8  }
0x18d: {  	s19 =	simm.s32 $0x7;
	v29 =	vld.idx.msk [tilespmem:v4+s11+$0x0], $0xffff;
	v33 =	vbroadcast v8, $0x0;
	v8 =	vadd.f32 v9, v32;
	v9 =	vand.u32 $0x7D, v14  }
0x18e: {  	v4 =	vmov s19;
	v3 =	vld.idx.msk [tilespmem:v39+s21+$0x0], $0xffff;
	v14 =	vor.u32 v7, v23;
	v9 =	vor.u32 v58, v9  }
0x18f: {  	s24 =	sadd.s32 $0x2, s29;
	v15 =	vor.u32 v6, v33;
	[tilespmem:s17+$0xFFFFFE10] =	vst v8;
	v8 =	vor.u32 v58, v13;
	v13 =	vbroadcast v9, $0x0  }
0x190: {  	v18 =	vmov s24;
	v4 =	vand.u32 $0x7F, v4;
	v11 =	vld.idx.msk [tilespmem:v11+s21+$0x0], $0xffff;
	v0 =	vadd.f32 v0, v31  }
0x191: {  	v43 =	vor.u32 v48, v20;
	v9 =	vbroadcast v4, $0x0;
	v8 =	vbroadcast v8, $0x0  }
0x192: {  	v19 =	vmov s29;
	v21 =	vand.u32 $0x7E, v18;
	v30 =	vbroadcast v16, $0x0;
	v1 =	vld.idx.msk [tilespmem:v42+s21+$0x0], $0xffff;
	[tilespmem:s17+$0xFFFFFF20] =	vst v0  }
0x193: {  	v16 =	vor.u32 v58, v21;
	s25 =	simm.s32 $0x6;
	v3 =	vadd.f32 v3, v27;
	v17 =	vor.u32 v6, v9;
	v14 =	vld.idx.msk [tilespmem:v14+s21+$0x0], $0xffff  }
0x194: {  	v44 =	vor.u32 v7, v12;
	v45 =	vld.idx.msk [tilespmem:v15+s21+$0x0], $0xffff;
	v15 =	vmov s25;
	v4 =	vor.u32 v48, v34  }
0x195: {  	v21 =	vor.u32 v6, v30;
	[tilespmem:s17+$0xFFFFFE90] =	vst v3;
	v11 =	vadd.f32 v11, v29;
	v18 =	vld.idx.msk [tilespmem:v13+s11+$0x0], $0xffff;
	v13 =	vand.u32 $0x7E, v15  }
0x196: {  	v2 =	vld.idx.msk [tilespmem:v43+s21+$0x0], $0xffff;
	v15 =	vor.u32 v59, v23;
	v36 =	vbroadcast v13, $0x0;
	v13 =	vand.u32 $0x7C, v19  }
0x197: {  	v1 =	vadd.f32 v1, v32;
	v8 =	vld.idx.msk [tilespmem:v8+s11+$0x0], $0xffff;
	[tilespmem:s17+$0xFFFFFF90] =	vst v11;
	v11 =	vor.u32 v58, v13  }
0x198: {  	v46 =	vld.idx.msk [tilespmem:v17+s21+$0x0], $0xffff;
	v13 =	vbroadcast v16, $0x0;
	v16 =	vor.u32 v6, v36;
	v14 =	vadd.f32 v14, v31  }
0x199: {  	[tilespmem:s17+$0xFFFFFE20] =	vst v1;
	v4 =	vld.idx.msk [tilespmem:v4+s21+$0x0], $0xffff;
	v11 =	vbroadcast v11, $0x0  }
0x19a: {  	v10 =	vor.u32 v47, v30;
	v0 =	vld.idx.msk [tilespmem:v44+s21+$0x0], $0xffff;
	[tilespmem:s17+$0xFFFFFF30] =	vst v14  }
0x19b: {  	v19 =	vor.u32 v7, v20;
	v14 =	vld.idx.msk [tilespmem:v15+s21+$0x0], $0xffff;
	[tilespmem:$0x1FF20] =	vst v10  }
0x19c: {  	v21 =	vld.idx.msk [tilespmem:v21+s21+$0x0], $0xffff  }
0x19d: {  	v2 =	vadd.f32 v2, v27;
	v28 =	vld.idx.msk [tilespmem:v16+s21+$0x0], $0xffff  }
0x19e: {  	v24 =	vor.u32 v7, v34;
	v16 =	vld.idx.msk [tilespmem:v13+s11+$0x0], $0xffff  }
0x19f: {  	v22 =	vor.u32 v59, v12;
	[tilespmem:s17+$0xFFFFFEA0] =	vst v2;
	v15 =	vld.idx.msk [tilespmem:v11+s11+$0x0], $0xffff  }
0x1a0: {  	v4 =	vadd.f32 v4, v29;
	v19 =	vld.idx.msk [tilespmem:v19+s21+$0x0], $0xffff  }
0x1a1: {  	v25 =	vor.u32 v48, v36;
	v0 =	vadd.f32 v0, v32  }
0x1a2: {  	s28 =	simm.s32 $0x9;
	v51 =	vor.u32 v48, v30;
	[tilespmem:s17+$0xFFFFFFA0] =	vst v4  }
0x1a3: {  	s15 =	simm.s32 $0xB;
	v54 =	vmov s28;
	v50 =	vor.u32 v59, v20;
	[tilespmem:s17+$0xFFFFFE30] =	vst v0;
	v24 =	vld.idx.msk [tilespmem:v24+s21+$0x0], $0xffff;
	v28 =	vadd.f32 v28, v16  }
0x1a4: {  	v55 =	vmov s15;
	v26 =	vor.u32 v5, v20;
	s16 =	simm.s32 $0xBCF0;
	v22 =	vld.idx.msk [tilespmem:v22+s21+$0x0], $0xffff;
	v21 =	vadd.f32 v21, v15  }
0x1a5: {  	s29 =	sadd.s32 $0x8, s8;
	v53 =	vor.u32 v48, v33;
	v49 =	vor.u32 v59, v34;
	v11 =	vadd.f32 v19, v27;
	[tilespmem:s16+$0xFFFFFF10] =	vst v28  }
0x1a6: {  	v60 =	vmov s29;
	s18 =	sadd.s32 $0x3, s29;
	v61 =	vor.u32 v7, v36;
	v3 =	vadd.f32 v45, v18;
	[tilespmem:s16+$0xFFFFFE10] =	vst v21;
	v25 =	vld.idx.msk [tilespmem:v25+s21+$0x0], $0xffff  }
0x1a7: {  	s19 =	sadd.s32 $0x1, s29;
	v57 =	vmov s18;
	v13 =	vor.u32 v5, v12;
	v14 =	vadd.f32 v14, v31;
	[tilespmem:s17+$0xFFFFFEB0] =	vst v11;
	v38 =	vld.idx.msk [tilespmem:v51+s21+$0x0], $0xffff  }
0x1a8: {  	v2 =	vor.u32 v48, v9;
	[tilespmem:s16+$0xFFFFFE90] =	vst v3;
	v24 =	vadd.f32 v24, v29;
	v21 =	vmov s19;
	v0 =	vld.idx.msk [tilespmem:v50+s21+$0x0], $0xffff  }
0x1a9: {  	v4 =	vor.u32 v5, v23;
	[tilespmem:s17+$0xFFFFFF40] =	vst v14;
	v22 =	vadd.f32 v22, v32;
	v21 =	vand.u32 $0x7D, v21  }
0x1aa: {  	v1 =	vadd.f32 v46, v8;
	v41 =	vld.idx.msk [tilespmem:v53+s21+$0x0], $0xffff;
	v14 =	vand.u32 $0x7F, v57;
	[tilespmem:s17+$0xFFFFFFB0] =	vst v24;
	v21 =	vor.u32 v58, v21  }
0x1ab: {  	v14 =	vor.u32 v58, v14;
	[tilespmem:s17+$0xFFFFFE40] =	vst v22;
	v24 =	vld.idx.msk [tilespmem:v49+s21+$0x0], $0xffff;
	v21 =	vbroadcast v21, $0x0;
	v22 =	vadd.f32 v25, v16  }
0x1ac: {  	v35 =	vor.u32 v47, v12;
	[tilespmem:s16+$0xFFFFFF90] =	vst v1;
	v63 =	vbroadcast v14, $0x0;
	v49 =	vld.idx.msk [tilespmem:v13+s21+$0x0], $0xffff;
	v25 =	vadd.f32 v38, v15  }
0x1ad: {  	v40 =	vor.u32 v7, v30;
	v42 =	vand.u32 $0x7D, v54;
	v2 =	vld.idx.msk [tilespmem:v2+s21+$0x0], $0xffff;
	v0 =	vadd.f32 v0, v27;
	[tilespmem:s16+$0xFFFFFF20] =	vst v22  }
0x1ae: {  	s26 =	simm.s32 $0x8;
	v39 =	vor.u32 v56, v12;
	v43 =	vand.u32 $0x7F, v55;
	v4 =	vld.idx.msk [tilespmem:v4+s21+$0x0], $0xffff;
	v11 =	vbroadcast v42, $0x0;
	[tilespmem:s16+$0xFFFFFE20] =	vst v25  }
0x1af: {  	v53 =	vor.u32 v5, v34;
	v19 =	vmov s26;
	v14 =	vbroadcast v43, $0x0;
	[tilespmem:s17+$0xFFFFFEC0] =	vst v0;
	v25 =	vld.idx.msk [tilespmem:v61+s21+$0x0], $0xffff  }
0x1b0: {  	v13 =	vand.u32 $0x7C, v60;
	v28 =	vor.u32 v6, v11;
	v24 =	vadd.f32 v24, v29;
	v51 =	vld.idx.msk [tilespmem:v26+s21+$0x0], $0xffff  }
0x1b1: {  	s20 =	simm.s32 $0xA;
	v50 =	vor.u32 v6, v14;
	v26 =	vor.u32 v58, v13;
	v13 =	vld.idx.msk [tilespmem:v21+s11+$0x0], $0xffff;
	v21 =	vadd.f32 v49, v32  }
0x1b2: {  	v55 =	vmov s20;
	v19 =	vand.u32 $0x7C, v19;
	v43 =	vor.u32 v52, v12;
	v12 =	vld.idx.msk [tilespmem:v63+s11+$0x0], $0xffff;
	[tilespmem:s17+$0xFFFFFFC0] =	vst v24  }
0x1b3: {  	v19 =	vbroadcast v19, $0x0;
	v24 =	vor.u32 v59, v36;
	v40 =	vld.idx.msk [tilespmem:v40+s21+$0x0], $0xffff;
	[tilespmem:s17+$0xFFFFFE50] =	vst v21;
	v21 =	vand.u32 $0x7E, v55  }
0x1b4: {  	v54 =	vor.u32 v56, v20;
	v4 =	vadd.f32 v4, v31;
	v37 =	vld.idx.msk [tilespmem:v53+s21+$0x0], $0xffff;
	v21 =	vbroadcast v21, $0x0  }
0x1b5: {  	v42 =	vor.u32 v6, v19;
	v38 =	vor.u32 v48, v14;
	v28 =	vld.idx.msk [tilespmem:v28+s21+$0x0], $0xffff;
	v25 =	vadd.f32 v25, v16  }
0x1b6: {  	s0 =	sadd.s32 $0x2, s29;
	v17 =	vmov v48;
	[tilespmem:s17+$0xFFFFFF50] =	vst v4;
	v0 =	vld.idx.msk [tilespmem:v50+s21+$0x0], $0xffff;
	v3 =	vadd.f32 v51, v27;
	v48 =	vor.u32 v6, v21  }
0x1b7: {  	v62 =	vmov s0;
	v44 =	vor.u32 v59, v30;
	v10 =	vor.u32 v56, v30;
	[tilespmem:s16+$0xFFFFFF30] =	vst v25;
	v25 =	vld.idx.msk [tilespmem:v39+s21+$0x0], $0xffff  }
0x1b8: {  	v61 =	vor.u32 v7, v9;
	v40 =	vadd.f32 v40, v15;
	[tilespmem:s17+$0xFFFFFED0] =	vst v3;
	v3 =	vbroadcast v26, $0x0;
	v24 =	vld.idx.msk [tilespmem:v24+s21+$0x0], $0xffff  }
0x1b9: {  	v45 =	vor.u32 v7, v33;
	v1 =	vand.u32 $0x7E, v62;
	v37 =	vadd.f32 v37, v29;
	v26 =	vld.idx.msk [tilespmem:v54+s21+$0x0], $0xffff;
	[tilespmem:$0x1FF40] =	vst v10  }
0x1ba: {  	v1 =	vor.u32 v58, v1;
	v2 =	vadd.f32 v2, v8;
	v42 =	vld.idx.msk [tilespmem:v42+s21+$0x0], $0xffff;
	[tilespmem:s16+$0xFFFFFE30] =	vst v40  }
0x1bb: {  	v46 =	vor.u32 v56, v23;
	v1 =	vbroadcast v1, $0x0;
	v57 =	vor.u32 v52, v20;
	[tilespmem:s17+$0xFFFFFFD0] =	vst v37;
	v40 =	vld.idx.msk [tilespmem:v48+s21+$0x0], $0xffff  }
0x1bc: {  	v4 =	vadd.f32 v41, v18;
	v50 =	vor.u32 v52, v23;
	[tilespmem:s16+$0xFFFFFFA0] =	vst v2;
	v37 =	vld.idx.msk [tilespmem:v44+s21+$0x0], $0xffff  }
0x1bd: {  	v53 =	vor.u32 v47, v20;
	v0 =	vadd.f32 v0, v12;
	v39 =	vor.u32 v56, v34;
	v63 =	vld.idx.msk [tilespmem:v61+s21+$0x0], $0xffff  }
0x1be: {  	s12 =	simm.s32 $0xBEF0;
	[tilespmem:s16+$0xFFFFFEA0] =	vst v4;
	v4 =	vor.u32 v5, v30;
	v25 =	vadd.f32 v25, v32;
	v20 =	vld.idx.msk [tilespmem:v3+s11+$0x0], $0xffff  }
0x1bf: {  	[tilespmem:s12+$0xFFFFFF90] =	vst v0;
	v3 =	vor.u32 v47, v23;
	v23 =	vadd.f32 v26, v27;
	v26 =	vld.idx.msk [tilespmem:v45+s21+$0x0], $0xffff  }
0x1c0: {  	v0 =	vor.u32 v59, v33;
	v24 =	vadd.f32 v24, v16;
	[tilespmem:s17+$0xFFFFFE60] =	vst v25;
	v25 =	vld.idx.msk [tilespmem:v46+s21+$0x0], $0xffff  }
0x1c1: {  	[tilespmem:s17+$0xFFFFFEE0] =	vst v23;
	v23 =	vld.idx.msk [tilespmem:v1+s11+$0x0], $0xffff;
	v1 =	vor.u32 v5, v36;
	v37 =	vadd.f32 v37, v15  }
0x1c2: {  	s26 =	simm.s32 $0xD;
	v45 =	vor.u32 v17, v19;
	v43 =	vld.idx.msk [tilespmem:v43+s21+$0x0], $0xffff;
	[tilespmem:s16+$0xFFFFFF40] =	vst v24;
	v44 =	vadd.f32 v63, v8  }
0x1c3: {  	v48 =	vadd.f32 v28, v13;
	v24 =	vmov s26;
	v28 =	vld.idx.msk [tilespmem:v57+s21+$0x0], $0xffff;
	[tilespmem:s16+$0xFFFFFE40] =	vst v37;
	v42 =	vadd.f32 v42, v20  }
0x1c4: {  	v49 =	vor.u32 v17, v21;
	v39 =	vld.idx.msk [tilespmem:v39+s21+$0x0], $0xffff;
	v24 =	vand.u32 $0x7D, v24;
	[tilespmem:s16+$0xFFFFFFB0] =	vst v44;
	v26 =	vadd.f32 v26, v18  }
0x1c5: {  	v60 =	vor.u32 v59, v9;
	v24 =	vbroadcast v24, $0x0;
	v25 =	vadd.f32 v25, v31;
	v4 =	vld.idx.msk [tilespmem:v4+s21+$0x0], $0xffff;
	[tilespmem:s12+$0xFFFFFE10] =	vst v42  }
0x1c6: {  	s23 =	sadd.s32 $0xC, s8;
	s22 =	simm.s32 $0xC;
	v40 =	vadd.f32 v40, v23;
	[tilespmem:s16+$0xFFFFFEB0] =	vst v26;
	v1 =	vld.idx.msk [tilespmem:v1+s21+$0x0], $0xffff  }
0x1c7: {  	s28 =	sadd.s32 $0x2, s23;
	v62 =	vmov s22;
	v63 =	vor.u32 v6, v24;
	v43 =	vadd.f32 v43, v32;
	[tilespmem:s17+$0xFFFFFF60] =	vst v25;
	v45 =	vld.idx.msk [tilespmem:v45+s21+$0x0], $0xffff  }
0x1c8: {  	v2 =	vand.u32 $0x7C, v62;
	v62 =	vmov s28;
	v28 =	vadd.f32 v28, v27;
	v0 =	vld.idx.msk [tilespmem:v0+s21+$0x0], $0xffff;
	[tilespmem:s12+$0xFFFFFF10] =	vst v40  }
0x1c9: {  	[tilespmem:s17+$0xFFFFFE70] =	vst v43;
	v40 =	vand.u32 $0x7E, v62;
	v49 =	vld.idx.msk [tilespmem:v49+s21+$0x0], $0xffff  }
0x1ca: {  	[tilespmem:s17+$0xFFFFFEF0] =	vst v28;
	v10 =	vor.u32 v58, v40;
	v40 =	vld.idx.msk [tilespmem:v60+s21+$0x0], $0xffff  }
0x1cb: {  	v44 =	vld.idx.msk [tilespmem:v53+s21+$0x0], $0xffff;
	[tilespmem:$0x1FF30] =	vst v58  }
0x1cc: {  	v37 =	vld.idx.msk [tilespmem:v63+s21+$0x0], $0xffff  }
0x1cd: {  	s24 =	simm.s32 $0xF;
	s25 =	sadd.s32 $0x3, s23;
	v41 =	vor.u32 v52, v34;
	v55 =	vor.u32 v17, v11;
	v51 =	vor.u32 v5, v33  }
0x1ce: {  	v61 =	vmov s25;
	v57 =	vmov s24;
	v26 =	vmov s23  }
0x1cf: {  	s15 =	sadd.s32 $0x1, s23;
	v46 =	vand.u32 $0x7F, v57;
	v42 =	vand.u32 $0x7F, v61;
	v26 =	vand.u32 $0x7C, v26  }
0x1d0: {  	v42 =	vor.u32 v58, v42;
	v28 =	vmov s15;
	[tilespmem:s12+$0xFFFFFE90] =	vst v48;
	v43 =	vld.idx.msk [tilespmem:v50+s21+$0x0], $0xffff;
	v25 =	vadd.f32 v45, v20  }
0x1d1: {  	v57 =	vor.u32 v58, v26;
	v61 =	vand.u32 $0x7D, v28;
	v0 =	vadd.f32 v0, v18;
	[tilespmem:$0x1FF50] =	vst v37  }
0x1d2: {  	v62 =	vor.u32 v58, v61;
	v63 =	vadd.f32 v39, v29;
	v45 =	vor.u32 v7, v21;
	[tilespmem:s12+$0xFFFFFE20] =	vst v25  }
0x1d3: {  	v28 =	vbroadcast v2, $0x0;
	v2 =	vbroadcast v62, $0x0;
	v58 =	vadd.f32 v49, v23;
	[tilespmem:s16+$0xFFFFFEC0] =	vst v0  }
0x1d4: {  	v27 =	vadd.f32 v44, v27;
	v55 =	vld.idx.msk [tilespmem:v55+s21+$0x0], $0xffff;
	[tilespmem:s17+$0xFFFFFFE0] =	vst v63  }
0x1d5: {  	v26 =	vbroadcast v46, $0x0;
	v43 =	vadd.f32 v43, v31;
	[tilespmem:s12+$0xFFFFFF20] =	vst v58;
	v61 =	vld.idx.msk [tilespmem:v51+s21+$0x0], $0xffff  }
0x1d6: {  	v62 =	vadd.f32 v40, v8;
	[tilespmem:s17+$0xFFFFFF00] =	vst v27;
	v63 =	vld.idx.msk [tilespmem:v41+s21+$0x0], $0xffff  }
0x1d7: {  	v4 =	vadd.f32 v4, v15;
	v46 =	vor.u32 v6, v26;
	v45 =	vld.idx.msk [tilespmem:v45+s21+$0x0], $0xffff;
	[tilespmem:s17+$0xFFFFFF70] =	vst v43  }
0x1d8: {  	v1 =	vadd.f32 v1, v16;
	[tilespmem:s16+$0xFFFFFFC0] =	vst v62;
	v3 =	vld.idx.msk [tilespmem:v3+s21+$0x0], $0xffff  }
0x1d9: {  	[tilespmem:s16+$0xFFFFFE50] =	vst v4;
	v27 =	vld.idx.msk [tilespmem:v2+s11+$0x0], $0xffff;
	v2 =	vadd.f32 v55, v13  }
0x1da: {  	v60 =	vbroadcast v42, $0x0;
	[tilespmem:s16+$0xFFFFFF50] =	vst v1;
	v42 =	vadd.f32 v61, v18  }
0x1db: {  	v55 =	vadd.f32 v63, v29;
	[tilespmem:s12+$0xFFFFFEA0] =	vst v2  }
0x1dc: {  	v1 =	vld.idx.msk [tilespmem:v46+s21+$0x0], $0xffff;
	v46 =	vadd.f32 v45, v23;
	[tilespmem:s16+$0xFFFFFED0] =	vst v42  }
0x1dd: {  	v49 =	vor.u32 v56, v33;
	v3 =	vadd.f32 v3, v31;
	[tilespmem:s17+$0xFFFFFFF0] =	vst v55  }
0x1de: {  	v54 =	vor.u32 v7, v19;
	[tilespmem:s12+$0xFFFFFF30] =	vst v46  }
0x1df: {  	[tilespmem:s17+$0xFFFFFF80] =	vst v3  }
0x1e0: {  	v2 =	vld [tilespmem:$0x1FF40]  }
0x1e1: {  	v44 =	vor.u32 v5, v9;
	v51 =	vld.idx.msk [tilespmem:v35+s21+$0x0], $0xffff  }
0x1e2: {  	v4 =	vor.u32 v59, v21;
	v63 =	vld.idx.msk [tilespmem:v49+s21+$0x0], $0xffff  }
0x1e3: {  	s29 =	simm.s32 $0xE;
	v22 =	vor.u32 v47, v19;
	v54 =	vld.idx.msk [tilespmem:v54+s21+$0x0], $0xffff  }
0x1e4: {  	v50 =	vor.u32 v59, v19;
	v40 =	vor.u32 v52, v30;
	v30 =	vmov s29  }
0x1e5: {  	v39 =	vor.u32 v52, v36;
	v0 =	vor.u32 v47, v34;
	v35 =	vand.u32 $0x7E, v30;
	v30 =	vld.idx.msk [tilespmem:v60+s11+$0x0], $0xffff  }
0x1e6: {  	v62 =	vbroadcast v57, $0x0;
	v41 =	vor.u32 v56, v36;
	v57 =	vld.idx.msk [tilespmem:v44+s21+$0x0], $0xffff;
	v31 =	vadd.f32 v51, v32  }
0x1e7: {  	v44 =	vor.u32 v56, v19;
	v45 =	vor.u32 v56, v9;
	v56 =	vld.idx.msk [tilespmem:v4+s21+$0x0], $0xffff;
	v4 =	vadd.f32 v63, v18  }
0x1e8: {  	v53 =	vor.u32 v6, v28;
	v34 =	vbroadcast v35, $0x0;
	[tilespmem:s17+$0xFFFFFE80] =	vst v31;
	v49 =	vld.idx.msk [tilespmem:v2+s21+$0x0], $0xffff;
	v2 =	vadd.f32 v54, v20  }
0x1e9: {  	v48 =	vor.u32 v52, v33;
	v58 =	vor.u32 v7, v11;
	v61 =	vld.idx.msk [tilespmem:v38+s21+$0x0], $0xffff;
	[tilespmem:s16+$0xFFFFFEE0] =	vst v4  }
0x1ea: {  	v37 =	vor.u32 v17, v26;
	v60 =	vor.u32 v6, v34;
	v0 =	vld.idx.msk [tilespmem:v0+s21+$0x0], $0xffff;
	v3 =	vbroadcast v10, $0x0;
	[tilespmem:s12+$0xFFFFFE30] =	vst v2  }
0x1eb: {  	v25 =	vor.u32 v47, v28;
	v35 =	vor.u32 v52, v9;
	v43 =	vor.u32 v17, v34;
	v4 =	vld [tilespmem:$0x1FF50]  }
0x1ec: {  	v38 =	vor.u32 v5, v11;
	v32 =	vld.idx.msk [tilespmem:v62+s11+$0x0], $0xffff;
	v42 =	vor.u32 v59, v14;
	v46 =	vor.u32 v47, v33  }
0x1ed: {  	v55 =	vor.u32 v7, v14;
	v59 =	vld.idx.msk [tilespmem:v53+s21+$0x0], $0xffff;
	v53 =	vor.u32 v5, v21;
	v33 =	vor.u32 v7, v28  }
0x1ee: {  	v58 =	vld.idx.msk [tilespmem:v58+s21+$0x0], $0xffff;
	v31 =	vor.u32 v47, v36;
	v36 =	vadd.f32 v57, v8;
	v51 =	vadd.f32 v61, v12  }
0x1ef: {  	v47 =	vor.u32 v5, v19;
	v57 =	vld.idx.msk [tilespmem:v60+s21+$0x0], $0xffff;
	v61 =	vadd.f32 v1, v30;
	v60 =	vadd.f32 v0, v29  }
0x1f0: {  	s18 =	simm.s32 $0xC0F0;
	s22 =	simm.s32 $0x10;
	s19 =	sshrl.u32 s9, $0x3;
	v29 =	vld.idx.msk [tilespmem:v3+s11+$0x0], $0xffff;
	v54 =	vor.u32 v17, v28;
	[tilespmem:s16+$0xFFFFFFD0] =	vst v36;
	v52 =	vadd.f32 v4, v27  }
.LBB2_5:
0x1f1: {  	v3 =	vld.idx.msk [tilespmem:v48+s21+$0x0], $0xffff  }
0x1f2: {  	v36 =	vmov v12;
	v12 =	vmov v30;
	v30 =	vld.idx.msk [tilespmem:v50+s21+$0x0], $0xffff  }
0x1f3: {  	s23 =	smov.u32 s22;
	v41 =	vld.idx.msk [tilespmem:v41+s21+$0x0], $0xffff;
	[tilespmem:s18+$0xFFFFFF90] =	vst v61  }
0x1f4: {  	v61 =	vld [tilespmem:$0x1FFC0];
	s28 =	sadd.s32 $0x1, s23;
	[tilespmem:s12+$0xFFFFFFA0] =	vst v51  }
0x1f5: {  	v10 =	vmov s28;
	v55 =	vld.idx.msk [tilespmem:v55+s21+$0x0], $0xffff;
	v2 =	vadd.f32 v49, v15  }
0x1f6: {  	v51 =	vmovc v16;
	v16 =	vmov v23;
	v5 =	vand.u32 $0x7D, v10;
	v10 =	vld [tilespmem:$0x1FFA0];
	v59 =	vadd.f32 v59, v32  }
0x1f7: {  	v49 =	vmovc v44;
	v44 =	vmovc v15;
	v15 =	vmov v20;
	v20 =	vmov v32;
	v32 =	vbroadcast v5, $0x0;
	v5 =	vld [tilespmem:$0x1FF30];
	[tilespmem:s16+$0xFFFFFE60] =	vst v2  }
0x1f8: {  	v56 =	vadd.f32 v56, v16;
	[tilespmem:s18+$0xFFFFFE10] =	vst v59;
	v59 =	vld [tilespmem:$0x1FFD0]  }
0x1f9: {  	v48 =	vmov v21;
	[tilespmem:s17+$0x0] =	vst v60;
	s17 =	smov.u32 s16;
	v30 =	vadd.f32 v30, v15;
	s16 =	smov.u32 s12;
	v40 =	vld.idx.msk [tilespmem:v40+s21+$0x0], $0xffff  }
0x1fa: {  	v21 =	vmov v34;
	v57 =	vadd.f32 v57, v29;
	v34 =	vor.u32 v61, v11;
	v54 =	vld.idx.msk [tilespmem:v54+s21+$0x0], $0xffff;
	[tilespmem:s16+$0xFFFFFF40] =	vst v56  }
0x1fb: {  	[tilespmem:s16+$0xFFFFFE40] =	vst v30;
	v30 =	vadd.f32 v41, v51;
	v53 =	vld.idx.msk [tilespmem:v53+s21+$0x0], $0xffff  }
0x1fc: {  	s0 =	sadd.s32 s22, s8;
	v0 =	vmov s22;
	v58 =	vadd.f32 v58, v13;
	[tilespmem:s18+$0xFFFFFF10] =	vst v57;
	v47 =	vld.idx.msk [tilespmem:v47+s21+$0x0], $0xffff  }
0x1fd: {  	s15 =	sadd.s32 $0x3, s22;
	v1 =	vor.u32 v17, v24;
	v0 =	vand.u32 $0x7C, v0;
	s26 =	sadd.s32 $0x3, s0;
	v3 =	vadd.f32 v3, v18;
	v43 =	vld.idx.msk [tilespmem:v43+s21+$0x0], $0xffff;
	[tilespmem:s17+$0xFFFFFF60] =	vst v30  }
0x1fe: {  	s24 =	sadd.s32 $0x1, s0;
	s25 =	sadd.s32 $0x2, s0;
	v4 =	vmov s15;
	v50 =	vmov s26;
	[tilespmem:s16+$0xFFFFFEB0] =	vst v58;
	v55 =	vadd.f32 v55, v36;
	v39 =	vld.idx.msk [tilespmem:v39+s21+$0x0], $0xffff  }
0x1ff: {  	v4 =	vand.u32 $0x7F, v4;
	v62 =	vmov s24;
	v60 =	vmov s25;
	v34 =	vld.idx.msk [tilespmem:v34+s21+$0x0], $0xffff;
	[tilespmem:s17+$0xFFFFFEF0] =	vst v3  }
0x200: {  	v50 =	vand.u32 $0x7F, v50;
	v63 =	vand.u32 $0x7D, v62;
	v58 =	vor.u32 v6, v32;
	v3 =	vld.idx.msk [tilespmem:v45+s21+$0x0], $0xffff;
	[tilespmem:s16+$0xFFFFFFB0] =	vst v55  }
0x201: {  	v2 =	vmov s0;
	v41 =	vld.idx.msk [tilespmem:v42+s21+$0x0], $0xffff;
	v30 =	vadd.f32 v54, v20;
	v42 =	vor.u32 v7, v21  }
0x202: {  	v23 =	vmovc v29;
	v62 =	vand.u32 $0x7E, v60;
	v2 =	vand.u32 $0x7C, v2;
	v50 =	vor.u32 v5, v50;
	v46 =	vld.idx.msk [tilespmem:v46+s21+$0x0], $0xffff  }
0x203: {  	v56 =	vld [tilespmem:$0x1FF90];
	v2 =	vor.u32 v5, v2;
	v63 =	vor.u32 v5, v63;
	[tilespmem:s18+$0xFFFFFE20] =	vst v30;
	v30 =	vadd.f32 v43, v23  }
0x204: {  	s12 =	smov.u32 s18;
	v45 =	vbroadcast v50, $0x0;
	v55 =	vor.u32 v5, v62;
	v5 =	vld [tilespmem:$0x1FFB0];
	v40 =	vadd.f32 v40, v44;
	[tilespmem:s18+$0xFFFFFE90] =	vst v52  }
0x205: {  	v50 =	vbroadcast v63, $0x0;
	v58 =	vld.idx.msk [tilespmem:v58+s21+$0x0], $0xffff;
	v63 =	vadd.f32 v47, v15;
	v47 =	vadd.f32 v39, v51;
	[tilespmem:s12+$0xFFFFFF20] =	vst v30  }
0x206: {  	v0 =	vbroadcast v0, $0x0;
	v4 =	vbroadcast v4, $0x0;
	[tilespmem:s17+$0xFFFFFE70] =	vst v40;
	v34 =	vadd.f32 v34, v13;
	v42 =	vld.idx.msk [tilespmem:v42+s21+$0x0], $0xffff  }
0x207: {  	v3 =	vadd.f32 v3, v8;
	v46 =	vadd.f32 v46, v18;
	v18 =	vmovc v13;
	v13 =	vmov v27;
	v27 =	vld [tilespmem:$0x1FF20];
	[tilespmem:s17+$0xFFFFFF70] =	vst v47  }
0x208: {  	v57 =	vor.u32 v6, v4;
	v1 =	vld.idx.msk [tilespmem:v1+s21+$0x0], $0xffff;
	v53 =	vadd.f32 v53, v16;
	[tilespmem:s16+$0xFFFFFEC0] =	vst v34  }
0x209: {  	v52 =	vor.u32 v6, v0;
	v62 =	vadd.f32 v41, v36;
	[tilespmem:s17+$0xFFFFFFE0] =	vst v3;
	v34 =	vld.idx.msk [tilespmem:v38+s21+$0x0], $0xffff  }
0x20a: {  	v60 =	vor.u32 v56, v0;
	v54 =	vor.u32 v10, v14;
	[tilespmem:s16+$0xFFFFFF50] =	vst v53;
	v43 =	vld.idx.msk [tilespmem:v35+s21+$0x0], $0xffff  }
0x20b: {  	s29 =	sadd.s32 $0x2, s23;
	v40 =	vor.u32 v59, v19;
	v19 =	vmov v28;
	v30 =	vmov v22;
	[tilespmem:s16+$0xFFFFFFC0] =	vst v62;
	v31 =	vld.idx.msk [tilespmem:v31+s21+$0x0], $0xffff  }
0x20c: {  	v29 =	vmov s29;
	v28 =	vmovc v0;
	v0 =	vor.u32 v17, v4;
	v39 =	vor.u32 v59, v48;
	[tilespmem:$0x1FF20] =	vst v30;
	v30 =	vld.idx.msk [tilespmem:v45+s11+$0x0], $0xffff  }
0x20d: {  	v41 =	vor.u32 v5, v48;
	v47 =	vor.u32 v61, v21;
	v3 =	vor.u32 v5, v11;
	v53 =	vld.idx.msk [tilespmem:v57+s21+$0x0], $0xffff  }
0x20e: {  	v22 =	vand.u32 $0x7E, v29;
	v29 =	vor.u32 v56, v9;
	v1 =	vadd.f32 v1, v13;
	v37 =	vld.idx.msk [tilespmem:v37+s21+$0x0], $0xffff  }
0x20f: {  	v9 =	vmov v14;
	[tilespmem:s17+$0xFFFFFF00] =	vst v46;
	v62 =	vbroadcast v55, $0x0;
	v55 =	vadd.f32 v42, v23;
	v46 =	vld.idx.msk [tilespmem:v27+s21+$0x0], $0xffff  }
0x210: {  	v35 =	vor.u32 v59, v14;
	v14 =	vmov v26;
	v45 =	vadd.f32 v34, v18;
	v27 =	vld.idx.msk [tilespmem:v50+s11+$0x0], $0xffff;
	[tilespmem:s16+$0xFFFFFE50] =	vst v63  }
0x211: {  	v38 =	vor.u32 v10, v24;
	v42 =	vor.u32 v61, v14;
	v34 =	vbroadcast v22, $0x0;
	[tilespmem:s12+$0xFFFFFF30] =	vst v55;
	v22 =	vld.idx.msk [tilespmem:v33+s21+$0x0], $0xffff  }
0x212: {  	v2 =	vbroadcast v2, $0x0;
	v51 =	vadd.f32 v31, v51;
	v63 =	vadd.f32 v43, v8;
	[tilespmem:s16+$0xFFFFFED0] =	vst v45;
	v49 =	vld.idx.msk [tilespmem:v49+s21+$0x0], $0xffff  }
0x213: {  	v55 =	vor.u32 v7, v14;
	v31 =	vor.u32 v56, v48;
	v48 =	vor.u32 v59, v11;
	v3 =	vld.idx.msk [tilespmem:v3+s21+$0x0], $0xffff  }
0x214: {  	v50 =	vor.u32 v61, v19;
	v33 =	vor.u32 v7, v24;
	v59 =	vld.idx.msk [tilespmem:v52+s21+$0x0], $0xffff;
	[tilespmem:s17+$0xFFFFFFF0] =	vst v63  }
0x215: {  	v57 =	vor.u32 v6, v34;
	v43 =	vor.u32 v17, v34;
	v45 =	vor.u32 v5, v9;
	v61 =	vld.idx.msk [tilespmem:v54+s21+$0x0], $0xffff  }
0x216: {  	[tilespmem:s12+$0xFFFFFEA0] =	vst v1;
	v63 =	vadd.f32 v46, v44;
	v44 =	vor.u32 v5, v19;
	v5 =	vld.idx.msk [tilespmem:v29+s21+$0x0], $0xffff  }
0x217: {  	p0 =	slt.u32 s22, $0x3C;
	v26 =	vmov v4;
	v46 =	vor.u32 v56, v11;
	v56 =	vld.idx.msk [tilespmem:v47+s21+$0x0], $0xffff;
	[tilespmem:s17+$0xFFFFFF80] =	vst v51;
	v51 =	vadd.f32 v37, v12  }
.Ltmp1:
0x218: {  	v11 =	vmovc v24;
	v24 =	vmov v32;
	v32 =	vld.idx.msk [tilespmem:v2+s11+$0x0], $0xffff;
	v4 =	vadd.f32 v22, v20;
	v37 =	vadd.f32 v3, v18;
	(pc) =	sbr.rel @p0 .LBB2_5-.Ltmp1, $4  }
0x219: {  	v54 =	vor.u32 v17, v28;
	v52 =	vadd.f32 v58, v27;
	v58 =	vld.idx.msk [tilespmem:v33+s21+$0x0], $0xffff;
	[tilespmem:s17+$0xFFFFFE80] =	vst v63  }
0x21a: {  	v47 =	vor.u32 v10, v19;
	v22 =	vmov v25;
	v57 =	vld.idx.msk [tilespmem:v57+s21+$0x0], $0xffff;
	[tilespmem:s12+$0xFFFFFE30] =	vst v4;
	v2 =	vadd.f32 v61, v36  }
0x21b: {  	s20 =	sadd.s32 $0x4, s22;
	v25 =	vmov v60;
	v33 =	vor.u32 v7, v28;
	v29 =	vld.idx.msk [tilespmem:v62+s11+$0x0], $0xffff;
	v61 =	vadd.f32 v53, v30;
	[tilespmem:s16+$0xFFFFFEE0] =	vst v37  }
0x21c: {  	s22 =	smov.u32 s20;
	s18 =	sadd.s32 $0x200, s18;
	v53 =	vor.u32 v10, v21;
	[tilespmem:s16+$0xFFFFFFD0] =	vst v2;
	v60 =	vadd.f32 v5, v8;
	v8 =	vmovc v36;
	v37 =	vmov v0  }
0x21d: {  	_ =	sdelay $0x2  }
0x21e: {  	[tilespmem:s18+$0xFFFFFF90] =	vst v61  }
0x21f: {  	v0 =	vadd.f32 v49, v15;
	[tilespmem:s12+$0xFFFFFFA0] =	vst v51;
	v1 =	vld.idx.msk [tilespmem:v48+s21+$0x0], $0xffff  }
0x220: {  	v2 =	vadd.f32 v59, v32;
	v3 =	vld.idx.msk [tilespmem:v50+s21+$0x0], $0xffff;
	[tilespmem:s17+$0x0] =	vst v60  }
0x221: {  	v4 =	vadd.f32 v56, v23;
	v36 =	vld.idx.msk [tilespmem:v41+s21+$0x0], $0xffff;
	[tilespmem:s16+$0xFFFFFE60] =	vst v0;
	v0 =	vor.u32 v17, v24  }
0x222: {  	v5 =	vld.idx.msk [tilespmem:v55+s21+$0x0], $0xffff;
	[tilespmem:s18+$0xFFFFFE10] =	vst v2  }
0x223: {  	v2 =	vadd.f32 v58, v13;
	v49 =	vld [tilespmem:$0x1FFC0];
	[tilespmem:s12+$0xFFFFFF40] =	vst v4  }
0x224: {  	v4 =	vld.idx.msk [tilespmem:v40+s21+$0x0], $0xffff;
	v51 =	vadd.f32 v57, v29;
	[tilespmem:s18+$0xFFFFFE90] =	vst v52  }
0x225: {  	[tilespmem:s12+$0xFFFFFEB0] =	vst v2;
	v2 =	vld.idx.msk [tilespmem:v54+s21+$0x0], $0xffff;
	v1 =	vadd.f32 v1, v18  }
0x226: {  	[tilespmem:s18+$0xFFFFFF10] =	vst v51;
	v3 =	vadd.f32 v3, v20;
	v0 =	vld.idx.msk [tilespmem:v0+s21+$0x0], $0xffff  }
0x227: {  	v5 =	vadd.f32 v5, v12;
	[tilespmem:s16+$0xFFFFFEF0] =	vst v1;
	v1 =	vld.idx.msk [tilespmem:v43+s21+$0x0], $0xffff  }
0x228: {  	[tilespmem:s12+$0xFFFFFE40] =	vst v3;
	v3 =	vadd.f32 v36, v16;
	v10 =	vor.u32 v49, v11;
	v56 =	vld.idx.msk [tilespmem:v46+s21+$0x0], $0xffff  }
0x229: {  	v54 =	vld.idx.msk [tilespmem:v37+s21+$0x0], $0xffff;
	[tilespmem:s12+$0xFFFFFFB0] =	vst v5;
	v4 =	vadd.f32 v4, v15;
	v5 =	vor.u32 v7, v24  }
0x22a: {  	v57 =	vld.idx.msk [tilespmem:v47+s21+$0x0], $0xffff;
	[tilespmem:s16+$0xFFFFFF60] =	vst v3;
	v2 =	vadd.f32 v2, v32;
	v3 =	vor.u32 v7, v34  }
0x22b: {  	v55 =	vld.idx.msk [tilespmem:v45+s21+$0x0], $0xffff;
	[tilespmem:s16+$0xFFFFFE70] =	vst v4;
	v0 =	vadd.f32 v0, v27  }
0x22c: {  	v4 =	vld.idx.msk [tilespmem:v42+s21+$0x0], $0xffff;
	[tilespmem:s18+$0xFFFFFE20] =	vst v2;
	v2 =	vor.u32 v7, v26;
	v1 =	vadd.f32 v1, v29  }
0x22d: {  	v52 =	vld.idx.msk [tilespmem:v10+s21+$0x0], $0xffff;
	v59 =	vadd.f32 v56, v18;
	[tilespmem:s18+$0xFFFFFEA0] =	vst v0  }
0x22e: {  	[tilespmem:s18+$0xFFFFFF20] =	vst v1;
	v0 =	vadd.f32 v54, v30;
	v1 =	vld.idx.msk [tilespmem:v5+s21+$0x0], $0xffff  }
0x22f: {  	v60 =	vadd.f32 v57, v20;
	v3 =	vld.idx.msk [tilespmem:v3+s21+$0x0], $0xffff;
	[tilespmem:s16+$0xFFFFFF00] =	vst v59  }
0x230: {  	v18 =	vld.idx.msk [tilespmem:v33+s21+$0x0], $0xffff;
	v5 =	vadd.f32 v55, v8;
	[tilespmem:s18+$0xFFFFFFA0] =	vst v0  }
0x231: {  	[tilespmem:s12+$0xFFFFFE50] =	vst v60;
	v0 =	vadd.f32 v4, v12;
	v4 =	vor.u32 v49, v24;
	v2 =	vld.idx.msk [tilespmem:v2+s21+$0x0], $0xffff  }
0x232: {  	[tilespmem:s16+$0xFFFFFFE0] =	vst v5;
	v5 =	vld.idx.msk [tilespmem:v39+s21+$0x0], $0xffff;
	v58 =	vadd.f32 v52, v13  }
0x233: {  	v62 =	vld.idx.msk [tilespmem:v53+s21+$0x0], $0xffff;
	[tilespmem:s12+$0xFFFFFFC0] =	vst v0;
	v1 =	vadd.f32 v1, v27  }
0x234: {  	[tilespmem:s12+$0xFFFFFEC0] =	vst v58;
	v3 =	vadd.f32 v3, v29  }
0x235: {  	v10 =	vor.u32 v49, v26;
	v35 =	vld.idx.msk [tilespmem:v35+s21+$0x0], $0xffff;
	v18 =	vadd.f32 v18, v32;
	[tilespmem:s18+$0xFFFFFEB0] =	vst v1  }
0x236: {  	[tilespmem:s18+$0xFFFFFF30] =	vst v3;
	v2 =	vadd.f32 v2, v30;
	v1 =	vld.idx.msk [tilespmem:v4+s21+$0x0], $0xffff  }
0x237: {  	v40 =	vld [tilespmem:$0x1FFB0];
	v4 =	vadd.f32 v5, v16;
	[tilespmem:s18+$0xFFFFFE30] =	vst v18  }
0x238: {  	v61 =	vor.u32 v49, v34;
	v18 =	vadd.f32 v62, v23;
	v39 =	vld [tilespmem:$0x1FFA0];
	[tilespmem:s18+$0xFFFFFFB0] =	vst v2  }
0x239: {  	v63 =	vld.idx.msk [tilespmem:v38+s21+$0x0], $0xffff;
	[tilespmem:s16+$0xFFFFFF70] =	vst v4  }
0x23a: {  	v0 =	vor.u32 v49, v28;
	v33 =	vld.idx.msk [tilespmem:v10+s21+$0x0], $0xffff;
	[tilespmem:s12+$0xFFFFFF50] =	vst v18  }
0x23b: {  	v10 =	vld [tilespmem:$0x1FF20];
	_ =	sdelay $0x1  }
0x23c: {  	v5 =	vld.idx.msk [tilespmem:v61+s21+$0x0], $0xffff;
	v3 =	vor.u32 v40, v11;
	_ =	sdelay $0x1  }
0x23d: {  	v0 =	vld.idx.msk [tilespmem:v0+s21+$0x0], $0xffff;
	v2 =	vadd.f32 v63, v13;
	v41 =	vor.u32 v39, v14  }
0x23e: {  	v42 =	vadd.f32 v35, v8  }
0x23f: {  	v18 =	vld.idx.msk [tilespmem:v31+s21+$0x0], $0xffff;
	[tilespmem:s12+$0xFFFFFED0] =	vst v2;
	v1 =	vadd.f32 v1, v27  }
0x240: {  	[tilespmem:s16+$0xFFFFFFF0] =	vst v42;
	v5 =	vadd.f32 v5, v29;
	v3 =	vld.idx.msk [tilespmem:v3+s21+$0x0], $0xffff  }
0x241: {  	[tilespmem:s18+$0xFFFFFEC0] =	vst v1;
	v45 =	vld.idx.msk [tilespmem:v10+s21+$0x0], $0xffff  }
0x242: {  	v4 =	vor.u32 v39, v24;
	v0 =	vadd.f32 v0, v32;
	[tilespmem:s18+$0xFFFFFF40] =	vst v5;
	v47 =	vld.idx.msk [tilespmem:v41+s21+$0x0], $0xffff  }
0x243: {  	v43 =	vor.u32 v39, v34;
	v5 =	vadd.f32 v33, v30;
	v48 =	vld [tilespmem:$0x1FF90]  }
0x244: {  	v2 =	vor.u32 v39, v28;
	v16 =	vadd.f32 v18, v16;
	[tilespmem:s18+$0xFFFFFE40] =	vst v0  }
0x245: {  	[tilespmem:s18+$0xFFFFFFC0] =	vst v5;
	v3 =	vadd.f32 v3, v13  }
0x246: {  	v50 =	vld.idx.msk [tilespmem:v44+s21+$0x0], $0xffff;
	v46 =	vor.u32 v39, v26;
	[tilespmem:s16+$0xFFFFFF80] =	vst v16;
	v15 =	vadd.f32 v45, v15  }
0x247: {  	v1 =	vor.u32 v40, v21;
	v4 =	vld.idx.msk [tilespmem:v4+s21+$0x0], $0xffff;
	v10 =	vadd.f32 v47, v12;
	[tilespmem:s12+$0xFFFFFEE0] =	vst v3  }
0x248: {  	v18 =	vld.idx.msk [tilespmem:v43+s21+$0x0], $0xffff;
	v9 =	vor.u32 v48, v9;
	[tilespmem:s16+$0xFFFFFE80] =	vst v15  }
0x249: {  	v2 =	vld.idx.msk [tilespmem:v2+s21+$0x0], $0xffff;
	[tilespmem:s12+$0xFFFFFFD0] =	vst v10  }
0x24a: {  	v5 =	vor.u32 v40, v24;
	v54 =	vld [tilespmem:$0x1FFD0]  }
0x24b: {  	v0 =	vor.u32 v40, v14;
	v16 =	vld.idx.msk [tilespmem:v46+s21+$0x0], $0xffff  }
0x24c: {  	v1 =	vld.idx.msk [tilespmem:v1+s21+$0x0], $0xffff;
	v3 =	vadd.f32 v4, v27;
	v15 =	vor.u32 v40, v34  }
0x24d: {  	v51 =	vor.u32 v40, v28;
	v4 =	vld.idx.msk [tilespmem:v9+s21+$0x0], $0xffff  }
0x24e: {  	v53 =	vor.u32 v40, v26;
	v52 =	vadd.f32 v18, v29;
	[tilespmem:s18+$0xFFFFFED0] =	vst v3  }
0x24f: {  	v33 =	vadd.f32 v50, v20;
	v2 =	vadd.f32 v2, v32;
	v5 =	vld.idx.msk [tilespmem:v5+s21+$0x0], $0xffff;
	v18 =	vor.u32 v54, v11  }
0x250: {  	v55 =	vadd.f32 v16, v30;
	v0 =	vld.idx.msk [tilespmem:v0+s21+$0x0], $0xffff;
	[tilespmem:s18+$0xFFFFFF50] =	vst v52;
	v3 =	vor.u32 v54, v21  }
0x251: {  	v1 =	vadd.f32 v1, v23;
	[tilespmem:s18+$0xFFFFFE50] =	vst v2;
	v2 =	vld.idx.msk [tilespmem:v15+s21+$0x0], $0xffff;
	v16 =	vor.u32 v54, v19  }
0x252: {  	[tilespmem:s18+$0xFFFFFFD0] =	vst v55;
	v4 =	vadd.f32 v4, v8;
	v19 =	vld.idx.msk [tilespmem:v51+s21+$0x0], $0xffff;
	v8 =	vor.u32 v54, v24  }
0x253: {  	[tilespmem:s12+$0xFFFFFE60] =	vst v33;
	v9 =	vld.idx.msk [tilespmem:v53+s21+$0x0], $0xffff;
	v15 =	vor.u32 v54, v14  }
0x254: {  	[tilespmem:s12+$0xFFFFFF60] =	vst v1;
	v5 =	vadd.f32 v5, v27;
	v56 =	vld.idx.msk [tilespmem:v18+s21+$0x0], $0xffff  }
0x255: {  	v0 =	vadd.f32 v0, v12;
	v1 =	vor.u32 v54, v34;
	[tilespmem:s16+$0x0] =	vst v4;
	v3 =	vld.idx.msk [tilespmem:v3+s21+$0x0], $0xffff  }
0x256: {  	v4 =	vor.u32 v54, v28;
	[tilespmem:s18+$0xFFFFFEE0] =	vst v5;
	v2 =	vadd.f32 v2, v29;
	v16 =	vld.idx.msk [tilespmem:v16+s21+$0x0], $0xffff  }
0x257: {  	[tilespmem:s12+$0xFFFFFFE0] =	vst v0;
	v0 =	vor.u32 v54, v26;
	v5 =	vadd.f32 v19, v32;
	v8 =	vld.idx.msk [tilespmem:v8+s21+$0x0], $0xffff  }
0x258: {  	v57 =	vor.u32 v48, v11;
	v15 =	vld.idx.msk [tilespmem:v15+s21+$0x0], $0xffff;
	[tilespmem:s18+$0xFFFFFF60] =	vst v2;
	v2 =	vadd.f32 v9, v30  }
0x259: {  	v18 =	vor.u32 v48, v21;
	[tilespmem:s18+$0xFFFFFE60] =	vst v5;
	v58 =	vadd.f32 v56, v13  }
0x25a: {  	v1 =	vld.idx.msk [tilespmem:v1+s21+$0x0], $0xffff;
	[tilespmem:s18+$0xFFFFFFE0] =	vst v2;
	v3 =	vadd.f32 v3, v23  }
0x25b: {  	v59 =	vor.u32 v48, v24;
	v4 =	vld.idx.msk [tilespmem:v4+s21+$0x0], $0xffff;
	v2 =	vadd.f32 v16, v20;
	[tilespmem:s12+$0xFFFFFEF0] =	vst v58  }
0x25c: {  	v5 =	vor.u32 v48, v14;
	v0 =	vld.idx.msk [tilespmem:v0+s21+$0x0], $0xffff;
	v8 =	vadd.f32 v8, v27;
	[tilespmem:s12+$0xFFFFFF70] =	vst v3  }
0x25d: {  	v61 =	vor.u32 v48, v34;
	v3 =	vadd.f32 v15, v12;
	[tilespmem:s12+$0xFFFFFE70] =	vst v2;
	v60 =	vld.idx.msk [tilespmem:v57+s21+$0x0], $0xffff  }
0x25e: {  	[tilespmem:s18+$0xFFFFFEF0] =	vst v8;
	v2 =	vld.idx.msk [tilespmem:v18+s21+$0x0], $0xffff  }
0x25f: {  	v1 =	vadd.f32 v1, v29;
	v62 =	vld.idx.msk [tilespmem:v22+s21+$0x0], $0xffff;
	[tilespmem:s12+$0xFFFFFFF0] =	vst v3;
	v3 =	vor.u32 v48, v26  }
0x260: {  	v4 =	vadd.f32 v4, v32;
	v8 =	vld.idx.msk [tilespmem:v59+s21+$0x0], $0xffff  }
0x261: {  	[tilespmem:s18+$0xFFFFFF70] =	vst v1;
	v0 =	vadd.f32 v0, v30;
	v5 =	vld.idx.msk [tilespmem:v5+s21+$0x0], $0xffff  }
0x262: {  	[tilespmem:s18+$0xFFFFFE70] =	vst v4;
	v4 =	vld.idx.msk [tilespmem:v61+s21+$0x0], $0xffff;
	v1 =	vadd.f32 v60, v13  }
0x263: {  	v63 =	vld.idx.msk [tilespmem:v25+s21+$0x0], $0xffff;
	[tilespmem:s18+$0xFFFFFFF0] =	vst v0  }
0x264: {  	v2 =	vadd.f32 v2, v23;
	[tilespmem:s12+$0xFFFFFF00] =	vst v1;
	v1 =	vld.idx.msk [tilespmem:v3+s21+$0x0], $0xffff  }
0x265: {  	v0 =	vadd.f32 v62, v20  }
0x266: {  	[tilespmem:s12+$0xFFFFFF80] =	vst v2;
	v2 =	vadd.f32 v5, v12  }
0x267: {  	s4 =	sadd.s32 $0x1, s4;
	[tilespmem:s12+$0xFFFFFE80] =	vst v0;
	v0 =	vadd.f32 v8, v27  }
0x268: {  	p0 =	sne.s32 s4, $0x19;
	[tilespmem:s12+$0x0] =	vst v2;
	v2 =	vadd.f32 v4, v29  }
.Ltmp2:
0x269: {  	s0 =	sshll.u32 s19, $0xD;
	[tilespmem:s18+$0xFFFFFF00] =	vst v0;
	v0 =	vadd.f32 v63, v32;
	v1 =	vadd.f32 v1, v30;
	(pc) =	sbr.rel @p0 .LBB2_2-.Ltmp2, $4  }
0x26a: {  	s8 =	sshll.u32 s9, $0x7;
	s0 =	sand.u32 $0x1FFFE000, s0;
	[tilespmem:s18+$0xFFFFFF80] =	vst v2  }
0x26b: {  	s29 =	simm.s32 $0xB900;
	s8 =	sand.u32 $0x380, s8;
	s0 =	sadd.s32 s2, s0;
	[tilespmem:s18+$0xFFFFFE80] =	vst v0  }
0x26c: {  	s7 =	sadd.s32 $0x2, s7;
	s10 =	sadd.s32 $0x2, s10;
	s0 =	sadd.s32 s8, s0;
	v5 =	vmov v7;
	[tilespmem:s18+$0x0] =	vst v1  }
0x26d: {  	v3 =	vmovc v54;
	v4 =	vmovc v48;
	v0 =	vmov v49;
	v2 =	vmov v40;
	[hbm4b:s0+s31] =	stream.strided.scatter [tilespmem:s29], [sflag:$0x4], $0x2000, s1, s31, $0x38;
	v1 =	vmov v39;
	[tilespmem:$0x10D00] =	vst v63  }
0x26e: {  	s0 =	simm.s32 $0x3  }
0x26f: {  	_ =	swait.ge [sflag:s0], $0x2000  }
0x270: {  	[sflag:s0] =	ssyncset.done $0x0  }
0x271: {  	s4 =	simm.s32 $0x4;
	[sflag:s0] =	ssyncadd.s32 $0xFFFFE000  }
0x272: {  	_ =	swait.ge [sflag:s4], $0x2000  }
0x273: {  	s7 =	rddreg [dreg:$0x8]  }
0x274: {  	s29 =	rddreg [dreg:$0x6];
	s7 =	sadd.s32 $0x1, s7  }
0x275: {  	p0 =	sne.s32 s7, s29  }
.Ltmp3:
0x276: {  	_ = 	snop;
	(pc) =	sbr.rel @p0 .LBB2_1-.Ltmp3, $3  }
0x277: {  	_ =	sdelay $0x1  }
0x278: {  	[sflag:s4] =	ssyncset.done $0x0  }
0x279: {  	[sflag:s4] =	ssyncadd.s32 $0xFFFFE000  }
0x27a: {  	_ =	sfence.sel $0x180000  }
0x27b: {  	[bflag:$0x0] =	sbarrier.arrive $0xFFFF  }
0x27c: {  	_ =	strace $0x90000047  }
0x27d: {  	s0 =	stileid.u32;
	[bflag:$0x2] =	sbarrier.arrive $0xFFFF  }
0x27e: {  	p0 =	sne.s32 s0, $0x0;
	s0 =	rddreg [dreg:$0x2]  }
0x27f: {  	s0 =	sadd.s32 @!p0 $0x100000, s0  }
0x280: {  	[sflag:s0] =	ssyncadd.tile.s32 @!p0 $0x1;
	_ =	shalt  }
.Lfunc_end2:
_tile_overlayer_lowered:
.L_overlay_start_2:
0x281: {  	(tag) =	ssettag $0x2  }
0x282: {  	s0 =	rddreg [dreg:$0x0];
	s2 =	stileid.u32  }
0x283: {  	s1 =	rddreg [dreg:$0x1];
	p0 =	sne.s32 s2, $0x0  }
0x284: {  	s3 =	rddreg [dreg:$0x2];
	[bflag:$0x3] =	sbarrier.arrive $0xFFFF;
	s2 =	simm.s32 @!p0 $0x1C05  }
0x285: {  	[timem:s3], [sflag:s2] =	dma.local @!p0 [hbm:s0], s1  }
0x286: {  	s0 =	simm.s32 @!p0 $0x5  }
0x287: {  	_ =	swait.ge @!p0 [sflag:s0], s1  }
0x288: {  	s1 =	ssub.s32 @!p0 $0x0, s1;
	[sflag:s0] =	ssyncset.done @!p0 $0x0  }
0x289: {  	[sflag:s0] =	ssyncadd.s32 @!p0 s1  }
0x28a: {  	[bflag:$0x3] =	sbarrier.arrive $0xFFFF  }
0x28b: {  	_ =	shalt  }

</sc_bundles>
